<compile_context>
chip_gen: v7x
topology: tpu7x:2x2x1
jax: 0.10.2.dev20260603
libtpu: 0.0.44.dev20260713+nightly
codegen_flags: <defaults>
</compile_context>

<pallas_src>
import functools

import jax
import jax.numpy as jnp
from jax import lax
from jax.experimental import pallas as pl
from jax.experimental.pallas import tpu as pltpu
from jax.experimental.pallas import tpu_sc as plsc

N = 8388608
K_SAMPLES = max(1, int(N * 0.2))
NB = 32768
NC, NS = 2, 16
NW = NC * NS
PER_W = N // NW
CHUNK = 16384
NCHUNK = PER_W // CHUNK
ROWS1, COLS1 = 8192, 1024
HR, HC = 256, 128


def _bce_body(x_ref, t_ref, o_ref):
    x = x_ref[...]
    t = t_ref[...]
    o_ref[...] = jnp.maximum(x, 0.0) - x * t + jnp.log1p(jnp.exp(-jnp.abs(x)))


def _bce(x2, t2):
    grid = 16
    rows = ROWS1 // grid
    return pl.pallas_call(
        _bce_body,
        grid=(grid,),
        in_specs=[pl.BlockSpec((rows, COLS1), lambda i: (i, 0))] * 2,
        out_specs=pl.BlockSpec((rows, COLS1), lambda i: (i, 0)),
        out_shape=jax.ShapeDtypeStruct((ROWS1, COLS1), jnp.float32),
    )(x2, t2)


def _hist_body(bce_hbm, cnt_hbm, sum_hbm, buf0, buf1, hc, hs, sem0, sem1):
    cid = lax.axis_index("c")
    sid = lax.axis_index("s")
    wid = sid * NC + cid
    base = wid * PER_W

    zeros16 = jnp.zeros((16,), jnp.float32)

    @pl.loop(0, NB // 16, unroll=4)
    def _zero(i):
        hc[pl.ds(i * 16, 16)] = zeros16
        hs[pl.ds(i * 16, 16)] = zeros16

    bufs = (buf0, buf1)
    sems = (sem0, sem1)
    ones16 = jnp.ones((16,), jnp.float32)

    descs = [None] * NCHUNK
    descs[0] = pltpu.async_copy(bce_hbm.at[pl.ds(base, CHUNK)], bufs[0], sems[0])
    for c in range(NCHUNK):
        if c + 1 < NCHUNK:
            descs[c + 1] = pltpu.async_copy(
                bce_hbm.at[pl.ds(base + (c + 1) * CHUNK, CHUNK)],
                bufs[(c + 1) % 2],
                sems[(c + 1) % 2],
            )
        descs[c].wait()
        buf = bufs[c % 2]

        @pl.loop(0, CHUNK // 16, unroll=4)
        def _proc(j):
            v = buf[pl.ds(j * 16, 16)]
            bits = lax.bitcast_convert_type(v, jnp.int32)
            idx = jnp.minimum(jnp.maximum(bits >> 16, 0), NB - 1)
            plsc.addupdate_scatter(hc, [idx], ones16)
            plsc.addupdate_scatter(hs, [idx], v)

    pltpu.sync_copy(hc, cnt_hbm.at[wid])
    pltpu.sync_copy(hs, sum_hbm.at[wid])


def _hist(bce_flat):
    f32 = jnp.float32
    return pl.kernel(
        _hist_body,
        out_type=(
            jax.ShapeDtypeStruct((NW, NB), f32),
            jax.ShapeDtypeStruct((NW, NB), f32),
        ),
        mesh=plsc.VectorSubcoreMesh(core_axis_name="c", subcore_axis_name="s"),
        compiler_params=pltpu.CompilerParams(needs_layout_passes=False),
        scratch_types=[
            pltpu.VMEM((CHUNK,), f32),
            pltpu.VMEM((CHUNK,), f32),
            pltpu.VMEM((NB,), f32),
            pltpu.VMEM((NB,), f32),
            pltpu.SemaphoreType.DMA,
            pltpu.SemaphoreType.DMA,
        ],
    )(bce_flat)


def _final_body(cnt_ref, sum_ref, o_ref):
    f32 = jnp.float32
    c = jnp.sum(cnt_ref[...], axis=0)
    s = jnp.sum(sum_ref[...], axis=0)

    a128 = lax.broadcasted_iota(jnp.int32, (HC, HC), 0)
    b128 = lax.broadcasted_iota(jnp.int32, (HC, HC), 1)
    m1 = (a128 >= b128).astype(f32)
    inrow = lax.dot(c, m1, precision=lax.Precision.HIGHEST,
                    preferred_element_type=f32)
    rs = jnp.sum(c, axis=1, keepdims=True)
    a256 = lax.broadcasted_iota(jnp.int32, (HR, HR), 0)
    b256 = lax.broadcasted_iota(jnp.int32, (HR, HR), 1)
    g = (b256 > a256).astype(f32)
    above = lax.dot(g, rs, precision=lax.Precision.HIGHEST,
                    preferred_element_type=f32)
    suffix = inrow + above

    kf = f32(K_SAMPLES)
    fidx = (
        lax.broadcasted_iota(jnp.int32, (HR, HC), 0) * HC
        + lax.broadcasted_iota(jnp.int32, (HR, HC), 1)
    )
    bstar = jnp.max(jnp.where(suffix >= kf, fidx, -1))
    onehot = (fidx == bstar).astype(f32)
    c_b = jnp.sum(onehot * c)
    s_b = jnp.sum(onehot * s)
    suf_b = jnp.sum(onehot * suffix)
    count_above = suf_b - c_b
    sum_above = jnp.sum(jnp.where(fidx > bstar, s, f32(0.0)))
    m = kf - count_above
    o_ref[0, 0] = (sum_above + m * (s_b / c_b)) / kf


def _finalize(cnt3, sum3):
    return pl.pallas_call(
        _final_body,
        out_shape=jax.ShapeDtypeStruct((1, 1), jnp.float32),
        out_specs=pl.BlockSpec(memory_space=pltpu.SMEM),
    )(cnt3, sum3)


@jax.jit
def kernel(logits, targets):
    x2 = logits.reshape(ROWS1, COLS1)
    t2 = targets.reshape(ROWS1, COLS1)
    bce = _bce(x2, t2)
    cnt, sm = _hist(bce.reshape(N))
    out = _finalize(cnt.reshape(NW, HR, HC), sm.reshape(NW, HR, HC))
    return out.reshape(())

# --- scband reference (transcript-rebuilt; emitter-appended) ---
"""Pipeline reference for scband-top-kbceloss-82325933129959 (READ-ONLY COPY).

The authoritative reference and input builder live on the scoring server;
editing this copy changes nothing except your own understanding.
"""

import jax, jax.numpy as jnp
import numpy as np

SHAPE = (32, 1, 512, 512)
K_FRAC = 0.2

def setup_inputs(seed: int = 0) -> dict:
    key = jax.random.key(seed)
    k1, k2 = jax.random.split(key)
    logits = jax.random.normal(k1, SHAPE, dtype=jnp.float32)
    targets = jax.random.uniform(k2, SHAPE, dtype=jnp.float32)
    return {"logits": logits, "targets": targets}

def reference(logits, targets):
    # binary_cross_entropy_with_logits, reduction='none'
    # stable formulation: max(x,0) - x*t + log(1+exp(-|x|))
    bce = jnp.maximum(logits, 0.0) - logits * targets + jnp.log1p(jnp.exp(-jnp.abs(logits)))
    flat = bce.reshape(-1)
    num_samples = flat.shape[0]
    k_samples = max(1, int(num_samples * K_FRAC))
    topk_losses, _ = jax.lax.top_k(flat, k_samples)
    return jnp.mean(topk_losses)

if __name__ == "__main__":
    import jax
    _d = setup_inputs()
    print(jax.jit(kernel)(*tuple(_d.values())))

</pallas_src>

<mosaic_0001>
#map = affine_map<(d0, d1) -> (0)>
#map1 = affine_map<(d0, d1) -> (0, 0)>
module attributes {stable_mosaic.version = 14 : i64} {
  func.func @_hist_body(%arg0: i32, %arg1: i32, %arg2: memref<8388608xf32, #tpu.memory_space<hbm>>, %arg3: memref<32x32768xf32, #tpu.memory_space<hbm>>, %arg4: memref<32x32768xf32, #tpu.memory_space<hbm>>, %arg5: memref<16384xf32, #tpu.memory_space<vmem>>, %arg6: memref<16384xf32, #tpu.memory_space<vmem>>, %arg7: memref<32768xf32, #tpu.memory_space<vmem>>, %arg8: memref<32768xf32, #tpu.memory_space<vmem>>, %arg9: memref<!tpu.dma_semaphore, #tpu.memory_space<semaphore_mem>>, %arg10: memref<!tpu.dma_semaphore, #tpu.memory_space<semaphore_mem>>) attributes {dimension_semantics = [#tpu.dimension_semantics<core_parallel>, #tpu.dimension_semantics<subcore_parallel>], iteration_bounds = array<i64: 2, 16>, scalar_prefetch = 0 : i64, scratch_operands = 6 : i64, tpu.core_type = #tpu.core_type<sc_vector_subcore>, window_params = [{transform_indices = #map}, {transform_indices = #map1}, {transform_indices = #map1}]} {
    %mul3A = arith.constant 2 : i32
    %mul3A_0 = arith.muli %arg1, %mul3A : i32
    %add3A = arith.addi %mul3A_0, %arg0 : i32
    %mul3A_1 = arith.constant 262144 : i32
    %mul3A_2 = arith.muli %add3A, %mul3A_1 : i32
    %broadcast_in_dim3A = arith.constant 0.000000e+00 : f32
    %broadcast_in_dim3A_3 = vector.broadcast %broadcast_in_dim3A : f32 to vector<16xf32>
    %scan3A = arith.constant 0 : i32
    %scan3A_4 = arith.constant 2048 : i32
    %scan3A_5 = arith.addi %scan3A, %scan3A_4 : i32
    %scan3A_6 = arith.constant 4 : i32
    scf.for %scan3A_182 = %scan3A to %scan3A_5 step %scan3A_6  : i32 {
      %mul3A_183 = arith.constant 1 : i32
      %mul3A_184 = arith.muli %scan3A_182, %mul3A_183 : i32
      %add3A_185 = arith.constant 0 : i32
      %add3A_186 = arith.addi %add3A_185, %mul3A_184 : i32
      %mul3A_187 = arith.constant 16 : i32
      %mul3A_188 = arith.muli %add3A_186, %mul3A_187 : i32
      %swap3A = arith.index_cast %mul3A_188 : i32 to index
      %swap3A_189 = tpu.vector_load %arg7[%swap3A] {strides = array<i32>} : memref<32768xf32, #tpu.memory_space<vmem>>, vector<16xf32>,
      tpu.vector_store %arg7[%swap3A], %broadcast_in_dim3A_3 {strides = array<i32>} : memref<32768xf32, #tpu.memory_space<vmem>>, vector<16xf32>,
      %mul3A_190 = arith.constant 16 : i32
      %mul3A_191 = arith.muli %add3A_186, %mul3A_190 : i32
      %swap3A_192 = arith.index_cast %mul3A_191 : i32 to index
      %swap3A_193 = tpu.vector_load %arg8[%swap3A_192] {strides = array<i32>} : memref<32768xf32, #tpu.memory_space<vmem>>, vector<16xf32>,
      tpu.vector_store %arg8[%swap3A_192], %broadcast_in_dim3A_3 {strides = array<i32>} : memref<32768xf32, #tpu.memory_space<vmem>>, vector<16xf32>,
      %scan3A_194 = arith.constant 1 : i32
      %scan3A_195 = arith.addi %scan3A_182, %scan3A_194 : i32
      %mul3A_196 = arith.constant 1 : i32
      %mul3A_197 = arith.muli %scan3A_195, %mul3A_196 : i32
      %add3A_198 = arith.constant 0 : i32
      %add3A_199 = arith.addi %add3A_198, %mul3A_197 : i32
      %mul3A_200 = arith.constant 16 : i32
      %mul3A_201 = arith.muli %add3A_199, %mul3A_200 : i32
      %swap3A_202 = arith.index_cast %mul3A_201 : i32 to index
      %swap3A_203 = tpu.vector_load %arg7[%swap3A_202] {strides = array<i32>} : memref<32768xf32, #tpu.memory_space<vmem>>, vector<16xf32>,
      tpu.vector_store %arg7[%swap3A_202], %broadcast_in_dim3A_3 {strides = array<i32>} : memref<32768xf32, #tpu.memory_space<vmem>>, vector<16xf32>,
      %mul3A_204 = arith.constant 16 : i32
      %mul3A_205 = arith.muli %add3A_199, %mul3A_204 : i32
      %swap3A_206 = arith.index_cast %mul3A_205 : i32 to index
      %swap3A_207 = tpu.vector_load %arg8[%swap3A_206] {strides = array<i32>} : memref<32768xf32, #tpu.memory_space<vmem>>, vector<16xf32>,
      tpu.vector_store %arg8[%swap3A_206], %broadcast_in_dim3A_3 {strides = array<i32>} : memref<32768xf32, #tpu.memory_space<vmem>>, vector<16xf32>,
      %scan3A_208 = arith.constant 2 : i32
      %scan3A_209 = arith.addi %scan3A_182, %scan3A_208 : i32
      %mul3A_210 = arith.constant 1 : i32
      %mul3A_211 = arith.muli %scan3A_209, %mul3A_210 : i32
      %add3A_212 = arith.constant 0 : i32
      %add3A_213 = arith.addi %add3A_212, %mul3A_211 : i32
      %mul3A_214 = arith.constant 16 : i32
      %mul3A_215 = arith.muli %add3A_213, %mul3A_214 : i32
      %swap3A_216 = arith.index_cast %mul3A_215 : i32 to index
      %swap3A_217 = tpu.vector_load %arg7[%swap3A_216] {strides = array<i32>} : memref<32768xf32, #tpu.memory_space<vmem>>, vector<16xf32>,
      tpu.vector_store %arg7[%swap3A_216], %broadcast_in_dim3A_3 {strides = array<i32>} : memref<32768xf32, #tpu.memory_space<vmem>>, vector<16xf32>,
      %mul3A_218 = arith.constant 16 : i32
      %mul3A_219 = arith.muli %add3A_213, %mul3A_218 : i32
      %swap3A_220 = arith.index_cast %mul3A_219 : i32 to index
      %swap3A_221 = tpu.vector_load %arg8[%swap3A_220] {strides = array<i32>} : memref<32768xf32, #tpu.memory_space<vmem>>, vector<16xf32>,
      tpu.vector_store %arg8[%swap3A_220], %broadcast_in_dim3A_3 {strides = array<i32>} : memref<32768xf32, #tpu.memory_space<vmem>>, vector<16xf32>,
      %scan3A_222 = arith.constant 3 : i32
      %scan3A_223 = arith.addi %scan3A_182, %scan3A_222 : i32
      %mul3A_224 = arith.constant 1 : i32
      %mul3A_225 = arith.muli %scan3A_223, %mul3A_224 : i32
      %add3A_226 = arith.constant 0 : i32
      %add3A_227 = arith.addi %add3A_226, %mul3A_225 : i32
      %mul3A_228 = arith.constant 16 : i32
      %mul3A_229 = arith.muli %add3A_227, %mul3A_228 : i32
      %swap3A_230 = arith.index_cast %mul3A_229 : i32 to index
      %swap3A_231 = tpu.vector_load %arg7[%swap3A_230] {strides = array<i32>} : memref<32768xf32, #tpu.memory_space<vmem>>, vector<16xf32>,
      tpu.vector_store %arg7[%swap3A_230], %broadcast_in_dim3A_3 {strides = array<i32>} : memref<32768xf32, #tpu.memory_space<vmem>>, vector<16xf32>,
      %mul3A_232 = arith.constant 16 : i32
      %mul3A_233 = arith.muli %add3A_227, %mul3A_232 : i32
      %swap3A_234 = arith.index_cast %mul3A_233 : i32 to index
      %swap3A_235 = tpu.vector_load %arg8[%swap3A_234] {strides = array<i32>} : memref<32768xf32, #tpu.memory_space<vmem>>, vector<16xf32>,
      tpu.vector_store %arg8[%swap3A_234], %broadcast_in_dim3A_3 {strides = array<i32>} : memref<32768xf32, #tpu.memory_space<vmem>>, vector<16xf32>,
    }
    %scan3A_7 = arith.constant 2048 : i32
    %broadcast_in_dim3A_8 = arith.constant 1.000000e+00 : f32
    %broadcast_in_dim3A_9 = vector.broadcast %broadcast_in_dim3A_8 : f32 to vector<16xf32>
    %dma_start3A = tpu.memref_slice %arg2[%mul3A_2] : memref<8388608xf32, #tpu.memory_space<hbm>> -> memref<16384xf32, #tpu.memory_space<hbm>>
    %dma_start3A_10 = tpu.memref_slice %arg2[%mul3A_2] : memref<8388608xf32, #tpu.memory_space<hbm>> -> memref<16384xf32, #tpu.memory_space<hbm>>
    tpu.enqueue_dma source(%dma_start3A_10 : memref<16384xf32, #tpu.memory_space<hbm>>) target(%arg5 : memref<16384xf32, #tpu.memory_space<vmem>>) target_semaphore(%arg9 : memref<!tpu.dma_semaphore, #tpu.memory_space<semaphore_mem>>)
    %add3A_11 = arith.constant 16384 : i32
    %add3A_12 = arith.addi %mul3A_2, %add3A_11 : i32
    %dma_start3A_13 = tpu.memref_slice %arg2[%add3A_12] : memref<8388608xf32, #tpu.memory_space<hbm>> -> memref<16384xf32, #tpu.memory_space<hbm>>
    %dma_start3A_14 = tpu.memref_slice %arg2[%add3A_12] : memref<8388608xf32, #tpu.memory_space<hbm>> -> memref<16384xf32, #tpu.memory_space<hbm>>
    tpu.enqueue_dma source(%dma_start3A_14 : memref<16384xf32, #tpu.memory_space<hbm>>) target(%arg6 : memref<16384xf32, #tpu.memory_space<vmem>>) target_semaphore(%arg10 : memref<!tpu.dma_semaphore, #tpu.memory_space<semaphore_mem>>)
    %dma_wait3A = tpu.memref_slice %arg2[%mul3A_2] : memref<8388608xf32, #tpu.memory_space<hbm>> -> memref<16384xf32, #tpu.memory_space<hbm>>
    %dma_wait3A_15 = tpu.memref_slice %arg2[%mul3A_2] : memref<8388608xf32, #tpu.memory_space<hbm>> -> memref<16384xf32, #tpu.memory_space<hbm>>
    tpu.wait_dma2 semaphore(%arg9 : memref<!tpu.dma_semaphore, #tpu.memory_space<semaphore_mem>>) src(%dma_wait3A_15 : memref<16384xf32, #tpu.memory_space<hbm>>) dst(%arg5 : memref<16384xf32, #tpu.memory_space<vmem>>)
    %scan3A_16 = arith.constant 0 : i32
    %scan3A_17 = arith.constant 1024 : i32
    %scan3A_18 = arith.addi %scan3A_16, %scan3A_17 : i32
    %scan3A_19 = arith.constant 4 : i32
    scf.for %scan3A_182 = %scan3A_16 to %scan3A_18 step %scan3A_19  : i32 {
      %mul3A_183 = arith.constant 1 : i32
      %mul3A_184 = arith.muli %scan3A_182, %mul3A_183 : i32
      %add3A_185 = arith.constant 0 : i32
      %add3A_186 = arith.addi %add3A_185, %mul3A_184 : i32
      %mul3A_187 = arith.constant 16 : i32
      %mul3A_188 = arith.muli %add3A_186, %mul3A_187 : i32
      %get3A = arith.index_cast %mul3A_188 : i32 to index
      %get3A_189 = tpu.vector_load %arg5[%get3A] {strides = array<i32>} : memref<16384xf32, #tpu.memory_space<vmem>>, vector<16xf32>,
      %bitcast_convert_type3A = tpu.bitcast %get3A_189 : vector<16xf32> -> vector<16xi32>
      %shift_right_arithmetic3A = arith.constant 16 : i32
      %shift_right_arithmetic3A_190 = vector.broadcast %shift_right_arithmetic3A : i32 to vector<16xi32>
      %shift_right_arithmetic3A_191 = arith.shrsi %bitcast_convert_type3A, %shift_right_arithmetic3A_190 : vector<16xi32>
      %max3A = arith.constant 0 : i32
      %max3A_192 = vector.broadcast %max3A : i32 to vector<16xi32>
      %max3A_193 = arith.maxsi %shift_right_arithmetic3A_191, %max3A_192 : vector<16xi32>
      %min3A = arith.constant 32767 : i32
      %min3A_194 = vector.broadcast %min3A : i32 to vector<16xi32>
      %min3A_195 = arith.minsi %max3A_193, %min3A_194 : vector<16xi32>
      tpu.vector_store_idx %arg7[%min3A_195], %broadcast_in_dim3A_9 {add = true} : memref<32768xf32, #tpu.memory_space<vmem>>[vector<16xi32>], vector<16xf32>,
      tpu.vector_store_idx %arg8[%min3A_195], %get3A_189 {add = true} : memref<32768xf32, #tpu.memory_space<vmem>>[vector<16xi32>], vector<16xf32>,
      %scan3A_196 = arith.constant 1 : i32
      %scan3A_197 = arith.addi %scan3A_182, %scan3A_196 : i32
      %mul3A_198 = arith.constant 1 : i32
      %mul3A_199 = arith.muli %scan3A_197, %mul3A_198 : i32
      %add3A_200 = arith.constant 0 : i32
      %add3A_201 = arith.addi %add3A_200, %mul3A_199 : i32
      %mul3A_202 = arith.constant 16 : i32
      %mul3A_203 = arith.muli %add3A_201, %mul3A_202 : i32
      %get3A_204 = arith.index_cast %mul3A_203 : i32 to index
      %get3A_205 = tpu.vector_load %arg5[%get3A_204] {strides = array<i32>} : memref<16384xf32, #tpu.memory_space<vmem>>, vector<16xf32>,
      %bitcast_convert_type3A_206 = tpu.bitcast %get3A_205 : vector<16xf32> -> vector<16xi32>
      %shift_right_arithmetic3A_207 = arith.constant 16 : i32
      %shift_right_arithmetic3A_208 = vector.broadcast %shift_right_arithmetic3A_207 : i32 to vector<16xi32>
      %shift_right_arithmetic3A_209 = arith.shrsi %bitcast_convert_type3A_206, %shift_right_arithmetic3A_208 : vector<16xi32>
      %max3A_210 = arith.constant 0 : i32
      %max3A_211 = vector.broadcast %max3A_210 : i32 to vector<16xi32>
      %max3A_212 = arith.maxsi %shift_right_arithmetic3A_209, %max3A_211 : vector<16xi32>
      %min3A_213 = arith.constant 32767 : i32
      %min3A_214 = vector.broadcast %min3A_213 : i32 to vector<16xi32>
      %min3A_215 = arith.minsi %max3A_212, %min3A_214 : vector<16xi32>
      tpu.vector_store_idx %arg7[%min3A_215], %broadcast_in_dim3A_9 {add = true} : memref<32768xf32, #tpu.memory_space<vmem>>[vector<16xi32>], vector<16xf32>,
      tpu.vector_store_idx %arg8[%min3A_215], %get3A_205 {add = true} : memref<32768xf32, #tpu.memory_space<vmem>>[vector<16xi32>], vector<16xf32>,
      %scan3A_216 = arith.constant 2 : i32
      %scan3A_217 = arith.addi %scan3A_182, %scan3A_216 : i32
      %mul3A_218 = arith.constant 1 : i32
      %mul3A_219 = arith.muli %scan3A_217, %mul3A_218 : i32
      %add3A_220 = arith.constant 0 : i32
      %add3A_221 = arith.addi %add3A_220, %mul3A_219 : i32
      %mul3A_222 = arith.constant 16 : i32
      %mul3A_223 = arith.muli %add3A_221, %mul3A_222 : i32
      %get3A_224 = arith.index_cast %mul3A_223 : i32 to index
      %get3A_225 = tpu.vector_load %arg5[%get3A_224] {strides = array<i32>} : memref<16384xf32, #tpu.memory_space<vmem>>, vector<16xf32>,
      %bitcast_convert_type3A_226 = tpu.bitcast %get3A_225 : vector<16xf32> -> vector<16xi32>
      %shift_right_arithmetic3A_227 = arith.constant 16 : i32
      %shift_right_arithmetic3A_228 = vector.broadcast %shift_right_arithmetic3A_227 : i32 to vector<16xi32>
      %shift_right_arithmetic3A_229 = arith.shrsi %bitcast_convert_type3A_226, %shift_right_arithmetic3A_228 : vector<16xi32>
      %max3A_230 = arith.constant 0 : i32
      %max3A_231 = vector.broadcast %max3A_230 : i32 to vector<16xi32>
      %max3A_232 = arith.maxsi %shift_right_arithmetic3A_229, %max3A_231 : vector<16xi32>
      %min3A_233 = arith.constant 32767 : i32
      %min3A_234 = vector.broadcast %min3A_233 : i32 to vector<16xi32>
      %min3A_235 = arith.minsi %max3A_232, %min3A_234 : vector<16xi32>
      tpu.vector_store_idx %arg7[%min3A_235], %broadcast_in_dim3A_9 {add = true} : memref<32768xf32, #tpu.memory_space<vmem>>[vector<16xi32>], vector<16xf32>,
      tpu.vector_store_idx %arg8[%min3A_235], %get3A_225 {add = true} : memref<32768xf32, #tpu.memory_space<vmem>>[vector<16xi32>], vector<16xf32>,
      %scan3A_236 = arith.constant 3 : i32
      %scan3A_237 = arith.addi %scan3A_182, %scan3A_236 : i32
      %mul3A_238 = arith.constant 1 : i32
      %mul3A_239 = arith.muli %scan3A_237, %mul3A_238 : i32
      %add3A_240 = arith.constant 0 : i32
      %add3A_241 = arith.addi %add3A_240, %mul3A_239 : i32
      %mul3A_242 = arith.constant 16 : i32
      %mul3A_243 = arith.muli %add3A_241, %mul3A_242 : i32
      %get3A_244 = arith.index_cast %mul3A_243 : i32 to index
      %get3A_245 = tpu.vector_load %arg5[%get3A_244] {strides = array<i32>} : memref<16384xf32, #tpu.memory_space<vmem>>, vector<16xf32>,
      %bitcast_convert_type3A_246 = tpu.bitcast %get3A_245 : vector<16xf32> -> vector<16xi32>
      %shift_right_arithmetic3A_247 = arith.constant 16 : i32
      %shift_right_arithmetic3A_248 = vector.broadcast %shift_right_arithmetic3A_247 : i32 to vector<16xi32>
      %shift_right_arithmetic3A_249 = arith.shrsi %bitcast_convert_type3A_246, %shift_right_arithmetic3A_248 : vector<16xi32>
      %max3A_250 = arith.constant 0 : i32
      %max3A_251 = vector.broadcast %max3A_250 : i32 to vector<16xi32>
      %max3A_252 = arith.maxsi %shift_right_arithmetic3A_249, %max3A_251 : vector<16xi32>
      %min3A_253 = arith.constant 32767 : i32
      %min3A_254 = vector.broadcast %min3A_253 : i32 to vector<16xi32>
      %min3A_255 = arith.minsi %max3A_252, %min3A_254 : vector<16xi32>
      tpu.vector_store_idx %arg7[%min3A_255], %broadcast_in_dim3A_9 {add = true} : memref<32768xf32, #tpu.memory_space<vmem>>[vector<16xi32>], vector<16xf32>,
      tpu.vector_store_idx %arg8[%min3A_255], %get3A_245 {add = true} : memref<32768xf32, #tpu.memory_space<vmem>>[vector<16xi32>], vector<16xf32>,
    }
    %scan3A_20 = arith.constant 1024 : i32
    %add3A_21 = arith.constant 32768 : i32
    %add3A_22 = arith.addi %mul3A_2, %add3A_21 : i32
    %dma_start3A_23 = tpu.memref_slice %arg2[%add3A_22] : memref<8388608xf32, #tpu.memory_space<hbm>> -> memref<16384xf32, #tpu.memory_space<hbm>>
    %dma_start3A_24 = tpu.memref_slice %arg2[%add3A_22] : memref<8388608xf32, #tpu.memory_space<hbm>> -> memref<16384xf32, #tpu.memory_space<hbm>>
    tpu.enqueue_dma source(%dma_start3A_24 : memref<16384xf32, #tpu.memory_space<hbm>>) target(%arg5 : memref<16384xf32, #tpu.memory_space<vmem>>) target_semaphore(%arg9 : memref<!tpu.dma_semaphore, #tpu.memory_space<semaphore_mem>>)
    %dma_wait3A_25 = tpu.memref_slice %arg2[%add3A_12] : memref<8388608xf32, #tpu.memory_space<hbm>> -> memref<16384xf32, #tpu.memory_space<hbm>>
    %dma_wait3A_26 = tpu.memref_slice %arg2[%add3A_12] : memref<8388608xf32, #tpu.memory_space<hbm>> -> memref<16384xf32, #tpu.memory_space<hbm>>
    tpu.wait_dma2 semaphore(%arg10 : memref<!tpu.dma_semaphore, #tpu.memory_space<semaphore_mem>>) src(%dma_wait3A_26 : memref<16384xf32, #tpu.memory_space<hbm>>) dst(%arg6 : memref<16384xf32, #tpu.memory_space<vmem>>)
    %scan3A_27 = arith.constant 0 : i32
    %scan3A_28 = arith.constant 1024 : i32
    %scan3A_29 = arith.addi %scan3A_27, %scan3A_28 : i32
    %scan3A_30 = arith.constant 4 : i32
    scf.for %scan3A_182 = %scan3A_27 to %scan3A_29 step %scan3A_30  : i32 {
      %mul3A_183 = arith.constant 1 : i32
      %mul3A_184 = arith.muli %scan3A_182, %mul3A_183 : i32
      %add3A_185 = arith.constant 0 : i32
      %add3A_186 = arith.addi %add3A_185, %mul3A_184 : i32
      %mul3A_187 = arith.constant 16 : i32
      %mul3A_188 = arith.muli %add3A_186, %mul3A_187 : i32
      %get3A = arith.index_cast %mul3A_188 : i32 to index
      %get3A_189 = tpu.vector_load %arg6[%get3A] {strides = array<i32>} : memref<16384xf32, #tpu.memory_space<vmem>>, vector<16xf32>,
      %bitcast_convert_type3A = tpu.bitcast %get3A_189 : vector<16xf32> -> vector<16xi32>
      %shift_right_arithmetic3A = arith.constant 16 : i32
      %shift_right_arithmetic3A_190 = vector.broadcast %shift_right_arithmetic3A : i32 to vector<16xi32>
      %shift_right_arithmetic3A_191 = arith.shrsi %bitcast_convert_type3A, %shift_right_arithmetic3A_190 : vector<16xi32>
      %max3A = arith.constant 0 : i32
      %max3A_192 = vector.broadcast %max3A : i32 to vector<16xi32>
      %max3A_193 = arith.maxsi %shift_right_arithmetic3A_191, %max3A_192 : vector<16xi32>
      %min3A = arith.constant 32767 : i32
      %min3A_194 = vector.broadcast %min3A : i32 to vector<16xi32>
      %min3A_195 = arith.minsi %max3A_193, %min3A_194 : vector<16xi32>
      tpu.vector_store_idx %arg7[%min3A_195], %broadcast_in_dim3A_9 {add = true} : memref<32768xf32, #tpu.memory_space<vmem>>[vector<16xi32>], vector<16xf32>,
      tpu.vector_store_idx %arg8[%min3A_195], %get3A_189 {add = true} : memref<32768xf32, #tpu.memory_space<vmem>>[vector<16xi32>], vector<16xf32>,
      %scan3A_196 = arith.constant 1 : i32
      %scan3A_197 = arith.addi %scan3A_182, %scan3A_196 : i32
      %mul3A_198 = arith.constant 1 : i32
      %mul3A_199 = arith.muli %scan3A_197, %mul3A_198 : i32
      %add3A_200 = arith.constant 0 : i32
      %add3A_201 = arith.addi %add3A_200, %mul3A_199 : i32
      %mul3A_202 = arith.constant 16 : i32
      %mul3A_203 = arith.muli %add3A_201, %mul3A_202 : i32
      %get3A_204 = arith.index_cast %mul3A_203 : i32 to index
      %get3A_205 = tpu.vector_load %arg6[%get3A_204] {strides = array<i32>} : memref<16384xf32, #tpu.memory_space<vmem>>, vector<16xf32>,
      %bitcast_convert_type3A_206 = tpu.bitcast %get3A_205 : vector<16xf32> -> vector<16xi32>
      %shift_right_arithmetic3A_207 = arith.constant 16 : i32
      %shift_right_arithmetic3A_208 = vector.broadcast %shift_right_arithmetic3A_207 : i32 to vector<16xi32>
      %shift_right_arithmetic3A_209 = arith.shrsi %bitcast_convert_type3A_206, %shift_right_arithmetic3A_208 : vector<16xi32>
      %max3A_210 = arith.constant 0 : i32
      %max3A_211 = vector.broadcast %max3A_210 : i32 to vector<16xi32>
      %max3A_212 = arith.maxsi %shift_right_arithmetic3A_209, %max3A_211 : vector<16xi32>
      %min3A_213 = arith.constant 32767 : i32
      %min3A_214 = vector.broadcast %min3A_213 : i32 to vector<16xi32>
      %min3A_215 = arith.minsi %max3A_212, %min3A_214 : vector<16xi32>
      tpu.vector_store_idx %arg7[%min3A_215], %broadcast_in_dim3A_9 {add = true} : memref<32768xf32, #tpu.memory_space<vmem>>[vector<16xi32>], vector<16xf32>,
      tpu.vector_store_idx %arg8[%min3A_215], %get3A_205 {add = true} : memref<32768xf32, #tpu.memory_space<vmem>>[vector<16xi32>], vector<16xf32>,
      %scan3A_216 = arith.constant 2 : i32
      %scan3A_217 = arith.addi %scan3A_182, %scan3A_216 : i32
      %mul3A_218 = arith.constant 1 : i32
      %mul3A_219 = arith.muli %scan3A_217, %mul3A_218 : i32
      %add3A_220 = arith.constant 0 : i32
      %add3A_221 = arith.addi %add3A_220, %mul3A_219 : i32
      %mul3A_222 = arith.constant 16 : i32
      %mul3A_223 = arith.muli %add3A_221, %mul3A_222 : i32
      %get3A_224 = arith.index_cast %mul3A_223 : i32 to index
      %get3A_225 = tpu.vector_load %arg6[%get3A_224] {strides = array<i32>} : memref<16384xf32, #tpu.memory_space<vmem>>, vector<16xf32>,
      %bitcast_convert_type3A_226 = tpu.bitcast %get3A_225 : vector<16xf32> -> vector<16xi32>
      %shift_right_arithmetic3A_227 = arith.constant 16 : i32
      %shift_right_arithmetic3A_228 = vector.broadcast %shift_right_arithmetic3A_227 : i32 to vector<16xi32>
      %shift_right_arithmetic3A_229 = arith.shrsi %bitcast_convert_type3A_226, %shift_right_arithmetic3A_228 : vector<16xi32>
      %max3A_230 = arith.constant 0 : i32
      %max3A_231 = vector.broadcast %max3A_230 : i32 to vector<16xi32>
      %max3A_232 = arith.maxsi %shift_right_arithmetic3A_229, %max3A_231 : vector<16xi32>
      %min3A_233 = arith.constant 32767 : i32
      %min3A_234 = vector.broadcast %min3A_233 : i32 to vector<16xi32>
      %min3A_235 = arith.minsi %max3A_232, %min3A_234 : vector<16xi32>
      tpu.vector_store_idx %arg7[%min3A_235], %broadcast_in_dim3A_9 {add = true} : memref<32768xf32, #tpu.memory_space<vmem>>[vector<16xi32>], vector<16xf32>,
      tpu.vector_store_idx %arg8[%min3A_235], %get3A_225 {add = true} : memref<32768xf32, #tpu.memory_space<vmem>>[vector<16xi32>], vector<16xf32>,
      %scan3A_236 = arith.constant 3 : i32
      %scan3A_237 = arith.addi %scan3A_182, %scan3A_236 : i32
      %mul3A_238 = arith.constant 1 : i32
      %mul3A_239 = arith.muli %scan3A_237, %mul3A_238 : i32
      %add3A_240 = arith.constant 0 : i32
      %add3A_241 = arith.addi %add3A_240, %mul3A_239 : i32
      %mul3A_242 = arith.constant 16 : i32
      %mul3A_243 = arith.muli %add3A_241, %mul3A_242 : i32
      %get3A_244 = arith.index_cast %mul3A_243 : i32 to index
      %get3A_245 = tpu.vector_load %arg6[%get3A_244] {strides = array<i32>} : memref<16384xf32, #tpu.memory_space<vmem>>, vector<16xf32>,
      %bitcast_convert_type3A_246 = tpu.bitcast %get3A_245 : vector<16xf32> -> vector<16xi32>
      %shift_right_arithmetic3A_247 = arith.constant 16 : i32
      %shift_right_arithmetic3A_248 = vector.broadcast %shift_right_arithmetic3A_247 : i32 to vector<16xi32>
      %shift_right_arithmetic3A_249 = arith.shrsi %bitcast_convert_type3A_246, %shift_right_arithmetic3A_248 : vector<16xi32>
      %max3A_250 = arith.constant 0 : i32
      %max3A_251 = vector.broadcast %max3A_250 : i32 to vector<16xi32>
      %max3A_252 = arith.maxsi %shift_right_arithmetic3A_249, %max3A_251 : vector<16xi32>
      %min3A_253 = arith.constant 32767 : i32
      %min3A_254 = vector.broadcast %min3A_253 : i32 to vector<16xi32>
      %min3A_255 = arith.minsi %max3A_252, %min3A_254 : vector<16xi32>
      tpu.vector_store_idx %arg7[%min3A_255], %broadcast_in_dim3A_9 {add = true} : memref<32768xf32, #tpu.memory_space<vmem>>[vector<16xi32>], vector<16xf32>,
      tpu.vector_store_idx %arg8[%min3A_255], %get3A_245 {add = true} : memref<32768xf32, #tpu.memory_space<vmem>>[vector<16xi32>], vector<16xf32>,
    }
    %scan3A_31 = arith.constant 1024 : i32
    %add3A_32 = arith.constant 49152 : i32
    %add3A_33 = arith.addi %mul3A_2, %add3A_32 : i32
    %dma_start3A_34 = tpu.memref_slice %arg2[%add3A_33] : memref<8388608xf32, #tpu.memory_space<hbm>> -> memref<16384xf32, #tpu.memory_space<hbm>>
    %dma_start3A_35 = tpu.memref_slice %arg2[%add3A_33] : memref<8388608xf32, #tpu.memory_space<hbm>> -> memref<16384xf32, #tpu.memory_space<hbm>>
    tpu.enqueue_dma source(%dma_start3A_35 : memref<16384xf32, #tpu.memory_space<hbm>>) target(%arg6 : memref<16384xf32, #tpu.memory_space<vmem>>) target_semaphore(%arg10 : memref<!tpu.dma_semaphore, #tpu.memory_space<semaphore_mem>>)
    %dma_wait3A_36 = tpu.memref_slice %arg2[%add3A_22] : memref<8388608xf32, #tpu.memory_space<hbm>> -> memref<16384xf32, #tpu.memory_space<hbm>>
    %dma_wait3A_37 = tpu.memref_slice %arg2[%add3A_22] : memref<8388608xf32, #tpu.memory_space<hbm>> -> memref<16384xf32, #tpu.memory_space<hbm>>
    tpu.wait_dma2 semaphore(%arg9 : memref<!tpu.dma_semaphore, #tpu.memory_space<semaphore_mem>>) src(%dma_wait3A_37 : memref<16384xf32, #tpu.memory_space<hbm>>) dst(%arg5 : memref<16384xf32, #tpu.memory_space<vmem>>)
    %scan3A_38 = arith.constant 0 : i32
    %scan3A_39 = arith.constant 1024 : i32
    %scan3A_40 = arith.addi %scan3A_38, %scan3A_39 : i32
    %scan3A_41 = arith.constant 4 : i32
    scf.for %scan3A_182 = %scan3A_38 to %scan3A_40 step %scan3A_41  : i32 {
      %mul3A_183 = arith.constant 1 : i32
      %mul3A_184 = arith.muli %scan3A_182, %mul3A_183 : i32
      %add3A_185 = arith.constant 0 : i32
      %add3A_186 = arith.addi %add3A_185, %mul3A_184 : i32
      %mul3A_187 = arith.constant 16 : i32
      %mul3A_188 = arith.muli %add3A_186, %mul3A_187 : i32
      %get3A = arith.index_cast %mul3A_188 : i32 to index
      %get3A_189 = tpu.vector_load %arg5[%get3A] {strides = array<i32>} : memref<16384xf32, #tpu.memory_space<vmem>>, vector<16xf32>,
      %bitcast_convert_type3A = tpu.bitcast %get3A_189 : vector<16xf32> -> vector<16xi32>
      %shift_right_arithmetic3A = arith.constant 16 : i32
      %shift_right_arithmetic3A_190 = vector.broadcast %shift_right_arithmetic3A : i32 to vector<16xi32>
      %shift_right_arithmetic3A_191 = arith.shrsi %bitcast_convert_type3A, %shift_right_arithmetic3A_190 : vector<16xi32>
      %max3A = arith.constant 0 : i32
      %max3A_192 = vector.broadcast %max3A : i32 to vector<16xi32>
      %max3A_193 = arith.maxsi %shift_right_arithmetic3A_191, %max3A_192 : vector<16xi32>
      %min3A = arith.constant 32767 : i32
      %min3A_194 = vector.broadcast %min3A : i32 to vector<16xi32>
      %min3A_195 = arith.minsi %max3A_193, %min3A_194 : vector<16xi32>
      tpu.vector_store_idx %arg7[%min3A_195], %broadcast_in_dim3A_9 {add = true} : memref<32768xf32, #tpu.memory_space<vmem>>[vector<16xi32>], vector<16xf32>,
      tpu.vector_store_idx %arg8[%min3A_195], %get3A_189 {add = true} : memref<32768xf32, #tpu.memory_space<vmem>>[vector<16xi32>], vector<16xf32>,
      %scan3A_196 = arith.constant 1 : i32
      %scan3A_197 = arith.addi %scan3A_182, %scan3A_196 : i32
      %mul3A_198 = arith.constant 1 : i32
      %mul3A_199 = arith.muli %scan3A_197, %mul3A_198 : i32
      %add3A_200 = arith.constant 0 : i32
      %add3A_201 = arith.addi %add3A_200, %mul3A_199 : i32
      %mul3A_202 = arith.constant 16 : i32
      %mul3A_203 = arith.muli %add3A_201, %mul3A_202 : i32
      %get3A_204 = arith.index_cast %mul3A_203 : i32 to index
      %get3A_205 = tpu.vector_load %arg5[%get3A_204] {strides = array<i32>} : memref<16384xf32, #tpu.memory_space<vmem>>, vector<16xf32>,
      %bitcast_convert_type3A_206 = tpu.bitcast %get3A_205 : vector<16xf32> -> vector<16xi32>
      %shift_right_arithmetic3A_207 = arith.constant 16 : i32
      %shift_right_arithmetic3A_208 = vector.broadcast %shift_right_arithmetic3A_207 : i32 to vector<16xi32>
      %shift_right_arithmetic3A_209 = arith.shrsi %bitcast_convert_type3A_206, %shift_right_arithmetic3A_208 : vector<16xi32>
      %max3A_210 = arith.constant 0 : i32
      %max3A_211 = vector.broadcast %max3A_210 : i32 to vector<16xi32>
      %max3A_212 = arith.maxsi %shift_right_arithmetic3A_209, %max3A_211 : vector<16xi32>
      %min3A_213 = arith.constant 32767 : i32
      %min3A_214 = vector.broadcast %min3A_213 : i32 to vector<16xi32>
      %min3A_215 = arith.minsi %max3A_212, %min3A_214 : vector<16xi32>
      tpu.vector_store_idx %arg7[%min3A_215], %broadcast_in_dim3A_9 {add = true} : memref<32768xf32, #tpu.memory_space<vmem>>[vector<16xi32>], vector<16xf32>,
      tpu.vector_store_idx %arg8[%min3A_215], %get3A_205 {add = true} : memref<32768xf32, #tpu.memory_space<vmem>>[vector<16xi32>], vector<16xf32>,
      %scan3A_216 = arith.constant 2 : i32
      %scan3A_217 = arith.addi %scan3A_182, %scan3A_216 : i32
      %mul3A_218 = arith.constant 1 : i32
      %mul3A_219 = arith.muli %scan3A_217, %mul3A_218 : i32
      %add3A_220 = arith.constant 0 : i32
      %add3A_221 = arith.addi %add3A_220, %mul3A_219 : i32
      %mul3A_222 = arith.constant 16 : i32
      %mul3A_223 = arith.muli %add3A_221, %mul3A_222 : i32
      %get3A_224 = arith.index_cast %mul3A_223 : i32 to index
      %get3A_225 = tpu.vector_load %arg5[%get3A_224] {strides = array<i32>} : memref<16384xf32, #tpu.memory_space<vmem>>, vector<16xf32>,
      %bitcast_convert_type3A_226 = tpu.bitcast %get3A_225 : vector<16xf32> -> vector<16xi32>
      %shift_right_arithmetic3A_227 = arith.constant 16 : i32
      %shift_right_arithmetic3A_228 = vector.broadcast %shift_right_arithmetic3A_227 : i32 to vector<16xi32>
      %shift_right_arithmetic3A_229 = arith.shrsi %bitcast_convert_type3A_226, %shift_right_arithmetic3A_228 : vector<16xi32>
      %max3A_230 = arith.constant 0 : i32
      %max3A_231 = vector.broadcast %max3A_230 : i32 to vector<16xi32>
      %max3A_232 = arith.maxsi %shift_right_arithmetic3A_229, %max3A_231 : vector<16xi32>
      %min3A_233 = arith.constant 32767 : i32
      %min3A_234 = vector.broadcast %min3A_233 : i32 to vector<16xi32>
      %min3A_235 = arith.minsi %max3A_232, %min3A_234 : vector<16xi32>
      tpu.vector_store_idx %arg7[%min3A_235], %broadcast_in_dim3A_9 {add = true} : memref<32768xf32, #tpu.memory_space<vmem>>[vector<16xi32>], vector<16xf32>,
      tpu.vector_store_idx %arg8[%min3A_235], %get3A_225 {add = true} : memref<32768xf32, #tpu.memory_space<vmem>>[vector<16xi32>], vector<16xf32>,
      %scan3A_236 = arith.constant 3 : i32
      %scan3A_237 = arith.addi %scan3A_182, %scan3A_236 : i32
      %mul3A_238 = arith.constant 1 : i32
      %mul3A_239 = arith.muli %scan3A_237, %mul3A_238 : i32
      %add3A_240 = arith.constant 0 : i32
      %add3A_241 = arith.addi %add3A_240, %mul3A_239 : i32
      %mul3A_242 = arith.constant 16 : i32
      %mul3A_243 = arith.muli %add3A_241, %mul3A_242 : i32
      %get3A_244 = arith.index_cast %mul3A_243 : i32 to index
      %get3A_245 = tpu.vector_load %arg5[%get3A_244] {strides = array<i32>} : memref<16384xf32, #tpu.memory_space<vmem>>, vector<16xf32>,
      %bitcast_convert_type3A_246 = tpu.bitcast %get3A_245 : vector<16xf32> -> vector<16xi32>
      %shift_right_arithmetic3A_247 = arith.constant 16 : i32
      %shift_right_arithmetic3A_248 = vector.broadcast %shift_right_arithmetic3A_247 : i32 to vector<16xi32>
      %shift_right_arithmetic3A_249 = arith.shrsi %bitcast_convert_type3A_246, %shift_right_arithmetic3A_248 : vector<16xi32>
      %max3A_250 = arith.constant 0 : i32
      %max3A_251 = vector.broadcast %max3A_250 : i32 to vector<16xi32>
      %max3A_252 = arith.maxsi %shift_right_arithmetic3A_249, %max3A_251 : vector<16xi32>
      %min3A_253 = arith.constant 32767 : i32
      %min3A_254 = vector.broadcast %min3A_253 : i32 to vector<16xi32>
      %min3A_255 = arith.minsi %max3A_252, %min3A_254 : vector<16xi32>
      tpu.vector_store_idx %arg7[%min3A_255], %broadcast_in_dim3A_9 {add = true} : memref<32768xf32, #tpu.memory_space<vmem>>[vector<16xi32>], vector<16xf32>,
      tpu.vector_store_idx %arg8[%min3A_255], %get3A_245 {add = true} : memref<32768xf32, #tpu.memory_space<vmem>>[vector<16xi32>], vector<16xf32>,
    }
    %scan3A_42 = arith.constant 1024 : i32
    %add3A_43 = arith.constant 65536 : i32
    %add3A_44 = arith.addi %mul3A_2, %add3A_43 : i32
    %dma_start3A_45 = tpu.memref_slice %arg2[%add3A_44] : memref<8388608xf32, #tpu.memory_space<hbm>> -> memref<16384xf32, #tpu.memory_space<hbm>>
    %dma_start3A_46 = tpu.memref_slice %arg2[%add3A_44] : memref<8388608xf32, #tpu.memory_space<hbm>> -> memref<16384xf32, #tpu.memory_space<hbm>>
    tpu.enqueue_dma source(%dma_start3A_46 : memref<16384xf32, #tpu.memory_space<hbm>>) target(%arg5 : memref<16384xf32, #tpu.memory_space<vmem>>) target_semaphore(%arg9 : memref<!tpu.dma_semaphore, #tpu.memory_space<semaphore_mem>>)
    %dma_wait3A_47 = tpu.memref_slice %arg2[%add3A_33] : memref<8388608xf32, #tpu.memory_space<hbm>> -> memref<16384xf32, #tpu.memory_space<hbm>>
    %dma_wait3A_48 = tpu.memref_slice %arg2[%add3A_33] : memref<8388608xf32, #tpu.memory_space<hbm>> -> memref<16384xf32, #tpu.memory_space<hbm>>
    tpu.wait_dma2 semaphore(%arg10 : memref<!tpu.dma_semaphore, #tpu.memory_space<semaphore_mem>>) src(%dma_wait3A_48 : memref<16384xf32, #tpu.memory_space<hbm>>) dst(%arg6 : memref<16384xf32, #tpu.memory_space<vmem>>)
    %scan3A_49 = arith.constant 0 : i32
    %scan3A_50 = arith.constant 1024 : i32
    %scan3A_51 = arith.addi %scan3A_49, %scan3A_50 : i32
    %scan3A_52 = arith.constant 4 : i32
    scf.for %scan3A_182 = %scan3A_49 to %scan3A_51 step %scan3A_52  : i32 {
      %mul3A_183 = arith.constant 1 : i32
      %mul3A_184 = arith.muli %scan3A_182, %mul3A_183 : i32
      %add3A_185 = arith.constant 0 : i32
      %add3A_186 = arith.addi %add3A_185, %mul3A_184 : i32
      %mul3A_187 = arith.constant 16 : i32
      %mul3A_188 = arith.muli %add3A_186, %mul3A_187 : i32
      %get3A = arith.index_cast %mul3A_188 : i32 to index
      %get3A_189 = tpu.vector_load %arg6[%get3A] {strides = array<i32>} : memref<16384xf32, #tpu.memory_space<vmem>>, vector<16xf32>,
      %bitcast_convert_type3A = tpu.bitcast %get3A_189 : vector<16xf32> -> vector<16xi32>
      %shift_right_arithmetic3A = arith.constant 16 : i32
      %shift_right_arithmetic3A_190 = vector.broadcast %shift_right_arithmetic3A : i32 to vector<16xi32>
      %shift_right_arithmetic3A_191 = arith.shrsi %bitcast_convert_type3A, %shift_right_arithmetic3A_190 : vector<16xi32>
      %max3A = arith.constant 0 : i32
      %max3A_192 = vector.broadcast %max3A : i32 to vector<16xi32>
      %max3A_193 = arith.maxsi %shift_right_arithmetic3A_191, %max3A_192 : vector<16xi32>
      %min3A = arith.constant 32767 : i32
      %min3A_194 = vector.broadcast %min3A : i32 to vector<16xi32>
      %min3A_195 = arith.minsi %max3A_193, %min3A_194 : vector<16xi32>
      tpu.vector_store_idx %arg7[%min3A_195], %broadcast_in_dim3A_9 {add = true} : memref<32768xf32, #tpu.memory_space<vmem>>[vector<16xi32>], vector<16xf32>,
      tpu.vector_store_idx %arg8[%min3A_195], %get3A_189 {add = true} : memref<32768xf32, #tpu.memory_space<vmem>>[vector<16xi32>], vector<16xf32>,
      %scan3A_196 = arith.constant 1 : i32
      %scan3A_197 = arith.addi %scan3A_182, %scan3A_196 : i32
      %mul3A_198 = arith.constant 1 : i32
      %mul3A_199 = arith.muli %scan3A_197, %mul3A_198 : i32
      %add3A_200 = arith.constant 0 : i32
      %add3A_201 = arith.addi %add3A_200, %mul3A_199 : i32
      %mul3A_202 = arith.constant 16 : i32
      %mul3A_203 = arith.muli %add3A_201, %mul3A_202 : i32
      %get3A_204 = arith.index_cast %mul3A_203 : i32 to index
      %get3A_205 = tpu.vector_load %arg6[%get3A_204] {strides = array<i32>} : memref<16384xf32, #tpu.memory_space<vmem>>, vector<16xf32>,
      %bitcast_convert_type3A_206 = tpu.bitcast %get3A_205 : vector<16xf32> -> vector<16xi32>
      %shift_right_arithmetic3A_207 = arith.constant 16 : i32
      %shift_right_arithmetic3A_208 = vector.broadcast %shift_right_arithmetic3A_207 : i32 to vector<16xi32>
      %shift_right_arithmetic3A_209 = arith.shrsi %bitcast_convert_type3A_206, %shift_right_arithmetic3A_208 : vector<16xi32>
      %max3A_210 = arith.constant 0 : i32
      %max3A_211 = vector.broadcast %max3A_210 : i32 to vector<16xi32>
      %max3A_212 = arith.maxsi %shift_right_arithmetic3A_209, %max3A_211 : vector<16xi32>
      %min3A_213 = arith.constant 32767 : i32
      %min3A_214 = vector.broadcast %min3A_213 : i32 to vector<16xi32>
      %min3A_215 = arith.minsi %max3A_212, %min3A_214 : vector<16xi32>
      tpu.vector_store_idx %arg7[%min3A_215], %broadcast_in_dim3A_9 {add = true} : memref<32768xf32, #tpu.memory_space<vmem>>[vector<16xi32>], vector<16xf32>,
      tpu.vector_store_idx %arg8[%min3A_215], %get3A_205 {add = true} : memref<32768xf32, #tpu.memory_space<vmem>>[vector<16xi32>], vector<16xf32>,
      %scan3A_216 = arith.constant 2 : i32
      %scan3A_217 = arith.addi %scan3A_182, %scan3A_216 : i32
      %mul3A_218 = arith.constant 1 : i32
      %mul3A_219 = arith.muli %scan3A_217, %mul3A_218 : i32
      %add3A_220 = arith.constant 0 : i32
      %add3A_221 = arith.addi %add3A_220, %mul3A_219 : i32
      %mul3A_222 = arith.constant 16 : i32
      %mul3A_223 = arith.muli %add3A_221, %mul3A_222 : i32
      %get3A_224 = arith.index_cast %mul3A_223 : i32 to index
      %get3A_225 = tpu.vector_load %arg6[%get3A_224] {strides = array<i32>} : memref<16384xf32, #tpu.memory_space<vmem>>, vector<16xf32>,
      %bitcast_convert_type3A_226 = tpu.bitcast %get3A_225 : vector<16xf32> -> vector<16xi32>
      %shift_right_arithmetic3A_227 = arith.constant 16 : i32
      %shift_right_arithmetic3A_228 = vector.broadcast %shift_right_arithmetic3A_227 : i32 to vector<16xi32>
      %shift_right_arithmetic3A_229 = arith.shrsi %bitcast_convert_type3A_226, %shift_right_arithmetic3A_228 : vector<16xi32>
      %max3A_230 = arith.constant 0 : i32
      %max3A_231 = vector.broadcast %max3A_230 : i32 to vector<16xi32>
      %max3A_232 = arith.maxsi %shift_right_arithmetic3A_229, %max3A_231 : vector<16xi32>
      %min3A_233 = arith.constant 32767 : i32
      %min3A_234 = vector.broadcast %min3A_233 : i32 to vector<16xi32>
      %min3A_235 = arith.minsi %max3A_232, %min3A_234 : vector<16xi32>
      tpu.vector_store_idx %arg7[%min3A_235], %broadcast_in_dim3A_9 {add = true} : memref<32768xf32, #tpu.memory_space<vmem>>[vector<16xi32>], vector<16xf32>,
      tpu.vector_store_idx %arg8[%min3A_235], %get3A_225 {add = true} : memref<32768xf32, #tpu.memory_space<vmem>>[vector<16xi32>], vector<16xf32>,
      %scan3A_236 = arith.constant 3 : i32
      %scan3A_237 = arith.addi %scan3A_182, %scan3A_236 : i32
      %mul3A_238 = arith.constant 1 : i32
      %mul3A_239 = arith.muli %scan3A_237, %mul3A_238 : i32
      %add3A_240 = arith.constant 0 : i32
      %add3A_241 = arith.addi %add3A_240, %mul3A_239 : i32
      %mul3A_242 = arith.constant 16 : i32
      %mul3A_243 = arith.muli %add3A_241, %mul3A_242 : i32
      %get3A_244 = arith.index_cast %mul3A_243 : i32 to index
      %get3A_245 = tpu.vector_load %arg6[%get3A_244] {strides = array<i32>} : memref<16384xf32, #tpu.memory_space<vmem>>, vector<16xf32>,
      %bitcast_convert_type3A_246 = tpu.bitcast %get3A_245 : vector<16xf32> -> vector<16xi32>
      %shift_right_arithmetic3A_247 = arith.constant 16 : i32
      %shift_right_arithmetic3A_248 = vector.broadcast %shift_right_arithmetic3A_247 : i32 to vector<16xi32>
      %shift_right_arithmetic3A_249 = arith.shrsi %bitcast_convert_type3A_246, %shift_right_arithmetic3A_248 : vector<16xi32>
      %max3A_250 = arith.constant 0 : i32
      %max3A_251 = vector.broadcast %max3A_250 : i32 to vector<16xi32>
      %max3A_252 = arith.maxsi %shift_right_arithmetic3A_249, %max3A_251 : vector<16xi32>
      %min3A_253 = arith.constant 32767 : i32
      %min3A_254 = vector.broadcast %min3A_253 : i32 to vector<16xi32>
      %min3A_255 = arith.minsi %max3A_252, %min3A_254 : vector<16xi32>
      tpu.vector_store_idx %arg7[%min3A_255], %broadcast_in_dim3A_9 {add = true} : memref<32768xf32, #tpu.memory_space<vmem>>[vector<16xi32>], vector<16xf32>,
      tpu.vector_store_idx %arg8[%min3A_255], %get3A_245 {add = true} : memref<32768xf32, #tpu.memory_space<vmem>>[vector<16xi32>], vector<16xf32>,
    }
    %scan3A_53 = arith.constant 1024 : i32
    %add3A_54 = arith.constant 81920 : i32
    %add3A_55 = arith.addi %mul3A_2, %add3A_54 : i32
    %dma_start3A_56 = tpu.memref_slice %arg2[%add3A_55] : memref<8388608xf32, #tpu.memory_space<hbm>> -> memref<16384xf32, #tpu.memory_space<hbm>>
    %dma_start3A_57 = tpu.memref_slice %arg2[%add3A_55] : memref<8388608xf32, #tpu.memory_space<hbm>> -> memref<16384xf32, #tpu.memory_space<hbm>>
    tpu.enqueue_dma source(%dma_start3A_57 : memref<16384xf32, #tpu.memory_space<hbm>>) target(%arg6 : memref<16384xf32, #tpu.memory_space<vmem>>) target_semaphore(%arg10 : memref<!tpu.dma_semaphore, #tpu.memory_space<semaphore_mem>>)
    %dma_wait3A_58 = tpu.memref_slice %arg2[%add3A_44] : memref<8388608xf32, #tpu.memory_space<hbm>> -> memref<16384xf32, #tpu.memory_space<hbm>>
    %dma_wait3A_59 = tpu.memref_slice %arg2[%add3A_44] : memref<8388608xf32, #tpu.memory_space<hbm>> -> memref<16384xf32, #tpu.memory_space<hbm>>
    tpu.wait_dma2 semaphore(%arg9 : memref<!tpu.dma_semaphore, #tpu.memory_space<semaphore_mem>>) src(%dma_wait3A_59 : memref<16384xf32, #tpu.memory_space<hbm>>) dst(%arg5 : memref<16384xf32, #tpu.memory_space<vmem>>)
    %scan3A_60 = arith.constant 0 : i32
    %scan3A_61 = arith.constant 1024 : i32
    %scan3A_62 = arith.addi %scan3A_60, %scan3A_61 : i32
    %scan3A_63 = arith.constant 4 : i32
    scf.for %scan3A_182 = %scan3A_60 to %scan3A_62 step %scan3A_63  : i32 {
      %mul3A_183 = arith.constant 1 : i32
      %mul3A_184 = arith.muli %scan3A_182, %mul3A_183 : i32
      %add3A_185 = arith.constant 0 : i32
      %add3A_186 = arith.addi %add3A_185, %mul3A_184 : i32
      %mul3A_187 = arith.constant 16 : i32
      %mul3A_188 = arith.muli %add3A_186, %mul3A_187 : i32
      %get3A = arith.index_cast %mul3A_188 : i32 to index
      %get3A_189 = tpu.vector_load %arg5[%get3A] {strides = array<i32>} : memref<16384xf32, #tpu.memory_space<vmem>>, vector<16xf32>,
      %bitcast_convert_type3A = tpu.bitcast %get3A_189 : vector<16xf32> -> vector<16xi32>
      %shift_right_arithmetic3A = arith.constant 16 : i32
      %shift_right_arithmetic3A_190 = vector.broadcast %shift_right_arithmetic3A : i32 to vector<16xi32>
      %shift_right_arithmetic3A_191 = arith.shrsi %bitcast_convert_type3A, %shift_right_arithmetic3A_190 : vector<16xi32>
      %max3A = arith.constant 0 : i32
      %max3A_192 = vector.broadcast %max3A : i32 to vector<16xi32>
      %max3A_193 = arith.maxsi %shift_right_arithmetic3A_191, %max3A_192 : vector<16xi32>
      %min3A = arith.constant 32767 : i32
      %min3A_194 = vector.broadcast %min3A : i32 to vector<16xi32>
      %min3A_195 = arith.minsi %max3A_193, %min3A_194 : vector<16xi32>
      tpu.vector_store_idx %arg7[%min3A_195], %broadcast_in_dim3A_9 {add = true} : memref<32768xf32, #tpu.memory_space<vmem>>[vector<16xi32>], vector<16xf32>,
      tpu.vector_store_idx %arg8[%min3A_195], %get3A_189 {add = true} : memref<32768xf32, #tpu.memory_space<vmem>>[vector<16xi32>], vector<16xf32>,
      %scan3A_196 = arith.constant 1 : i32
      %scan3A_197 = arith.addi %scan3A_182, %scan3A_196 : i32
      %mul3A_198 = arith.constant 1 : i32
      %mul3A_199 = arith.muli %scan3A_197, %mul3A_198 : i32
      %add3A_200 = arith.constant 0 : i32
      %add3A_201 = arith.addi %add3A_200, %mul3A_199 : i32
      %mul3A_202 = arith.constant 16 : i32
      %mul3A_203 = arith.muli %add3A_201, %mul3A_202 : i32
      %get3A_204 = arith.index_cast %mul3A_203 : i32 to index
      %get3A_205 = tpu.vector_load %arg5[%get3A_204] {strides = array<i32>} : memref<16384xf32, #tpu.memory_space<vmem>>, vector<16xf32>,
      %bitcast_convert_type3A_206 = tpu.bitcast %get3A_205 : vector<16xf32> -> vector<16xi32>
      %shift_right_arithmetic3A_207 = arith.constant 16 : i32
      %shift_right_arithmetic3A_208 = vector.broadcast %shift_right_arithmetic3A_207 : i32 to vector<16xi32>
      %shift_right_arithmetic3A_209 = arith.shrsi %bitcast_convert_type3A_206, %shift_right_arithmetic3A_208 : vector<16xi32>
      %max3A_210 = arith.constant 0 : i32
      %max3A_211 = vector.broadcast %max3A_210 : i32 to vector<16xi32>
      %max3A_212 = arith.maxsi %shift_right_arithmetic3A_209, %max3A_211 : vector<16xi32>
      %min3A_213 = arith.constant 32767 : i32
      %min3A_214 = vector.broadcast %min3A_213 : i32 to vector<16xi32>
      %min3A_215 = arith.minsi %max3A_212, %min3A_214 : vector<16xi32>
      tpu.vector_store_idx %arg7[%min3A_215], %broadcast_in_dim3A_9 {add = true} : memref<32768xf32, #tpu.memory_space<vmem>>[vector<16xi32>], vector<16xf32>,
      tpu.vector_store_idx %arg8[%min3A_215], %get3A_205 {add = true} : memref<32768xf32, #tpu.memory_space<vmem>>[vector<16xi32>], vector<16xf32>,
      %scan3A_216 = arith.constant 2 : i32
      %scan3A_217 = arith.addi %scan3A_182, %scan3A_216 : i32
      %mul3A_218 = arith.constant 1 : i32
      %mul3A_219 = arith.muli %scan3A_217, %mul3A_218 : i32
      %add3A_220 = arith.constant 0 : i32
      %add3A_221 = arith.addi %add3A_220, %mul3A_219 : i32
      %mul3A_222 = arith.constant 16 : i32
      %mul3A_223 = arith.muli %add3A_221, %mul3A_222 : i32
      %get3A_224 = arith.index_cast %mul3A_223 : i32 to index
      %get3A_225 = tpu.vector_load %arg5[%get3A_224] {strides = array<i32>} : memref<16384xf32, #tpu.memory_space<vmem>>, vector<16xf32>,
      %bitcast_convert_type3A_226 = tpu.bitcast %get3A_225 : vector<16xf32> -> vector<16xi32>
      %shift_right_arithmetic3A_227 = arith.constant 16 : i32
      %shift_right_arithmetic3A_228 = vector.broadcast %shift_right_arithmetic3A_227 : i32 to vector<16xi32>
      %shift_right_arithmetic3A_229 = arith.shrsi %bitcast_convert_type3A_226, %shift_right_arithmetic3A_228 : vector<16xi32>
      %max3A_230 = arith.constant 0 : i32
      %max3A_231 = vector.broadcast %max3A_230 : i32 to vector<16xi32>
      %max3A_232 = arith.maxsi %shift_right_arithmetic3A_229, %max3A_231 : vector<16xi32>
      %min3A_233 = arith.constant 32767 : i32
      %min3A_234 = vector.broadcast %min3A_233 : i32 to vector<16xi32>
      %min3A_235 = arith.minsi %max3A_232, %min3A_234 : vector<16xi32>
      tpu.vector_store_idx %arg7[%min3A_235], %broadcast_in_dim3A_9 {add = true} : memref<32768xf32, #tpu.memory_space<vmem>>[vector<16xi32>], vector<16xf32>,
      tpu.vector_store_idx %arg8[%min3A_235], %get3A_225 {add = true} : memref<32768xf32, #tpu.memory_space<vmem>>[vector<16xi32>], vector<16xf32>,
      %scan3A_236 = arith.constant 3 : i32
      %scan3A_237 = arith.addi %scan3A_182, %scan3A_236 : i32
      %mul3A_238 = arith.constant 1 : i32
      %mul3A_239 = arith.muli %scan3A_237, %mul3A_238 : i32
      %add3A_240 = arith.constant 0 : i32
      %add3A_241 = arith.addi %add3A_240, %mul3A_239 : i32
      %mul3A_242 = arith.constant 16 : i32
      %mul3A_243 = arith.muli %add3A_241, %mul3A_242 : i32
      %get3A_244 = arith.index_cast %mul3A_243 : i32 to index
      %get3A_245 = tpu.vector_load %arg5[%get3A_244] {strides = array<i32>} : memref<16384xf32, #tpu.memory_space<vmem>>, vector<16xf32>,
      %bitcast_convert_type3A_246 = tpu.bitcast %get3A_245 : vector<16xf32> -> vector<16xi32>
      %shift_right_arithmetic3A_247 = arith.constant 16 : i32
      %shift_right_arithmetic3A_248 = vector.broadcast %shift_right_arithmetic3A_247 : i32 to vector<16xi32>
      %shift_right_arithmetic3A_249 = arith.shrsi %bitcast_convert_type3A_246, %shift_right_arithmetic3A_248 : vector<16xi32>
      %max3A_250 = arith.constant 0 : i32
      %max3A_251 = vector.broadcast %max3A_250 : i32 to vector<16xi32>
      %max3A_252 = arith.maxsi %shift_right_arithmetic3A_249, %max3A_251 : vector<16xi32>
      %min3A_253 = arith.constant 32767 : i32
      %min3A_254 = vector.broadcast %min3A_253 : i32 to vector<16xi32>
      %min3A_255 = arith.minsi %max3A_252, %min3A_254 : vector<16xi32>
      tpu.vector_store_idx %arg7[%min3A_255], %broadcast_in_dim3A_9 {add = true} : memref<32768xf32, #tpu.memory_space<vmem>>[vector<16xi32>], vector<16xf32>,
      tpu.vector_store_idx %arg8[%min3A_255], %get3A_245 {add = true} : memref<32768xf32, #tpu.memory_space<vmem>>[vector<16xi32>], vector<16xf32>,
    }
    %scan3A_64 = arith.constant 1024 : i32
    %add3A_65 = arith.constant 98304 : i32
    %add3A_66 = arith.addi %mul3A_2, %add3A_65 : i32
    %dma_start3A_67 = tpu.memref_slice %arg2[%add3A_66] : memref<8388608xf32, #tpu.memory_space<hbm>> -> memref<16384xf32, #tpu.memory_space<hbm>>
    %dma_start3A_68 = tpu.memref_slice %arg2[%add3A_66] : memref<8388608xf32, #tpu.memory_space<hbm>> -> memref<16384xf32, #tpu.memory_space<hbm>>
    tpu.enqueue_dma source(%dma_start3A_68 : memref<16384xf32, #tpu.memory_space<hbm>>) target(%arg5 : memref<16384xf32, #tpu.memory_space<vmem>>) target_semaphore(%arg9 : memref<!tpu.dma_semaphore, #tpu.memory_space<semaphore_mem>>)
    %dma_wait3A_69 = tpu.memref_slice %arg2[%add3A_55] : memref<8388608xf32, #tpu.memory_space<hbm>> -> memref<16384xf32, #tpu.memory_space<hbm>>
    %dma_wait3A_70 = tpu.memref_slice %arg2[%add3A_55] : memref<8388608xf32, #tpu.memory_space<hbm>> -> memref<16384xf32, #tpu.memory_space<hbm>>
    tpu.wait_dma2 semaphore(%arg10 : memref<!tpu.dma_semaphore, #tpu.memory_space<semaphore_mem>>) src(%dma_wait3A_70 : memref<16384xf32, #tpu.memory_space<hbm>>) dst(%arg6 : memref<16384xf32, #tpu.memory_space<vmem>>)
    %scan3A_71 = arith.constant 0 : i32
    %scan3A_72 = arith.constant 1024 : i32
    %scan3A_73 = arith.addi %scan3A_71, %scan3A_72 : i32
    %scan3A_74 = arith.constant 4 : i32
    scf.for %scan3A_182 = %scan3A_71 to %scan3A_73 step %scan3A_74  : i32 {
      %mul3A_183 = arith.constant 1 : i32
      %mul3A_184 = arith.muli %scan3A_182, %mul3A_183 : i32
      %add3A_185 = arith.constant 0 : i32
      %add3A_186 = arith.addi %add3A_185, %mul3A_184 : i32
      %mul3A_187 = arith.constant 16 : i32
      %mul3A_188 = arith.muli %add3A_186, %mul3A_187 : i32
      %get3A = arith.index_cast %mul3A_188 : i32 to index
      %get3A_189 = tpu.vector_load %arg6[%get3A] {strides = array<i32>} : memref<16384xf32, #tpu.memory_space<vmem>>, vector<16xf32>,
      %bitcast_convert_type3A = tpu.bitcast %get3A_189 : vector<16xf32> -> vector<16xi32>
      %shift_right_arithmetic3A = arith.constant 16 : i32
      %shift_right_arithmetic3A_190 = vector.broadcast %shift_right_arithmetic3A : i32 to vector<16xi32>
      %shift_right_arithmetic3A_191 = arith.shrsi %bitcast_convert_type3A, %shift_right_arithmetic3A_190 : vector<16xi32>
      %max3A = arith.constant 0 : i32
      %max3A_192 = vector.broadcast %max3A : i32 to vector<16xi32>
      %max3A_193 = arith.maxsi %shift_right_arithmetic3A_191, %max3A_192 : vector<16xi32>
      %min3A = arith.constant 32767 : i32
      %min3A_194 = vector.broadcast %min3A : i32 to vector<16xi32>
      %min3A_195 = arith.minsi %max3A_193, %min3A_194 : vector<16xi32>
      tpu.vector_store_idx %arg7[%min3A_195], %broadcast_in_dim3A_9 {add = true} : memref<32768xf32, #tpu.memory_space<vmem>>[vector<16xi32>], vector<16xf32>,
      tpu.vector_store_idx %arg8[%min3A_195], %get3A_189 {add = true} : memref<32768xf32, #tpu.memory_space<vmem>>[vector<16xi32>], vector<16xf32>,
      %scan3A_196 = arith.constant 1 : i32
      %scan3A_197 = arith.addi %scan3A_182, %scan3A_196 : i32
      %mul3A_198 = arith.constant 1 : i32
      %mul3A_199 = arith.muli %scan3A_197, %mul3A_198 : i32
      %add3A_200 = arith.constant 0 : i32
      %add3A_201 = arith.addi %add3A_200, %mul3A_199 : i32
      %mul3A_202 = arith.constant 16 : i32
      %mul3A_203 = arith.muli %add3A_201, %mul3A_202 : i32
      %get3A_204 = arith.index_cast %mul3A_203 : i32 to index
      %get3A_205 = tpu.vector_load %arg6[%get3A_204] {strides = array<i32>} : memref<16384xf32, #tpu.memory_space<vmem>>, vector<16xf32>,
      %bitcast_convert_type3A_206 = tpu.bitcast %get3A_205 : vector<16xf32> -> vector<16xi32>
      %shift_right_arithmetic3A_207 = arith.constant 16 : i32
      %shift_right_arithmetic3A_208 = vector.broadcast %shift_right_arithmetic3A_207 : i32 to vector<16xi32>
      %shift_right_arithmetic3A_209 = arith.shrsi %bitcast_convert_type3A_206, %shift_right_arithmetic3A_208 : vector<16xi32>
      %max3A_210 = arith.constant 0 : i32
      %max3A_211 = vector.broadcast %max3A_210 : i32 to vector<16xi32>
      %max3A_212 = arith.maxsi %shift_right_arithmetic3A_209, %max3A_211 : vector<16xi32>
      %min3A_213 = arith.constant 32767 : i32
      %min3A_214 = vector.broadcast %min3A_213 : i32 to vector<16xi32>
      %min3A_215 = arith.minsi %max3A_212, %min3A_214 : vector<16xi32>
      tpu.vector_store_idx %arg7[%min3A_215], %broadcast_in_dim3A_9 {add = true} : memref<32768xf32, #tpu.memory_space<vmem>>[vector<16xi32>], vector<16xf32>,
      tpu.vector_store_idx %arg8[%min3A_215], %get3A_205 {add = true} : memref<32768xf32, #tpu.memory_space<vmem>>[vector<16xi32>], vector<16xf32>,
      %scan3A_216 = arith.constant 2 : i32
      %scan3A_217 = arith.addi %scan3A_182, %scan3A_216 : i32
      %mul3A_218 = arith.constant 1 : i32
      %mul3A_219 = arith.muli %scan3A_217, %mul3A_218 : i32
      %add3A_220 = arith.constant 0 : i32
      %add3A_221 = arith.addi %add3A_220, %mul3A_219 : i32
      %mul3A_222 = arith.constant 16 : i32
      %mul3A_223 = arith.muli %add3A_221, %mul3A_222 : i32
      %get3A_224 = arith.index_cast %mul3A_223 : i32 to index
      %get3A_225 = tpu.vector_load %arg6[%get3A_224] {strides = array<i32>} : memref<16384xf32, #tpu.memory_space<vmem>>, vector<16xf32>,
      %bitcast_convert_type3A_226 = tpu.bitcast %get3A_225 : vector<16xf32> -> vector<16xi32>
      %shift_right_arithmetic3A_227 = arith.constant 16 : i32
      %shift_right_arithmetic3A_228 = vector.broadcast %shift_right_arithmetic3A_227 : i32 to vector<16xi32>
      %shift_right_arithmetic3A_229 = arith.shrsi %bitcast_convert_type3A_226, %shift_right_arithmetic3A_228 : vector<16xi32>
      %max3A_230 = arith.constant 0 : i32
      %max3A_231 = vector.broadcast %max3A_230 : i32 to vector<16xi32>
      %max3A_232 = arith.maxsi %shift_right_arithmetic3A_229, %max3A_231 : vector<16xi32>
      %min3A_233 = arith.constant 32767 : i32
      %min3A_234 = vector.broadcast %min3A_233 : i32 to vector<16xi32>
      %min3A_235 = arith.minsi %max3A_232, %min3A_234 : vector<16xi32>
      tpu.vector_store_idx %arg7[%min3A_235], %broadcast_in_dim3A_9 {add = true} : memref<32768xf32, #tpu.memory_space<vmem>>[vector<16xi32>], vector<16xf32>,
      tpu.vector_store_idx %arg8[%min3A_235], %get3A_225 {add = true} : memref<32768xf32, #tpu.memory_space<vmem>>[vector<16xi32>], vector<16xf32>,
      %scan3A_236 = arith.constant 3 : i32
      %scan3A_237 = arith.addi %scan3A_182, %scan3A_236 : i32
      %mul3A_238 = arith.constant 1 : i32
      %mul3A_239 = arith.muli %scan3A_237, %mul3A_238 : i32
      %add3A_240 = arith.constant 0 : i32
      %add3A_241 = arith.addi %add3A_240, %mul3A_239 : i32
      %mul3A_242 = arith.constant 16 : i32
      %mul3A_243 = arith.muli %add3A_241, %mul3A_242 : i32
      %get3A_244 = arith.index_cast %mul3A_243 : i32 to index
      %get3A_245 = tpu.vector_load %arg6[%get3A_244] {strides = array<i32>} : memref<16384xf32, #tpu.memory_space<vmem>>, vector<16xf32>,
      %bitcast_convert_type3A_246 = tpu.bitcast %get3A_245 : vector<16xf32> -> vector<16xi32>
      %shift_right_arithmetic3A_247 = arith.constant 16 : i32
      %shift_right_arithmetic3A_248 = vector.broadcast %shift_right_arithmetic3A_247 : i32 to vector<16xi32>
      %shift_right_arithmetic3A_249 = arith.shrsi %bitcast_convert_type3A_246, %shift_right_arithmetic3A_248 : vector<16xi32>
      %max3A_250 = arith.constant 0 : i32
      %max3A_251 = vector.broadcast %max3A_250 : i32 to vector<16xi32>
      %max3A_252 = arith.maxsi %shift_right_arithmetic3A_249, %max3A_251 : vector<16xi32>
      %min3A_253 = arith.constant 32767 : i32
      %min3A_254 = vector.broadcast %min3A_253 : i32 to vector<16xi32>
      %min3A_255 = arith.minsi %max3A_252, %min3A_254 : vector<16xi32>
      tpu.vector_store_idx %arg7[%min3A_255], %broadcast_in_dim3A_9 {add = true} : memref<32768xf32, #tpu.memory_space<vmem>>[vector<16xi32>], vector<16xf32>,
      tpu.vector_store_idx %arg8[%min3A_255], %get3A_245 {add = true} : memref<32768xf32, #tpu.memory_space<vmem>>[vector<16xi32>], vector<16xf32>,
    }
    %scan3A_75 = arith.constant 1024 : i32
    %add3A_76 = arith.constant 114688 : i32
    %add3A_77 = arith.addi %mul3A_2, %add3A_76 : i32
    %dma_start3A_78 = tpu.memref_slice %arg2[%add3A_77] : memref<8388608xf32, #tpu.memory_space<hbm>> -> memref<16384xf32, #tpu.memory_space<hbm>>
    %dma_start3A_79 = tpu.memref_slice %arg2[%add3A_77] : memref<8388608xf32, #tpu.memory_space<hbm>> -> memref<16384xf32, #tpu.memory_space<hbm>>
    tpu.enqueue_dma source(%dma_start3A_79 : memref<16384xf32, #tpu.memory_space<hbm>>) target(%arg6 : memref<16384xf32, #tpu.memory_space<vmem>>) target_semaphore(%arg10 : memref<!tpu.dma_semaphore, #tpu.memory_space<semaphore_mem>>)
    %dma_wait3A_80 = tpu.memref_slice %arg2[%add3A_66] : memref<8388608xf32, #tpu.memory_space<hbm>> -> memref<16384xf32, #tpu.memory_space<hbm>>
    %dma_wait3A_81 = tpu.memref_slice %arg2[%add3A_66] : memref<8388608xf32, #tpu.memory_space<hbm>> -> memref<16384xf32, #tpu.memory_space<hbm>>
    tpu.wait_dma2 semaphore(%arg9 : memref<!tpu.dma_semaphore, #tpu.memory_space<semaphore_mem>>) src(%dma_wait3A_81 : memref<16384xf32, #tpu.memory_space<hbm>>) dst(%arg5 : memref<16384xf32, #tpu.memory_space<vmem>>)
    %scan3A_82 = arith.constant 0 : i32
    %scan3A_83 = arith.constant 1024 : i32
    %scan3A_84 = arith.addi %scan3A_82, %scan3A_83 : i32
    %scan3A_85 = arith.constant 4 : i32
    scf.for %scan3A_182 = %scan3A_82 to %scan3A_84 step %scan3A_85  : i32 {
      %mul3A_183 = arith.constant 1 : i32
      %mul3A_184 = arith.muli %scan3A_182, %mul3A_183 : i32
      %add3A_185 = arith.constant 0 : i32
      %add3A_186 = arith.addi %add3A_185, %mul3A_184 : i32
      %mul3A_187 = arith.constant 16 : i32
      %mul3A_188 = arith.muli %add3A_186, %mul3A_187 : i32
      %get3A = arith.index_cast %mul3A_188 : i32 to index
      %get3A_189 = tpu.vector_load %arg5[%get3A] {strides = array<i32>} : memref<16384xf32, #tpu.memory_space<vmem>>, vector<16xf32>,
      %bitcast_convert_type3A = tpu.bitcast %get3A_189 : vector<16xf32> -> vector<16xi32>
      %shift_right_arithmetic3A = arith.constant 16 : i32
      %shift_right_arithmetic3A_190 = vector.broadcast %shift_right_arithmetic3A : i32 to vector<16xi32>
      %shift_right_arithmetic3A_191 = arith.shrsi %bitcast_convert_type3A, %shift_right_arithmetic3A_190 : vector<16xi32>
      %max3A = arith.constant 0 : i32
      %max3A_192 = vector.broadcast %max3A : i32 to vector<16xi32>
      %max3A_193 = arith.maxsi %shift_right_arithmetic3A_191, %max3A_192 : vector<16xi32>
      %min3A = arith.constant 32767 : i32
      %min3A_194 = vector.broadcast %min3A : i32 to vector<16xi32>
      %min3A_195 = arith.minsi %max3A_193, %min3A_194 : vector<16xi32>
      tpu.vector_store_idx %arg7[%min3A_195], %broadcast_in_dim3A_9 {add = true} : memref<32768xf32, #tpu.memory_space<vmem>>[vector<16xi32>], vector<16xf32>,
      tpu.vector_store_idx %arg8[%min3A_195], %get3A_189 {add = true} : memref<32768xf32, #tpu.memory_space<vmem>>[vector<16xi32>], vector<16xf32>,
      %scan3A_196 = arith.constant 1 : i32
      %scan3A_197 = arith.addi %scan3A_182, %scan3A_196 : i32
      %mul3A_198 = arith.constant 1 : i32
      %mul3A_199 = arith.muli %scan3A_197, %mul3A_198 : i32
      %add3A_200 = arith.constant 0 : i32
      %add3A_201 = arith.addi %add3A_200, %mul3A_199 : i32
      %mul3A_202 = arith.constant 16 : i32
      %mul3A_203 = arith.muli %add3A_201, %mul3A_202 : i32
      %get3A_204 = arith.index_cast %mul3A_203 : i32 to index
      %get3A_205 = tpu.vector_load %arg5[%get3A_204] {strides = array<i32>} : memref<16384xf32, #tpu.memory_space<vmem>>, vector<16xf32>,
      %bitcast_convert_type3A_206 = tpu.bitcast %get3A_205 : vector<16xf32> -> vector<16xi32>
      %shift_right_arithmetic3A_207 = arith.constant 16 : i32
      %shift_right_arithmetic3A_208 = vector.broadcast %shift_right_arithmetic3A_207 : i32 to vector<16xi32>
      %shift_right_arithmetic3A_209 = arith.shrsi %bitcast_convert_type3A_206, %shift_right_arithmetic3A_208 : vector<16xi32>
      %max3A_210 = arith.constant 0 : i32
      %max3A_211 = vector.broadcast %max3A_210 : i32 to vector<16xi32>
      %max3A_212 = arith.maxsi %shift_right_arithmetic3A_209, %max3A_211 : vector<16xi32>
      %min3A_213 = arith.constant 32767 : i32
      %min3A_214 = vector.broadcast %min3A_213 : i32 to vector<16xi32>
      %min3A_215 = arith.minsi %max3A_212, %min3A_214 : vector<16xi32>
      tpu.vector_store_idx %arg7[%min3A_215], %broadcast_in_dim3A_9 {add = true} : memref<32768xf32, #tpu.memory_space<vmem>>[vector<16xi32>], vector<16xf32>,
      tpu.vector_store_idx %arg8[%min3A_215], %get3A_205 {add = true} : memref<32768xf32, #tpu.memory_space<vmem>>[vector<16xi32>], vector<16xf32>,
      %scan3A_216 = arith.constant 2 : i32
      %scan3A_217 = arith.addi %scan3A_182, %scan3A_216 : i32
      %mul3A_218 = arith.constant 1 : i32
      %mul3A_219 = arith.muli %scan3A_217, %mul3A_218 : i32
      %add3A_220 = arith.constant 0 : i32
      %add3A_221 = arith.addi %add3A_220, %mul3A_219 : i32
      %mul3A_222 = arith.constant 16 : i32
      %mul3A_223 = arith.muli %add3A_221, %mul3A_222 : i32
      %get3A_224 = arith.index_cast %mul3A_223 : i32 to index
      %get3A_225 = tpu.vector_load %arg5[%get3A_224] {strides = array<i32>} : memref<16384xf32, #tpu.memory_space<vmem>>, vector<16xf32>,
      %bitcast_convert_type3A_226 = tpu.bitcast %get3A_225 : vector<16xf32> -> vector<16xi32>
      %shift_right_arithmetic3A_227 = arith.constant 16 : i32
      %shift_right_arithmetic3A_228 = vector.broadcast %shift_right_arithmetic3A_227 : i32 to vector<16xi32>
      %shift_right_arithmetic3A_229 = arith.shrsi %bitcast_convert_type3A_226, %shift_right_arithmetic3A_228 : vector<16xi32>
      %max3A_230 = arith.constant 0 : i32
      %max3A_231 = vector.broadcast %max3A_230 : i32 to vector<16xi32>
      %max3A_232 = arith.maxsi %shift_right_arithmetic3A_229, %max3A_231 : vector<16xi32>
      %min3A_233 = arith.constant 32767 : i32
      %min3A_234 = vector.broadcast %min3A_233 : i32 to vector<16xi32>
      %min3A_235 = arith.minsi %max3A_232, %min3A_234 : vector<16xi32>
      tpu.vector_store_idx %arg7[%min3A_235], %broadcast_in_dim3A_9 {add = true} : memref<32768xf32, #tpu.memory_space<vmem>>[vector<16xi32>], vector<16xf32>,
      tpu.vector_store_idx %arg8[%min3A_235], %get3A_225 {add = true} : memref<32768xf32, #tpu.memory_space<vmem>>[vector<16xi32>], vector<16xf32>,
      %scan3A_236 = arith.constant 3 : i32
      %scan3A_237 = arith.addi %scan3A_182, %scan3A_236 : i32
      %mul3A_238 = arith.constant 1 : i32
      %mul3A_239 = arith.muli %scan3A_237, %mul3A_238 : i32
      %add3A_240 = arith.constant 0 : i32
      %add3A_241 = arith.addi %add3A_240, %mul3A_239 : i32
      %mul3A_242 = arith.constant 16 : i32
      %mul3A_243 = arith.muli %add3A_241, %mul3A_242 : i32
      %get3A_244 = arith.index_cast %mul3A_243 : i32 to index
      %get3A_245 = tpu.vector_load %arg5[%get3A_244] {strides = array<i32>} : memref<16384xf32, #tpu.memory_space<vmem>>, vector<16xf32>,
      %bitcast_convert_type3A_246 = tpu.bitcast %get3A_245 : vector<16xf32> -> vector<16xi32>
      %shift_right_arithmetic3A_247 = arith.constant 16 : i32
      %shift_right_arithmetic3A_248 = vector.broadcast %shift_right_arithmetic3A_247 : i32 to vector<16xi32>
      %shift_right_arithmetic3A_249 = arith.shrsi %bitcast_convert_type3A_246, %shift_right_arithmetic3A_248 : vector<16xi32>
      %max3A_250 = arith.constant 0 : i32
      %max3A_251 = vector.broadcast %max3A_250 : i32 to vector<16xi32>
      %max3A_252 = arith.maxsi %shift_right_arithmetic3A_249, %max3A_251 : vector<16xi32>
      %min3A_253 = arith.constant 32767 : i32
      %min3A_254 = vector.broadcast %min3A_253 : i32 to vector<16xi32>
      %min3A_255 = arith.minsi %max3A_252, %min3A_254 : vector<16xi32>
      tpu.vector_store_idx %arg7[%min3A_255], %broadcast_in_dim3A_9 {add = true} : memref<32768xf32, #tpu.memory_space<vmem>>[vector<16xi32>], vector<16xf32>,
      tpu.vector_store_idx %arg8[%min3A_255], %get3A_245 {add = true} : memref<32768xf32, #tpu.memory_space<vmem>>[vector<16xi32>], vector<16xf32>,
    }
    %scan3A_86 = arith.constant 1024 : i32
    %add3A_87 = arith.constant 131072 : i32
    %add3A_88 = arith.addi %mul3A_2, %add3A_87 : i32
    %dma_start3A_89 = tpu.memref_slice %arg2[%add3A_88] : memref<8388608xf32, #tpu.memory_space<hbm>> -> memref<16384xf32, #tpu.memory_space<hbm>>
    %dma_start3A_90 = tpu.memref_slice %arg2[%add3A_88] : memref<8388608xf32, #tpu.memory_space<hbm>> -> memref<16384xf32, #tpu.memory_space<hbm>>
    tpu.enqueue_dma source(%dma_start3A_90 : memref<16384xf32, #tpu.memory_space<hbm>>) target(%arg5 : memref<16384xf32, #tpu.memory_space<vmem>>) target_semaphore(%arg9 : memref<!tpu.dma_semaphore, #tpu.memory_space<semaphore_mem>>)
    %dma_wait3A_91 = tpu.memref_slice %arg2[%add3A_77] : memref<8388608xf32, #tpu.memory_space<hbm>> -> memref<16384xf32, #tpu.memory_space<hbm>>
    %dma_wait3A_92 = tpu.memref_slice %arg2[%add3A_77] : memref<8388608xf32, #tpu.memory_space<hbm>> -> memref<16384xf32, #tpu.memory_space<hbm>>
    tpu.wait_dma2 semaphore(%arg10 : memref<!tpu.dma_semaphore, #tpu.memory_space<semaphore_mem>>) src(%dma_wait3A_92 : memref<16384xf32, #tpu.memory_space<hbm>>) dst(%arg6 : memref<16384xf32, #tpu.memory_space<vmem>>)
    %scan3A_93 = arith.constant 0 : i32
    %scan3A_94 = arith.constant 1024 : i32
    %scan3A_95 = arith.addi %scan3A_93, %scan3A_94 : i32
    %scan3A_96 = arith.constant 4 : i32
    scf.for %scan3A_182 = %scan3A_93 to %scan3A_95 step %scan3A_96  : i32 {
      %mul3A_183 = arith.constant 1 : i32
      %mul3A_184 = arith.muli %scan3A_182, %mul3A_183 : i32
      %add3A_185 = arith.constant 0 : i32
      %add3A_186 = arith.addi %add3A_185, %mul3A_184 : i32
      %mul3A_187 = arith.constant 16 : i32
      %mul3A_188 = arith.muli %add3A_186, %mul3A_187 : i32
      %get3A = arith.index_cast %mul3A_188 : i32 to index
      %get3A_189 = tpu.vector_load %arg6[%get3A] {strides = array<i32>} : memref<16384xf32, #tpu.memory_space<vmem>>, vector<16xf32>,
      %bitcast_convert_type3A = tpu.bitcast %get3A_189 : vector<16xf32> -> vector<16xi32>
      %shift_right_arithmetic3A = arith.constant 16 : i32
      %shift_right_arithmetic3A_190 = vector.broadcast %shift_right_arithmetic3A : i32 to vector<16xi32>
      %shift_right_arithmetic3A_191 = arith.shrsi %bitcast_convert_type3A, %shift_right_arithmetic3A_190 : vector<16xi32>
      %max3A = arith.constant 0 : i32
      %max3A_192 = vector.broadcast %max3A : i32 to vector<16xi32>
      %max3A_193 = arith.maxsi %shift_right_arithmetic3A_191, %max3A_192 : vector<16xi32>
      %min3A = arith.constant 32767 : i32
      %min3A_194 = vector.broadcast %min3A : i32 to vector<16xi32>
      %min3A_195 = arith.minsi %max3A_193, %min3A_194 : vector<16xi32>
      tpu.vector_store_idx %arg7[%min3A_195], %broadcast_in_dim3A_9 {add = true} : memref<32768xf32, #tpu.memory_space<vmem>>[vector<16xi32>], vector<16xf32>,
      tpu.vector_store_idx %arg8[%min3A_195], %get3A_189 {add = true} : memref<32768xf32, #tpu.memory_space<vmem>>[vector<16xi32>], vector<16xf32>,
      %scan3A_196 = arith.constant 1 : i32
      %scan3A_197 = arith.addi %scan3A_182, %scan3A_196 : i32
      %mul3A_198 = arith.constant 1 : i32
      %mul3A_199 = arith.muli %scan3A_197, %mul3A_198 : i32
      %add3A_200 = arith.constant 0 : i32
      %add3A_201 = arith.addi %add3A_200, %mul3A_199 : i32
      %mul3A_202 = arith.constant 16 : i32
      %mul3A_203 = arith.muli %add3A_201, %mul3A_202 : i32
      %get3A_204 = arith.index_cast %mul3A_203 : i32 to index
      %get3A_205 = tpu.vector_load %arg6[%get3A_204] {strides = array<i32>} : memref<16384xf32, #tpu.memory_space<vmem>>, vector<16xf32>,
      %bitcast_convert_type3A_206 = tpu.bitcast %get3A_205 : vector<16xf32> -> vector<16xi32>
      %shift_right_arithmetic3A_207 = arith.constant 16 : i32
      %shift_right_arithmetic3A_208 = vector.broadcast %shift_right_arithmetic3A_207 : i32 to vector<16xi32>
      %shift_right_arithmetic3A_209 = arith.shrsi %bitcast_convert_type3A_206, %shift_right_arithmetic3A_208 : vector<16xi32>
      %max3A_210 = arith.constant 0 : i32
      %max3A_211 = vector.broadcast %max3A_210 : i32 to vector<16xi32>
      %max3A_212 = arith.maxsi %shift_right_arithmetic3A_209, %max3A_211 : vector<16xi32>
      %min3A_213 = arith.constant 32767 : i32
      %min3A_214 = vector.broadcast %min3A_213 : i32 to vector<16xi32>
      %min3A_215 = arith.minsi %max3A_212, %min3A_214 : vector<16xi32>
      tpu.vector_store_idx %arg7[%min3A_215], %broadcast_in_dim3A_9 {add = true} : memref<32768xf32, #tpu.memory_space<vmem>>[vector<16xi32>], vector<16xf32>,
      tpu.vector_store_idx %arg8[%min3A_215], %get3A_205 {add = true} : memref<32768xf32, #tpu.memory_space<vmem>>[vector<16xi32>], vector<16xf32>,
      %scan3A_216 = arith.constant 2 : i32
      %scan3A_217 = arith.addi %scan3A_182, %scan3A_216 : i32
      %mul3A_218 = arith.constant 1 : i32
      %mul3A_219 = arith.muli %scan3A_217, %mul3A_218 : i32
      %add3A_220 = arith.constant 0 : i32
      %add3A_221 = arith.addi %add3A_220, %mul3A_219 : i32
      %mul3A_222 = arith.constant 16 : i32
      %mul3A_223 = arith.muli %add3A_221, %mul3A_222 : i32
      %get3A_224 = arith.index_cast %mul3A_223 : i32 to index
      %get3A_225 = tpu.vector_load %arg6[%get3A_224] {strides = array<i32>} : memref<16384xf32, #tpu.memory_space<vmem>>, vector<16xf32>,
      %bitcast_convert_type3A_226 = tpu.bitcast %get3A_225 : vector<16xf32> -> vector<16xi32>
      %shift_right_arithmetic3A_227 = arith.constant 16 : i32
      %shift_right_arithmetic3A_228 = vector.broadcast %shift_right_arithmetic3A_227 : i32 to vector<16xi32>
      %shift_right_arithmetic3A_229 = arith.shrsi %bitcast_convert_type3A_226, %shift_right_arithmetic3A_228 : vector<16xi32>
      %max3A_230 = arith.constant 0 : i32
      %max3A_231 = vector.broadcast %max3A_230 : i32 to vector<16xi32>
      %max3A_232 = arith.maxsi %shift_right_arithmetic3A_229, %max3A_231 : vector<16xi32>
      %min3A_233 = arith.constant 32767 : i32
      %min3A_234 = vector.broadcast %min3A_233 : i32 to vector<16xi32>
      %min3A_235 = arith.minsi %max3A_232, %min3A_234 : vector<16xi32>
      tpu.vector_store_idx %arg7[%min3A_235], %broadcast_in_dim3A_9 {add = true} : memref<32768xf32, #tpu.memory_space<vmem>>[vector<16xi32>], vector<16xf32>,
      tpu.vector_store_idx %arg8[%min3A_235], %get3A_225 {add = true} : memref<32768xf32, #tpu.memory_space<vmem>>[vector<16xi32>], vector<16xf32>,
      %scan3A_236 = arith.constant 3 : i32
      %scan3A_237 = arith.addi %scan3A_182, %scan3A_236 : i32
      %mul3A_238 = arith.constant 1 : i32
      %mul3A_239 = arith.muli %scan3A_237, %mul3A_238 : i32
      %add3A_240 = arith.constant 0 : i32
      %add3A_241 = arith.addi %add3A_240, %mul3A_239 : i32
      %mul3A_242 = arith.constant 16 : i32
      %mul3A_243 = arith.muli %add3A_241, %mul3A_242 : i32
      %get3A_244 = arith.index_cast %mul3A_243 : i32 to index
      %get3A_245 = tpu.vector_load %arg6[%get3A_244] {strides = array<i32>} : memref<16384xf32, #tpu.memory_space<vmem>>, vector<16xf32>,
      %bitcast_convert_type3A_246 = tpu.bitcast %get3A_245 : vector<16xf32> -> vector<16xi32>
      %shift_right_arithmetic3A_247 = arith.constant 16 : i32
      %shift_right_arithmetic3A_248 = vector.broadcast %shift_right_arithmetic3A_247 : i32 to vector<16xi32>
      %shift_right_arithmetic3A_249 = arith.shrsi %bitcast_convert_type3A_246, %shift_right_arithmetic3A_248 : vector<16xi32>
      %max3A_250 = arith.constant 0 : i32
      %max3A_251 = vector.broadcast %max3A_250 : i32 to vector<16xi32>
      %max3A_252 = arith.maxsi %shift_right_arithmetic3A_249, %max3A_251 : vector<16xi32>
      %min3A_253 = arith.constant 32767 : i32
      %min3A_254 = vector.broadcast %min3A_253 : i32 to vector<16xi32>
      %min3A_255 = arith.minsi %max3A_252, %min3A_254 : vector<16xi32>
      tpu.vector_store_idx %arg7[%min3A_255], %broadcast_in_dim3A_9 {add = true} : memref<32768xf32, #tpu.memory_space<vmem>>[vector<16xi32>], vector<16xf32>,
      tpu.vector_store_idx %arg8[%min3A_255], %get3A_245 {add = true} : memref<32768xf32, #tpu.memory_space<vmem>>[vector<16xi32>], vector<16xf32>,
    }
    %scan3A_97 = arith.constant 1024 : i32
    %add3A_98 = arith.constant 147456 : i32
    %add3A_99 = arith.addi %mul3A_2, %add3A_98 : i32
    %dma_start3A_100 = tpu.memref_slice %arg2[%add3A_99] : memref<8388608xf32, #tpu.memory_space<hbm>> -> memref<16384xf32, #tpu.memory_space<hbm>>
    %dma_start3A_101 = tpu.memref_slice %arg2[%add3A_99] : memref<8388608xf32, #tpu.memory_space<hbm>> -> memref<16384xf32, #tpu.memory_space<hbm>>
    tpu.enqueue_dma source(%dma_start3A_101 : memref<16384xf32, #tpu.memory_space<hbm>>) target(%arg6 : memref<16384xf32, #tpu.memory_space<vmem>>) target_semaphore(%arg10 : memref<!tpu.dma_semaphore, #tpu.memory_space<semaphore_mem>>)
    %dma_wait3A_102 = tpu.memref_slice %arg2[%add3A_88] : memref<8388608xf32, #tpu.memory_space<hbm>> -> memref<16384xf32, #tpu.memory_space<hbm>>
    %dma_wait3A_103 = tpu.memref_slice %arg2[%add3A_88] : memref<8388608xf32, #tpu.memory_space<hbm>> -> memref<16384xf32, #tpu.memory_space<hbm>>
    tpu.wait_dma2 semaphore(%arg9 : memref<!tpu.dma_semaphore, #tpu.memory_space<semaphore_mem>>) src(%dma_wait3A_103 : memref<16384xf32, #tpu.memory_space<hbm>>) dst(%arg5 : memref<16384xf32, #tpu.memory_space<vmem>>)
    %scan3A_104 = arith.constant 0 : i32
    %scan3A_105 = arith.constant 1024 : i32
    %scan3A_106 = arith.addi %scan3A_104, %scan3A_105 : i32
    %scan3A_107 = arith.constant 4 : i32
    scf.for %scan3A_182 = %scan3A_104 to %scan3A_106 step %scan3A_107  : i32 {
      %mul3A_183 = arith.constant 1 : i32
      %mul3A_184 = arith.muli %scan3A_182, %mul3A_183 : i32
      %add3A_185 = arith.constant 0 : i32
      %add3A_186 = arith.addi %add3A_185, %mul3A_184 : i32
      %mul3A_187 = arith.constant 16 : i32
      %mul3A_188 = arith.muli %add3A_186, %mul3A_187 : i32
      %get3A = arith.index_cast %mul3A_188 : i32 to index
      %get3A_189 = tpu.vector_load %arg5[%get3A] {strides = array<i32>} : memref<16384xf32, #tpu.memory_space<vmem>>, vector<16xf32>,
      %bitcast_convert_type3A = tpu.bitcast %get3A_189 : vector<16xf32> -> vector<16xi32>
      %shift_right_arithmetic3A = arith.constant 16 : i32
      %shift_right_arithmetic3A_190 = vector.broadcast %shift_right_arithmetic3A : i32 to vector<16xi32>
      %shift_right_arithmetic3A_191 = arith.shrsi %bitcast_convert_type3A, %shift_right_arithmetic3A_190 : vector<16xi32>
      %max3A = arith.constant 0 : i32
      %max3A_192 = vector.broadcast %max3A : i32 to vector<16xi32>
      %max3A_193 = arith.maxsi %shift_right_arithmetic3A_191, %max3A_192 : vector<16xi32>
      %min3A = arith.constant 32767 : i32
      %min3A_194 = vector.broadcast %min3A : i32 to vector<16xi32>
      %min3A_195 = arith.minsi %max3A_193, %min3A_194 : vector<16xi32>
      tpu.vector_store_idx %arg7[%min3A_195], %broadcast_in_dim3A_9 {add = true} : memref<32768xf32, #tpu.memory_space<vmem>>[vector<16xi32>], vector<16xf32>,
      tpu.vector_store_idx %arg8[%min3A_195], %get3A_189 {add = true} : memref<32768xf32, #tpu.memory_space<vmem>>[vector<16xi32>], vector<16xf32>,
      %scan3A_196 = arith.constant 1 : i32
      %scan3A_197 = arith.addi %scan3A_182, %scan3A_196 : i32
      %mul3A_198 = arith.constant 1 : i32
      %mul3A_199 = arith.muli %scan3A_197, %mul3A_198 : i32
      %add3A_200 = arith.constant 0 : i32
      %add3A_201 = arith.addi %add3A_200, %mul3A_199 : i32
      %mul3A_202 = arith.constant 16 : i32
      %mul3A_203 = arith.muli %add3A_201, %mul3A_202 : i32
      %get3A_204 = arith.index_cast %mul3A_203 : i32 to index
      %get3A_205 = tpu.vector_load %arg5[%get3A_204] {strides = array<i32>} : memref<16384xf32, #tpu.memory_space<vmem>>, vector<16xf32>,
      %bitcast_convert_type3A_206 = tpu.bitcast %get3A_205 : vector<16xf32> -> vector<16xi32>
      %shift_right_arithmetic3A_207 = arith.constant 16 : i32
      %shift_right_arithmetic3A_208 = vector.broadcast %shift_right_arithmetic3A_207 : i32 to vector<16xi32>
      %shift_right_arithmetic3A_209 = arith.shrsi %bitcast_convert_type3A_206, %shift_right_arithmetic3A_208 : vector<16xi32>
      %max3A_210 = arith.constant 0 : i32
      %max3A_211 = vector.broadcast %max3A_210 : i32 to vector<16xi32>
      %max3A_212 = arith.maxsi %shift_right_arithmetic3A_209, %max3A_211 : vector<16xi32>
      %min3A_213 = arith.constant 32767 : i32
      %min3A_214 = vector.broadcast %min3A_213 : i32 to vector<16xi32>
      %min3A_215 = arith.minsi %max3A_212, %min3A_214 : vector<16xi32>
      tpu.vector_store_idx %arg7[%min3A_215], %broadcast_in_dim3A_9 {add = true} : memref<32768xf32, #tpu.memory_space<vmem>>[vector<16xi32>], vector<16xf32>,
      tpu.vector_store_idx %arg8[%min3A_215], %get3A_205 {add = true} : memref<32768xf32, #tpu.memory_space<vmem>>[vector<16xi32>], vector<16xf32>,
      %scan3A_216 = arith.constant 2 : i32
      %scan3A_217 = arith.addi %scan3A_182, %scan3A_216 : i32
      %mul3A_218 = arith.constant 1 : i32
      %mul3A_219 = arith.muli %scan3A_217, %mul3A_218 : i32
      %add3A_220 = arith.constant 0 : i32
      %add3A_221 = arith.addi %add3A_220, %mul3A_219 : i32
      %mul3A_222 = arith.constant 16 : i32
      %mul3A_223 = arith.muli %add3A_221, %mul3A_222 : i32
      %get3A_224 = arith.index_cast %mul3A_223 : i32 to index
      %get3A_225 = tpu.vector_load %arg5[%get3A_224] {strides = array<i32>} : memref<16384xf32, #tpu.memory_space<vmem>>, vector<16xf32>,
      %bitcast_convert_type3A_226 = tpu.bitcast %get3A_225 : vector<16xf32> -> vector<16xi32>
      %shift_right_arithmetic3A_227 = arith.constant 16 : i32
      %shift_right_arithmetic3A_228 = vector.broadcast %shift_right_arithmetic3A_227 : i32 to vector<16xi32>
      %shift_right_arithmetic3A_229 = arith.shrsi %bitcast_convert_type3A_226, %shift_right_arithmetic3A_228 : vector<16xi32>
      %max3A_230 = arith.constant 0 : i32
      %max3A_231 = vector.broadcast %max3A_230 : i32 to vector<16xi32>
      %max3A_232 = arith.maxsi %shift_right_arithmetic3A_229, %max3A_231 : vector<16xi32>
      %min3A_233 = arith.constant 32767 : i32
      %min3A_234 = vector.broadcast %min3A_233 : i32 to vector<16xi32>
      %min3A_235 = arith.minsi %max3A_232, %min3A_234 : vector<16xi32>
      tpu.vector_store_idx %arg7[%min3A_235], %broadcast_in_dim3A_9 {add = true} : memref<32768xf32, #tpu.memory_space<vmem>>[vector<16xi32>], vector<16xf32>,
      tpu.vector_store_idx %arg8[%min3A_235], %get3A_225 {add = true} : memref<32768xf32, #tpu.memory_space<vmem>>[vector<16xi32>], vector<16xf32>,
      %scan3A_236 = arith.constant 3 : i32
      %scan3A_237 = arith.addi %scan3A_182, %scan3A_236 : i32
      %mul3A_238 = arith.constant 1 : i32
      %mul3A_239 = arith.muli %scan3A_237, %mul3A_238 : i32
      %add3A_240 = arith.constant 0 : i32
      %add3A_241 = arith.addi %add3A_240, %mul3A_239 : i32
      %mul3A_242 = arith.constant 16 : i32
      %mul3A_243 = arith.muli %add3A_241, %mul3A_242 : i32
      %get3A_244 = arith.index_cast %mul3A_243 : i32 to index
      %get3A_245 = tpu.vector_load %arg5[%get3A_244] {strides = array<i32>} : memref<16384xf32, #tpu.memory_space<vmem>>, vector<16xf32>,
      %bitcast_convert_type3A_246 = tpu.bitcast %get3A_245 : vector<16xf32> -> vector<16xi32>
      %shift_right_arithmetic3A_247 = arith.constant 16 : i32
      %shift_right_arithmetic3A_248 = vector.broadcast %shift_right_arithmetic3A_247 : i32 to vector<16xi32>
      %shift_right_arithmetic3A_249 = arith.shrsi %bitcast_convert_type3A_246, %shift_right_arithmetic3A_248 : vector<16xi32>
      %max3A_250 = arith.constant 0 : i32
      %max3A_251 = vector.broadcast %max3A_250 : i32 to vector<16xi32>
      %max3A_252 = arith.maxsi %shift_right_arithmetic3A_249, %max3A_251 : vector<16xi32>
      %min3A_253 = arith.constant 32767 : i32
      %min3A_254 = vector.broadcast %min3A_253 : i32 to vector<16xi32>
      %min3A_255 = arith.minsi %max3A_252, %min3A_254 : vector<16xi32>
      tpu.vector_store_idx %arg7[%min3A_255], %broadcast_in_dim3A_9 {add = true} : memref<32768xf32, #tpu.memory_space<vmem>>[vector<16xi32>], vector<16xf32>,
      tpu.vector_store_idx %arg8[%min3A_255], %get3A_245 {add = true} : memref<32768xf32, #tpu.memory_space<vmem>>[vector<16xi32>], vector<16xf32>,
    }
    %scan3A_108 = arith.constant 1024 : i32
    %add3A_109 = arith.constant 163840 : i32
    %add3A_110 = arith.addi %mul3A_2, %add3A_109 : i32
    %dma_start3A_111 = tpu.memref_slice %arg2[%add3A_110] : memref<8388608xf32, #tpu.memory_space<hbm>> -> memref<16384xf32, #tpu.memory_space<hbm>>
    %dma_start3A_112 = tpu.memref_slice %arg2[%add3A_110] : memref<8388608xf32, #tpu.memory_space<hbm>> -> memref<16384xf32, #tpu.memory_space<hbm>>
    tpu.enqueue_dma source(%dma_start3A_112 : memref<16384xf32, #tpu.memory_space<hbm>>) target(%arg5 : memref<16384xf32, #tpu.memory_space<vmem>>) target_semaphore(%arg9 : memref<!tpu.dma_semaphore, #tpu.memory_space<semaphore_mem>>)
    %dma_wait3A_113 = tpu.memref_slice %arg2[%add3A_99] : memref<8388608xf32, #tpu.memory_space<hbm>> -> memref<16384xf32, #tpu.memory_space<hbm>>
    %dma_wait3A_114 = tpu.memref_slice %arg2[%add3A_99] : memref<8388608xf32, #tpu.memory_space<hbm>> -> memref<16384xf32, #tpu.memory_space<hbm>>
    tpu.wait_dma2 semaphore(%arg10 : memref<!tpu.dma_semaphore, #tpu.memory_space<semaphore_mem>>) src(%dma_wait3A_114 : memref<16384xf32, #tpu.memory_space<hbm>>) dst(%arg6 : memref<16384xf32, #tpu.memory_space<vmem>>)
    %scan3A_115 = arith.constant 0 : i32
    %scan3A_116 = arith.constant 1024 : i32
    %scan3A_117 = arith.addi %scan3A_115, %scan3A_116 : i32
    %scan3A_118 = arith.constant 4 : i32
    scf.for %scan3A_182 = %scan3A_115 to %scan3A_117 step %scan3A_118  : i32 {
      %mul3A_183 = arith.constant 1 : i32
      %mul3A_184 = arith.muli %scan3A_182, %mul3A_183 : i32
      %add3A_185 = arith.constant 0 : i32
      %add3A_186 = arith.addi %add3A_185, %mul3A_184 : i32
      %mul3A_187 = arith.constant 16 : i32
      %mul3A_188 = arith.muli %add3A_186, %mul3A_187 : i32
      %get3A = arith.index_cast %mul3A_188 : i32 to index
      %get3A_189 = tpu.vector_load %arg6[%get3A] {strides = array<i32>} : memref<16384xf32, #tpu.memory_space<vmem>>, vector<16xf32>,
      %bitcast_convert_type3A = tpu.bitcast %get3A_189 : vector<16xf32> -> vector<16xi32>
      %shift_right_arithmetic3A = arith.constant 16 : i32
      %shift_right_arithmetic3A_190 = vector.broadcast %shift_right_arithmetic3A : i32 to vector<16xi32>
      %shift_right_arithmetic3A_191 = arith.shrsi %bitcast_convert_type3A, %shift_right_arithmetic3A_190 : vector<16xi32>
      %max3A = arith.constant 0 : i32
      %max3A_192 = vector.broadcast %max3A : i32 to vector<16xi32>
      %max3A_193 = arith.maxsi %shift_right_arithmetic3A_191, %max3A_192 : vector<16xi32>
      %min3A = arith.constant 32767 : i32
      %min3A_194 = vector.broadcast %min3A : i32 to vector<16xi32>
      %min3A_195 = arith.minsi %max3A_193, %min3A_194 : vector<16xi32>
      tpu.vector_store_idx %arg7[%min3A_195], %broadcast_in_dim3A_9 {add = true} : memref<32768xf32, #tpu.memory_space<vmem>>[vector<16xi32>], vector<16xf32>,
      tpu.vector_store_idx %arg8[%min3A_195], %get3A_189 {add = true} : memref<32768xf32, #tpu.memory_space<vmem>>[vector<16xi32>], vector<16xf32>,
      %scan3A_196 = arith.constant 1 : i32
      %scan3A_197 = arith.addi %scan3A_182, %scan3A_196 : i32
      %mul3A_198 = arith.constant 1 : i32
      %mul3A_199 = arith.muli %scan3A_197, %mul3A_198 : i32
      %add3A_200 = arith.constant 0 : i32
      %add3A_201 = arith.addi %add3A_200, %mul3A_199 : i32
      %mul3A_202 = arith.constant 16 : i32
      %mul3A_203 = arith.muli %add3A_201, %mul3A_202 : i32
      %get3A_204 = arith.index_cast %mul3A_203 : i32 to index
      %get3A_205 = tpu.vector_load %arg6[%get3A_204] {strides = array<i32>} : memref<16384xf32, #tpu.memory_space<vmem>>, vector<16xf32>,
      %bitcast_convert_type3A_206 = tpu.bitcast %get3A_205 : vector<16xf32> -> vector<16xi32>
      %shift_right_arithmetic3A_207 = arith.constant 16 : i32
      %shift_right_arithmetic3A_208 = vector.broadcast %shift_right_arithmetic3A_207 : i32 to vector<16xi32>
      %shift_right_arithmetic3A_209 = arith.shrsi %bitcast_convert_type3A_206, %shift_right_arithmetic3A_208 : vector<16xi32>
      %max3A_210 = arith.constant 0 : i32
      %max3A_211 = vector.broadcast %max3A_210 : i32 to vector<16xi32>
      %max3A_212 = arith.maxsi %shift_right_arithmetic3A_209, %max3A_211 : vector<16xi32>
      %min3A_213 = arith.constant 32767 : i32
      %min3A_214 = vector.broadcast %min3A_213 : i32 to vector<16xi32>
      %min3A_215 = arith.minsi %max3A_212, %min3A_214 : vector<16xi32>
      tpu.vector_store_idx %arg7[%min3A_215], %broadcast_in_dim3A_9 {add = true} : memref<32768xf32, #tpu.memory_space<vmem>>[vector<16xi32>], vector<16xf32>,
      tpu.vector_store_idx %arg8[%min3A_215], %get3A_205 {add = true} : memref<32768xf32, #tpu.memory_space<vmem>>[vector<16xi32>], vector<16xf32>,
      %scan3A_216 = arith.constant 2 : i32
      %scan3A_217 = arith.addi %scan3A_182, %scan3A_216 : i32
      %mul3A_218 = arith.constant 1 : i32
      %mul3A_219 = arith.muli %scan3A_217, %mul3A_218 : i32
      %add3A_220 = arith.constant 0 : i32
      %add3A_221 = arith.addi %add3A_220, %mul3A_219 : i32
      %mul3A_222 = arith.constant 16 : i32
      %mul3A_223 = arith.muli %add3A_221, %mul3A_222 : i32
      %get3A_224 = arith.index_cast %mul3A_223 : i32 to index
      %get3A_225 = tpu.vector_load %arg6[%get3A_224] {strides = array<i32>} : memref<16384xf32, #tpu.memory_space<vmem>>, vector<16xf32>,
      %bitcast_convert_type3A_226 = tpu.bitcast %get3A_225 : vector<16xf32> -> vector<16xi32>
      %shift_right_arithmetic3A_227 = arith.constant 16 : i32
      %shift_right_arithmetic3A_228 = vector.broadcast %shift_right_arithmetic3A_227 : i32 to vector<16xi32>
      %shift_right_arithmetic3A_229 = arith.shrsi %bitcast_convert_type3A_226, %shift_right_arithmetic3A_228 : vector<16xi32>
      %max3A_230 = arith.constant 0 : i32
      %max3A_231 = vector.broadcast %max3A_230 : i32 to vector<16xi32>
      %max3A_232 = arith.maxsi %shift_right_arithmetic3A_229, %max3A_231 : vector<16xi32>
      %min3A_233 = arith.constant 32767 : i32
      %min3A_234 = vector.broadcast %min3A_233 : i32 to vector<16xi32>
      %min3A_235 = arith.minsi %max3A_232, %min3A_234 : vector<16xi32>
      tpu.vector_store_idx %arg7[%min3A_235], %broadcast_in_dim3A_9 {add = true} : memref<32768xf32, #tpu.memory_space<vmem>>[vector<16xi32>], vector<16xf32>,
      tpu.vector_store_idx %arg8[%min3A_235], %get3A_225 {add = true} : memref<32768xf32, #tpu.memory_space<vmem>>[vector<16xi32>], vector<16xf32>,
      %scan3A_236 = arith.constant 3 : i32
      %scan3A_237 = arith.addi %scan3A_182, %scan3A_236 : i32
      %mul3A_238 = arith.constant 1 : i32
      %mul3A_239 = arith.muli %scan3A_237, %mul3A_238 : i32
      %add3A_240 = arith.constant 0 : i32
      %add3A_241 = arith.addi %add3A_240, %mul3A_239 : i32
      %mul3A_242 = arith.constant 16 : i32
      %mul3A_243 = arith.muli %add3A_241, %mul3A_242 : i32
      %get3A_244 = arith.index_cast %mul3A_243 : i32 to index
      %get3A_245 = tpu.vector_load %arg6[%get3A_244] {strides = array<i32>} : memref<16384xf32, #tpu.memory_space<vmem>>, vector<16xf32>,
      %bitcast_convert_type3A_246 = tpu.bitcast %get3A_245 : vector<16xf32> -> vector<16xi32>
      %shift_right_arithmetic3A_247 = arith.constant 16 : i32
      %shift_right_arithmetic3A_248 = vector.broadcast %shift_right_arithmetic3A_247 : i32 to vector<16xi32>
      %shift_right_arithmetic3A_249 = arith.shrsi %bitcast_convert_type3A_246, %shift_right_arithmetic3A_248 : vector<16xi32>
      %max3A_250 = arith.constant 0 : i32
      %max3A_251 = vector.broadcast %max3A_250 : i32 to vector<16xi32>
      %max3A_252 = arith.maxsi %shift_right_arithmetic3A_249, %max3A_251 : vector<16xi32>
      %min3A_253 = arith.constant 32767 : i32
      %min3A_254 = vector.broadcast %min3A_253 : i32 to vector<16xi32>
      %min3A_255 = arith.minsi %max3A_252, %min3A_254 : vector<16xi32>
      tpu.vector_store_idx %arg7[%min3A_255], %broadcast_in_dim3A_9 {add = true} : memref<32768xf32, #tpu.memory_space<vmem>>[vector<16xi32>], vector<16xf32>,
      tpu.vector_store_idx %arg8[%min3A_255], %get3A_245 {add = true} : memref<32768xf32, #tpu.memory_space<vmem>>[vector<16xi32>], vector<16xf32>,
    }
    %scan3A_119 = arith.constant 1024 : i32
    %add3A_120 = arith.constant 180224 : i32
    %add3A_121 = arith.addi %mul3A_2, %add3A_120 : i32
    %dma_start3A_122 = tpu.memref_slice %arg2[%add3A_121] : memref<8388608xf32, #tpu.memory_space<hbm>> -> memref<16384xf32, #tpu.memory_space<hbm>>
    %dma_start3A_123 = tpu.memref_slice %arg2[%add3A_121] : memref<8388608xf32, #tpu.memory_space<hbm>> -> memref<16384xf32, #tpu.memory_space<hbm>>
    tpu.enqueue_dma source(%dma_start3A_123 : memref<16384xf32, #tpu.memory_space<hbm>>) target(%arg6 : memref<16384xf32, #tpu.memory_space<vmem>>) target_semaphore(%arg10 : memref<!tpu.dma_semaphore, #tpu.memory_space<semaphore_mem>>)
    %dma_wait3A_124 = tpu.memref_slice %arg2[%add3A_110] : memref<8388608xf32, #tpu.memory_space<hbm>> -> memref<16384xf32, #tpu.memory_space<hbm>>
    %dma_wait3A_125 = tpu.memref_slice %arg2[%add3A_110] : memref<8388608xf32, #tpu.memory_space<hbm>> -> memref<16384xf32, #tpu.memory_space<hbm>>
    tpu.wait_dma2 semaphore(%arg9 : memref<!tpu.dma_semaphore, #tpu.memory_space<semaphore_mem>>) src(%dma_wait3A_125 : memref<16384xf32, #tpu.memory_space<hbm>>) dst(%arg5 : memref<16384xf32, #tpu.memory_space<vmem>>)
    %scan3A_126 = arith.constant 0 : i32
    %scan3A_127 = arith.constant 1024 : i32
    %scan3A_128 = arith.addi %scan3A_126, %scan3A_127 : i32
    %scan3A_129 = arith.constant 4 : i32
    scf.for %scan3A_182 = %scan3A_126 to %scan3A_128 step %scan3A_129  : i32 {
      %mul3A_183 = arith.constant 1 : i32
      %mul3A_184 = arith.muli %scan3A_182, %mul3A_183 : i32
      %add3A_185 = arith.constant 0 : i32
      %add3A_186 = arith.addi %add3A_185, %mul3A_184 : i32
      %mul3A_187 = arith.constant 16 : i32
      %mul3A_188 = arith.muli %add3A_186, %mul3A_187 : i32
      %get3A = arith.index_cast %mul3A_188 : i32 to index
      %get3A_189 = tpu.vector_load %arg5[%get3A] {strides = array<i32>} : memref<16384xf32, #tpu.memory_space<vmem>>, vector<16xf32>,
      %bitcast_convert_type3A = tpu.bitcast %get3A_189 : vector<16xf32> -> vector<16xi32>
      %shift_right_arithmetic3A = arith.constant 16 : i32
      %shift_right_arithmetic3A_190 = vector.broadcast %shift_right_arithmetic3A : i32 to vector<16xi32>
      %shift_right_arithmetic3A_191 = arith.shrsi %bitcast_convert_type3A, %shift_right_arithmetic3A_190 : vector<16xi32>
      %max3A = arith.constant 0 : i32
      %max3A_192 = vector.broadcast %max3A : i32 to vector<16xi32>
      %max3A_193 = arith.maxsi %shift_right_arithmetic3A_191, %max3A_192 : vector<16xi32>
      %min3A = arith.constant 32767 : i32
      %min3A_194 = vector.broadcast %min3A : i32 to vector<16xi32>
      %min3A_195 = arith.minsi %max3A_193, %min3A_194 : vector<16xi32>
      tpu.vector_store_idx %arg7[%min3A_195], %broadcast_in_dim3A_9 {add = true} : memref<32768xf32, #tpu.memory_space<vmem>>[vector<16xi32>], vector<16xf32>,
      tpu.vector_store_idx %arg8[%min3A_195], %get3A_189 {add = true} : memref<32768xf32, #tpu.memory_space<vmem>>[vector<16xi32>], vector<16xf32>,
      %scan3A_196 = arith.constant 1 : i32
      %scan3A_197 = arith.addi %scan3A_182, %scan3A_196 : i32
      %mul3A_198 = arith.constant 1 : i32
      %mul3A_199 = arith.muli %scan3A_197, %mul3A_198 : i32
      %add3A_200 = arith.constant 0 : i32
      %add3A_201 = arith.addi %add3A_200, %mul3A_199 : i32
      %mul3A_202 = arith.constant 16 : i32
      %mul3A_203 = arith.muli %add3A_201, %mul3A_202 : i32
      %get3A_204 = arith.index_cast %mul3A_203 : i32 to index
      %get3A_205 = tpu.vector_load %arg5[%get3A_204] {strides = array<i32>} : memref<16384xf32, #tpu.memory_space<vmem>>, vector<16xf32>,
      %bitcast_convert_type3A_206 = tpu.bitcast %get3A_205 : vector<16xf32> -> vector<16xi32>
      %shift_right_arithmetic3A_207 = arith.constant 16 : i32
      %shift_right_arithmetic3A_208 = vector.broadcast %shift_right_arithmetic3A_207 : i32 to vector<16xi32>
      %shift_right_arithmetic3A_209 = arith.shrsi %bitcast_convert_type3A_206, %shift_right_arithmetic3A_208 : vector<16xi32>
      %max3A_210 = arith.constant 0 : i32
      %max3A_211 = vector.broadcast %max3A_210 : i32 to vector<16xi32>
      %max3A_212 = arith.maxsi %shift_right_arithmetic3A_209, %max3A_211 : vector<16xi32>
      %min3A_213 = arith.constant 32767 : i32
      %min3A_214 = vector.broadcast %min3A_213 : i32 to vector<16xi32>
      %min3A_215 = arith.minsi %max3A_212, %min3A_214 : vector<16xi32>
      tpu.vector_store_idx %arg7[%min3A_215], %broadcast_in_dim3A_9 {add = true} : memref<32768xf32, #tpu.memory_space<vmem>>[vector<16xi32>], vector<16xf32>,
      tpu.vector_store_idx %arg8[%min3A_215], %get3A_205 {add = true} : memref<32768xf32, #tpu.memory_space<vmem>>[vector<16xi32>], vector<16xf32>,
      %scan3A_216 = arith.constant 2 : i32
      %scan3A_217 = arith.addi %scan3A_182, %scan3A_216 : i32
      %mul3A_218 = arith.constant 1 : i32
      %mul3A_219 = arith.muli %scan3A_217, %mul3A_218 : i32
      %add3A_220 = arith.constant 0 : i32
      %add3A_221 = arith.addi %add3A_220, %mul3A_219 : i32
      %mul3A_222 = arith.constant 16 : i32
      %mul3A_223 = arith.muli %add3A_221, %mul3A_222 : i32
      %get3A_224 = arith.index_cast %mul3A_223 : i32 to index
      %get3A_225 = tpu.vector_load %arg5[%get3A_224] {strides = array<i32>} : memref<16384xf32, #tpu.memory_space<vmem>>, vector<16xf32>,
      %bitcast_convert_type3A_226 = tpu.bitcast %get3A_225 : vector<16xf32> -> vector<16xi32>
      %shift_right_arithmetic3A_227 = arith.constant 16 : i32
      %shift_right_arithmetic3A_228 = vector.broadcast %shift_right_arithmetic3A_227 : i32 to vector<16xi32>
      %shift_right_arithmetic3A_229 = arith.shrsi %bitcast_convert_type3A_226, %shift_right_arithmetic3A_228 : vector<16xi32>
      %max3A_230 = arith.constant 0 : i32
      %max3A_231 = vector.broadcast %max3A_230 : i32 to vector<16xi32>
      %max3A_232 = arith.maxsi %shift_right_arithmetic3A_229, %max3A_231 : vector<16xi32>
      %min3A_233 = arith.constant 32767 : i32
      %min3A_234 = vector.broadcast %min3A_233 : i32 to vector<16xi32>
      %min3A_235 = arith.minsi %max3A_232, %min3A_234 : vector<16xi32>
      tpu.vector_store_idx %arg7[%min3A_235], %broadcast_in_dim3A_9 {add = true} : memref<32768xf32, #tpu.memory_space<vmem>>[vector<16xi32>], vector<16xf32>,
      tpu.vector_store_idx %arg8[%min3A_235], %get3A_225 {add = true} : memref<32768xf32, #tpu.memory_space<vmem>>[vector<16xi32>], vector<16xf32>,
      %scan3A_236 = arith.constant 3 : i32
      %scan3A_237 = arith.addi %scan3A_182, %scan3A_236 : i32
      %mul3A_238 = arith.constant 1 : i32
      %mul3A_239 = arith.muli %scan3A_237, %mul3A_238 : i32
      %add3A_240 = arith.constant 0 : i32
      %add3A_241 = arith.addi %add3A_240, %mul3A_239 : i32
      %mul3A_242 = arith.constant 16 : i32
      %mul3A_243 = arith.muli %add3A_241, %mul3A_242 : i32
      %get3A_244 = arith.index_cast %mul3A_243 : i32 to index
      %get3A_245 = tpu.vector_load %arg5[%get3A_244] {strides = array<i32>} : memref<16384xf32, #tpu.memory_space<vmem>>, vector<16xf32>,
      %bitcast_convert_type3A_246 = tpu.bitcast %get3A_245 : vector<16xf32> -> vector<16xi32>
      %shift_right_arithmetic3A_247 = arith.constant 16 : i32
      %shift_right_arithmetic3A_248 = vector.broadcast %shift_right_arithmetic3A_247 : i32 to vector<16xi32>
      %shift_right_arithmetic3A_249 = arith.shrsi %bitcast_convert_type3A_246, %shift_right_arithmetic3A_248 : vector<16xi32>
      %max3A_250 = arith.constant 0 : i32
      %max3A_251 = vector.broadcast %max3A_250 : i32 to vector<16xi32>
      %max3A_252 = arith.maxsi %shift_right_arithmetic3A_249, %max3A_251 : vector<16xi32>
      %min3A_253 = arith.constant 32767 : i32
      %min3A_254 = vector.broadcast %min3A_253 : i32 to vector<16xi32>
      %min3A_255 = arith.minsi %max3A_252, %min3A_254 : vector<16xi32>
      tpu.vector_store_idx %arg7[%min3A_255], %broadcast_in_dim3A_9 {add = true} : memref<32768xf32, #tpu.memory_space<vmem>>[vector<16xi32>], vector<16xf32>,
      tpu.vector_store_idx %arg8[%min3A_255], %get3A_245 {add = true} : memref<32768xf32, #tpu.memory_space<vmem>>[vector<16xi32>], vector<16xf32>,
    }
    %scan3A_130 = arith.constant 1024 : i32
    %add3A_131 = arith.constant 196608 : i32
    %add3A_132 = arith.addi %mul3A_2, %add3A_131 : i32
    %dma_start3A_133 = tpu.memref_slice %arg2[%add3A_132] : memref<8388608xf32, #tpu.memory_space<hbm>> -> memref<16384xf32, #tpu.memory_space<hbm>>
    %dma_start3A_134 = tpu.memref_slice %arg2[%add3A_132] : memref<8388608xf32, #tpu.memory_space<hbm>> -> memref<16384xf32, #tpu.memory_space<hbm>>
    tpu.enqueue_dma source(%dma_start3A_134 : memref<16384xf32, #tpu.memory_space<hbm>>) target(%arg5 : memref<16384xf32, #tpu.memory_space<vmem>>) target_semaphore(%arg9 : memref<!tpu.dma_semaphore, #tpu.memory_space<semaphore_mem>>)
    %dma_wait3A_135 = tpu.memref_slice %arg2[%add3A_121] : memref<8388608xf32, #tpu.memory_space<hbm>> -> memref<16384xf32, #tpu.memory_space<hbm>>
    %dma_wait3A_136 = tpu.memref_slice %arg2[%add3A_121] : memref<8388608xf32, #tpu.memory_space<hbm>> -> memref<16384xf32, #tpu.memory_space<hbm>>
    tpu.wait_dma2 semaphore(%arg10 : memref<!tpu.dma_semaphore, #tpu.memory_space<semaphore_mem>>) src(%dma_wait3A_136 : memref<16384xf32, #tpu.memory_space<hbm>>) dst(%arg6 : memref<16384xf32, #tpu.memory_space<vmem>>)
    %scan3A_137 = arith.constant 0 : i32
    %scan3A_138 = arith.constant 1024 : i32
    %scan3A_139 = arith.addi %scan3A_137, %scan3A_138 : i32
    %scan3A_140 = arith.constant 4 : i32
    scf.for %scan3A_182 = %scan3A_137 to %scan3A_139 step %scan3A_140  : i32 {
      %mul3A_183 = arith.constant 1 : i32
      %mul3A_184 = arith.muli %scan3A_182, %mul3A_183 : i32
      %add3A_185 = arith.constant 0 : i32
      %add3A_186 = arith.addi %add3A_185, %mul3A_184 : i32
      %mul3A_187 = arith.constant 16 : i32
      %mul3A_188 = arith.muli %add3A_186, %mul3A_187 : i32
      %get3A = arith.index_cast %mul3A_188 : i32 to index
      %get3A_189 = tpu.vector_load %arg6[%get3A] {strides = array<i32>} : memref<16384xf32, #tpu.memory_space<vmem>>, vector<16xf32>,
      %bitcast_convert_type3A = tpu.bitcast %get3A_189 : vector<16xf32> -> vector<16xi32>
      %shift_right_arithmetic3A = arith.constant 16 : i32
      %shift_right_arithmetic3A_190 = vector.broadcast %shift_right_arithmetic3A : i32 to vector<16xi32>
      %shift_right_arithmetic3A_191 = arith.shrsi %bitcast_convert_type3A, %shift_right_arithmetic3A_190 : vector<16xi32>
      %max3A = arith.constant 0 : i32
      %max3A_192 = vector.broadcast %max3A : i32 to vector<16xi32>
      %max3A_193 = arith.maxsi %shift_right_arithmetic3A_191, %max3A_192 : vector<16xi32>
      %min3A = arith.constant 32767 : i32
      %min3A_194 = vector.broadcast %min3A : i32 to vector<16xi32>
      %min3A_195 = arith.minsi %max3A_193, %min3A_194 : vector<16xi32>
      tpu.vector_store_idx %arg7[%min3A_195], %broadcast_in_dim3A_9 {add = true} : memref<32768xf32, #tpu.memory_space<vmem>>[vector<16xi32>], vector<16xf32>,
      tpu.vector_store_idx %arg8[%min3A_195], %get3A_189 {add = true} : memref<32768xf32, #tpu.memory_space<vmem>>[vector<16xi32>], vector<16xf32>,
      %scan3A_196 = arith.constant 1 : i32
      %scan3A_197 = arith.addi %scan3A_182, %scan3A_196 : i32
      %mul3A_198 = arith.constant 1 : i32
      %mul3A_199 = arith.muli %scan3A_197, %mul3A_198 : i32
      %add3A_200 = arith.constant 0 : i32
      %add3A_201 = arith.addi %add3A_200, %mul3A_199 : i32
      %mul3A_202 = arith.constant 16 : i32
      %mul3A_203 = arith.muli %add3A_201, %mul3A_202 : i32
      %get3A_204 = arith.index_cast %mul3A_203 : i32 to index
      %get3A_205 = tpu.vector_load %arg6[%get3A_204] {strides = array<i32>} : memref<16384xf32, #tpu.memory_space<vmem>>, vector<16xf32>,
      %bitcast_convert_type3A_206 = tpu.bitcast %get3A_205 : vector<16xf32> -> vector<16xi32>
      %shift_right_arithmetic3A_207 = arith.constant 16 : i32
      %shift_right_arithmetic3A_208 = vector.broadcast %shift_right_arithmetic3A_207 : i32 to vector<16xi32>
      %shift_right_arithmetic3A_209 = arith.shrsi %bitcast_convert_type3A_206, %shift_right_arithmetic3A_208 : vector<16xi32>
      %max3A_210 = arith.constant 0 : i32
      %max3A_211 = vector.broadcast %max3A_210 : i32 to vector<16xi32>
      %max3A_212 = arith.maxsi %shift_right_arithmetic3A_209, %max3A_211 : vector<16xi32>
      %min3A_213 = arith.constant 32767 : i32
      %min3A_214 = vector.broadcast %min3A_213 : i32 to vector<16xi32>
      %min3A_215 = arith.minsi %max3A_212, %min3A_214 : vector<16xi32>
      tpu.vector_store_idx %arg7[%min3A_215], %broadcast_in_dim3A_9 {add = true} : memref<32768xf32, #tpu.memory_space<vmem>>[vector<16xi32>], vector<16xf32>,
      tpu.vector_store_idx %arg8[%min3A_215], %get3A_205 {add = true} : memref<32768xf32, #tpu.memory_space<vmem>>[vector<16xi32>], vector<16xf32>,
      %scan3A_216 = arith.constant 2 : i32
      %scan3A_217 = arith.addi %scan3A_182, %scan3A_216 : i32
      %mul3A_218 = arith.constant 1 : i32
      %mul3A_219 = arith.muli %scan3A_217, %mul3A_218 : i32
      %add3A_220 = arith.constant 0 : i32
      %add3A_221 = arith.addi %add3A_220, %mul3A_219 : i32
      %mul3A_222 = arith.constant 16 : i32
      %mul3A_223 = arith.muli %add3A_221, %mul3A_222 : i32
      %get3A_224 = arith.index_cast %mul3A_223 : i32 to index
      %get3A_225 = tpu.vector_load %arg6[%get3A_224] {strides = array<i32>} : memref<16384xf32, #tpu.memory_space<vmem>>, vector<16xf32>,
      %bitcast_convert_type3A_226 = tpu.bitcast %get3A_225 : vector<16xf32> -> vector<16xi32>
      %shift_right_arithmetic3A_227 = arith.constant 16 : i32
      %shift_right_arithmetic3A_228 = vector.broadcast %shift_right_arithmetic3A_227 : i32 to vector<16xi32>
      %shift_right_arithmetic3A_229 = arith.shrsi %bitcast_convert_type3A_226, %shift_right_arithmetic3A_228 : vector<16xi32>
      %max3A_230 = arith.constant 0 : i32
      %max3A_231 = vector.broadcast %max3A_230 : i32 to vector<16xi32>
      %max3A_232 = arith.maxsi %shift_right_arithmetic3A_229, %max3A_231 : vector<16xi32>
      %min3A_233 = arith.constant 32767 : i32
      %min3A_234 = vector.broadcast %min3A_233 : i32 to vector<16xi32>
      %min3A_235 = arith.minsi %max3A_232, %min3A_234 : vector<16xi32>
      tpu.vector_store_idx %arg7[%min3A_235], %broadcast_in_dim3A_9 {add = true} : memref<32768xf32, #tpu.memory_space<vmem>>[vector<16xi32>], vector<16xf32>,
      tpu.vector_store_idx %arg8[%min3A_235], %get3A_225 {add = true} : memref<32768xf32, #tpu.memory_space<vmem>>[vector<16xi32>], vector<16xf32>,
      %scan3A_236 = arith.constant 3 : i32
      %scan3A_237 = arith.addi %scan3A_182, %scan3A_236 : i32
      %mul3A_238 = arith.constant 1 : i32
      %mul3A_239 = arith.muli %scan3A_237, %mul3A_238 : i32
      %add3A_240 = arith.constant 0 : i32
      %add3A_241 = arith.addi %add3A_240, %mul3A_239 : i32
      %mul3A_242 = arith.constant 16 : i32
      %mul3A_243 = arith.muli %add3A_241, %mul3A_242 : i32
      %get3A_244 = arith.index_cast %mul3A_243 : i32 to index
      %get3A_245 = tpu.vector_load %arg6[%get3A_244] {strides = array<i32>} : memref<16384xf32, #tpu.memory_space<vmem>>, vector<16xf32>,
      %bitcast_convert_type3A_246 = tpu.bitcast %get3A_245 : vector<16xf32> -> vector<16xi32>
      %shift_right_arithmetic3A_247 = arith.constant 16 : i32
      %shift_right_arithmetic3A_248 = vector.broadcast %shift_right_arithmetic3A_247 : i32 to vector<16xi32>
      %shift_right_arithmetic3A_249 = arith.shrsi %bitcast_convert_type3A_246, %shift_right_arithmetic3A_248 : vector<16xi32>
      %max3A_250 = arith.constant 0 : i32
      %max3A_251 = vector.broadcast %max3A_250 : i32 to vector<16xi32>
      %max3A_252 = arith.maxsi %shift_right_arithmetic3A_249, %max3A_251 : vector<16xi32>
      %min3A_253 = arith.constant 32767 : i32
      %min3A_254 = vector.broadcast %min3A_253 : i32 to vector<16xi32>
      %min3A_255 = arith.minsi %max3A_252, %min3A_254 : vector<16xi32>
      tpu.vector_store_idx %arg7[%min3A_255], %broadcast_in_dim3A_9 {add = true} : memref<32768xf32, #tpu.memory_space<vmem>>[vector<16xi32>], vector<16xf32>,
      tpu.vector_store_idx %arg8[%min3A_255], %get3A_245 {add = true} : memref<32768xf32, #tpu.memory_space<vmem>>[vector<16xi32>], vector<16xf32>,
    }
    %scan3A_141 = arith.constant 1024 : i32
    %add3A_142 = arith.constant 212992 : i32
    %add3A_143 = arith.addi %mul3A_2, %add3A_142 : i32
    %dma_start3A_144 = tpu.memref_slice %arg2[%add3A_143] : memref<8388608xf32, #tpu.memory_space<hbm>> -> memref<16384xf32, #tpu.memory_space<hbm>>
    %dma_start3A_145 = tpu.memref_slice %arg2[%add3A_143] : memref<8388608xf32, #tpu.memory_space<hbm>> -> memref<16384xf32, #tpu.memory_space<hbm>>
    tpu.enqueue_dma source(%dma_start3A_145 : memref<16384xf32, #tpu.memory_space<hbm>>) target(%arg6 : memref<16384xf32, #tpu.memory_space<vmem>>) target_semaphore(%arg10 : memref<!tpu.dma_semaphore, #tpu.memory_space<semaphore_mem>>)
    %dma_wait3A_146 = tpu.memref_slice %arg2[%add3A_132] : memref<8388608xf32, #tpu.memory_space<hbm>> -> memref<16384xf32, #tpu.memory_space<hbm>>
    %dma_wait3A_147 = tpu.memref_slice %arg2[%add3A_132] : memref<8388608xf32, #tpu.memory_space<hbm>> -> memref<16384xf32, #tpu.memory_space<hbm>>
    tpu.wait_dma2 semaphore(%arg9 : memref<!tpu.dma_semaphore, #tpu.memory_space<semaphore_mem>>) src(%dma_wait3A_147 : memref<16384xf32, #tpu.memory_space<hbm>>) dst(%arg5 : memref<16384xf32, #tpu.memory_space<vmem>>)
    %scan3A_148 = arith.constant 0 : i32
    %scan3A_149 = arith.constant 1024 : i32
    %scan3A_150 = arith.addi %scan3A_148, %scan3A_149 : i32
    %scan3A_151 = arith.constant 4 : i32
    scf.for %scan3A_182 = %scan3A_148 to %scan3A_150 step %scan3A_151  : i32 {
      %mul3A_183 = arith.constant 1 : i32
      %mul3A_184 = arith.muli %scan3A_182, %mul3A_183 : i32
      %add3A_185 = arith.constant 0 : i32
      %add3A_186 = arith.addi %add3A_185, %mul3A_184 : i32
      %mul3A_187 = arith.constant 16 : i32
      %mul3A_188 = arith.muli %add3A_186, %mul3A_187 : i32
      %get3A = arith.index_cast %mul3A_188 : i32 to index
      %get3A_189 = tpu.vector_load %arg5[%get3A] {strides = array<i32>} : memref<16384xf32, #tpu.memory_space<vmem>>, vector<16xf32>,
      %bitcast_convert_type3A = tpu.bitcast %get3A_189 : vector<16xf32> -> vector<16xi32>
      %shift_right_arithmetic3A = arith.constant 16 : i32
      %shift_right_arithmetic3A_190 = vector.broadcast %shift_right_arithmetic3A : i32 to vector<16xi32>
      %shift_right_arithmetic3A_191 = arith.shrsi %bitcast_convert_type3A, %shift_right_arithmetic3A_190 : vector<16xi32>
      %max3A = arith.constant 0 : i32
      %max3A_192 = vector.broadcast %max3A : i32 to vector<16xi32>
      %max3A_193 = arith.maxsi %shift_right_arithmetic3A_191, %max3A_192 : vector<16xi32>
      %min3A = arith.constant 32767 : i32
      %min3A_194 = vector.broadcast %min3A : i32 to vector<16xi32>
      %min3A_195 = arith.minsi %max3A_193, %min3A_194 : vector<16xi32>
      tpu.vector_store_idx %arg7[%min3A_195], %broadcast_in_dim3A_9 {add = true} : memref<32768xf32, #tpu.memory_space<vmem>>[vector<16xi32>], vector<16xf32>,
      tpu.vector_store_idx %arg8[%min3A_195], %get3A_189 {add = true} : memref<32768xf32, #tpu.memory_space<vmem>>[vector<16xi32>], vector<16xf32>,
      %scan3A_196 = arith.constant 1 : i32
      %scan3A_197 = arith.addi %scan3A_182, %scan3A_196 : i32
      %mul3A_198 = arith.constant 1 : i32
      %mul3A_199 = arith.muli %scan3A_197, %mul3A_198 : i32
      %add3A_200 = arith.constant 0 : i32
      %add3A_201 = arith.addi %add3A_200, %mul3A_199 : i32
      %mul3A_202 = arith.constant 16 : i32
      %mul3A_203 = arith.muli %add3A_201, %mul3A_202 : i32
      %get3A_204 = arith.index_cast %mul3A_203 : i32 to index
      %get3A_205 = tpu.vector_load %arg5[%get3A_204] {strides = array<i32>} : memref<16384xf32, #tpu.memory_space<vmem>>, vector<16xf32>,
      %bitcast_convert_type3A_206 = tpu.bitcast %get3A_205 : vector<16xf32> -> vector<16xi32>
      %shift_right_arithmetic3A_207 = arith.constant 16 : i32
      %shift_right_arithmetic3A_208 = vector.broadcast %shift_right_arithmetic3A_207 : i32 to vector<16xi32>
      %shift_right_arithmetic3A_209 = arith.shrsi %bitcast_convert_type3A_206, %shift_right_arithmetic3A_208 : vector<16xi32>
      %max3A_210 = arith.constant 0 : i32
      %max3A_211 = vector.broadcast %max3A_210 : i32 to vector<16xi32>
      %max3A_212 = arith.maxsi %shift_right_arithmetic3A_209, %max3A_211 : vector<16xi32>
      %min3A_213 = arith.constant 32767 : i32
      %min3A_214 = vector.broadcast %min3A_213 : i32 to vector<16xi32>
      %min3A_215 = arith.minsi %max3A_212, %min3A_214 : vector<16xi32>
      tpu.vector_store_idx %arg7[%min3A_215], %broadcast_in_dim3A_9 {add = true} : memref<32768xf32, #tpu.memory_space<vmem>>[vector<16xi32>], vector<16xf32>,
      tpu.vector_store_idx %arg8[%min3A_215], %get3A_205 {add = true} : memref<32768xf32, #tpu.memory_space<vmem>>[vector<16xi32>], vector<16xf32>,
      %scan3A_216 = arith.constant 2 : i32
      %scan3A_217 = arith.addi %scan3A_182, %scan3A_216 : i32
      %mul3A_218 = arith.constant 1 : i32
      %mul3A_219 = arith.muli %scan3A_217, %mul3A_218 : i32
      %add3A_220 = arith.constant 0 : i32
      %add3A_221 = arith.addi %add3A_220, %mul3A_219 : i32
      %mul3A_222 = arith.constant 16 : i32
      %mul3A_223 = arith.muli %add3A_221, %mul3A_222 : i32
      %get3A_224 = arith.index_cast %mul3A_223 : i32 to index
      %get3A_225 = tpu.vector_load %arg5[%get3A_224] {strides = array<i32>} : memref<16384xf32, #tpu.memory_space<vmem>>, vector<16xf32>,
      %bitcast_convert_type3A_226 = tpu.bitcast %get3A_225 : vector<16xf32> -> vector<16xi32>
      %shift_right_arithmetic3A_227 = arith.constant 16 : i32
      %shift_right_arithmetic3A_228 = vector.broadcast %shift_right_arithmetic3A_227 : i32 to vector<16xi32>
      %shift_right_arithmetic3A_229 = arith.shrsi %bitcast_convert_type3A_226, %shift_right_arithmetic3A_228 : vector<16xi32>
      %max3A_230 = arith.constant 0 : i32
      %max3A_231 = vector.broadcast %max3A_230 : i32 to vector<16xi32>
      %max3A_232 = arith.maxsi %shift_right_arithmetic3A_229, %max3A_231 : vector<16xi32>
      %min3A_233 = arith.constant 32767 : i32
      %min3A_234 = vector.broadcast %min3A_233 : i32 to vector<16xi32>
      %min3A_235 = arith.minsi %max3A_232, %min3A_234 : vector<16xi32>
      tpu.vector_store_idx %arg7[%min3A_235], %broadcast_in_dim3A_9 {add = true} : memref<32768xf32, #tpu.memory_space<vmem>>[vector<16xi32>], vector<16xf32>,
      tpu.vector_store_idx %arg8[%min3A_235], %get3A_225 {add = true} : memref<32768xf32, #tpu.memory_space<vmem>>[vector<16xi32>], vector<16xf32>,
      %scan3A_236 = arith.constant 3 : i32
      %scan3A_237 = arith.addi %scan3A_182, %scan3A_236 : i32
      %mul3A_238 = arith.constant 1 : i32
      %mul3A_239 = arith.muli %scan3A_237, %mul3A_238 : i32
      %add3A_240 = arith.constant 0 : i32
      %add3A_241 = arith.addi %add3A_240, %mul3A_239 : i32
      %mul3A_242 = arith.constant 16 : i32
      %mul3A_243 = arith.muli %add3A_241, %mul3A_242 : i32
      %get3A_244 = arith.index_cast %mul3A_243 : i32 to index
      %get3A_245 = tpu.vector_load %arg5[%get3A_244] {strides = array<i32>} : memref<16384xf32, #tpu.memory_space<vmem>>, vector<16xf32>,
      %bitcast_convert_type3A_246 = tpu.bitcast %get3A_245 : vector<16xf32> -> vector<16xi32>
      %shift_right_arithmetic3A_247 = arith.constant 16 : i32
      %shift_right_arithmetic3A_248 = vector.broadcast %shift_right_arithmetic3A_247 : i32 to vector<16xi32>
      %shift_right_arithmetic3A_249 = arith.shrsi %bitcast_convert_type3A_246, %shift_right_arithmetic3A_248 : vector<16xi32>
      %max3A_250 = arith.constant 0 : i32
      %max3A_251 = vector.broadcast %max3A_250 : i32 to vector<16xi32>
      %max3A_252 = arith.maxsi %shift_right_arithmetic3A_249, %max3A_251 : vector<16xi32>
      %min3A_253 = arith.constant 32767 : i32
      %min3A_254 = vector.broadcast %min3A_253 : i32 to vector<16xi32>
      %min3A_255 = arith.minsi %max3A_252, %min3A_254 : vector<16xi32>
      tpu.vector_store_idx %arg7[%min3A_255], %broadcast_in_dim3A_9 {add = true} : memref<32768xf32, #tpu.memory_space<vmem>>[vector<16xi32>], vector<16xf32>,
      tpu.vector_store_idx %arg8[%min3A_255], %get3A_245 {add = true} : memref<32768xf32, #tpu.memory_space<vmem>>[vector<16xi32>], vector<16xf32>,
    }
    %scan3A_152 = arith.constant 1024 : i32
    %add3A_153 = arith.constant 229376 : i32
    %add3A_154 = arith.addi %mul3A_2, %add3A_153 : i32
    %dma_start3A_155 = tpu.memref_slice %arg2[%add3A_154] : memref<8388608xf32, #tpu.memory_space<hbm>> -> memref<16384xf32, #tpu.memory_space<hbm>>
    %dma_start3A_156 = tpu.memref_slice %arg2[%add3A_154] : memref<8388608xf32, #tpu.memory_space<hbm>> -> memref<16384xf32, #tpu.memory_space<hbm>>
    tpu.enqueue_dma source(%dma_start3A_156 : memref<16384xf32, #tpu.memory_space<hbm>>) target(%arg5 : memref<16384xf32, #tpu.memory_space<vmem>>) target_semaphore(%arg9 : memref<!tpu.dma_semaphore, #tpu.memory_space<semaphore_mem>>)
    %dma_wait3A_157 = tpu.memref_slice %arg2[%add3A_143] : memref<8388608xf32, #tpu.memory_space<hbm>> -> memref<16384xf32, #tpu.memory_space<hbm>>
    %dma_wait3A_158 = tpu.memref_slice %arg2[%add3A_143] : memref<8388608xf32, #tpu.memory_space<hbm>> -> memref<16384xf32, #tpu.memory_space<hbm>>
    tpu.wait_dma2 semaphore(%arg10 : memref<!tpu.dma_semaphore, #tpu.memory_space<semaphore_mem>>) src(%dma_wait3A_158 : memref<16384xf32, #tpu.memory_space<hbm>>) dst(%arg6 : memref<16384xf32, #tpu.memory_space<vmem>>)
    %scan3A_159 = arith.constant 0 : i32
    %scan3A_160 = arith.constant 1024 : i32
    %scan3A_161 = arith.addi %scan3A_159, %scan3A_160 : i32
    %scan3A_162 = arith.constant 4 : i32
    scf.for %scan3A_182 = %scan3A_159 to %scan3A_161 step %scan3A_162  : i32 {
      %mul3A_183 = arith.constant 1 : i32
      %mul3A_184 = arith.muli %scan3A_182, %mul3A_183 : i32
      %add3A_185 = arith.constant 0 : i32
      %add3A_186 = arith.addi %add3A_185, %mul3A_184 : i32
      %mul3A_187 = arith.constant 16 : i32
      %mul3A_188 = arith.muli %add3A_186, %mul3A_187 : i32
      %get3A = arith.index_cast %mul3A_188 : i32 to index
      %get3A_189 = tpu.vector_load %arg6[%get3A] {strides = array<i32>} : memref<16384xf32, #tpu.memory_space<vmem>>, vector<16xf32>,
      %bitcast_convert_type3A = tpu.bitcast %get3A_189 : vector<16xf32> -> vector<16xi32>
      %shift_right_arithmetic3A = arith.constant 16 : i32
      %shift_right_arithmetic3A_190 = vector.broadcast %shift_right_arithmetic3A : i32 to vector<16xi32>
      %shift_right_arithmetic3A_191 = arith.shrsi %bitcast_convert_type3A, %shift_right_arithmetic3A_190 : vector<16xi32>
      %max3A = arith.constant 0 : i32
      %max3A_192 = vector.broadcast %max3A : i32 to vector<16xi32>
      %max3A_193 = arith.maxsi %shift_right_arithmetic3A_191, %max3A_192 : vector<16xi32>
      %min3A = arith.constant 32767 : i32
      %min3A_194 = vector.broadcast %min3A : i32 to vector<16xi32>
      %min3A_195 = arith.minsi %max3A_193, %min3A_194 : vector<16xi32>
      tpu.vector_store_idx %arg7[%min3A_195], %broadcast_in_dim3A_9 {add = true} : memref<32768xf32, #tpu.memory_space<vmem>>[vector<16xi32>], vector<16xf32>,
      tpu.vector_store_idx %arg8[%min3A_195], %get3A_189 {add = true} : memref<32768xf32, #tpu.memory_space<vmem>>[vector<16xi32>], vector<16xf32>,
      %scan3A_196 = arith.constant 1 : i32
      %scan3A_197 = arith.addi %scan3A_182, %scan3A_196 : i32
      %mul3A_198 = arith.constant 1 : i32
      %mul3A_199 = arith.muli %scan3A_197, %mul3A_198 : i32
      %add3A_200 = arith.constant 0 : i32
      %add3A_201 = arith.addi %add3A_200, %mul3A_199 : i32
      %mul3A_202 = arith.constant 16 : i32
      %mul3A_203 = arith.muli %add3A_201, %mul3A_202 : i32
      %get3A_204 = arith.index_cast %mul3A_203 : i32 to index
      %get3A_205 = tpu.vector_load %arg6[%get3A_204] {strides = array<i32>} : memref<16384xf32, #tpu.memory_space<vmem>>, vector<16xf32>,
      %bitcast_convert_type3A_206 = tpu.bitcast %get3A_205 : vector<16xf32> -> vector<16xi32>
      %shift_right_arithmetic3A_207 = arith.constant 16 : i32
      %shift_right_arithmetic3A_208 = vector.broadcast %shift_right_arithmetic3A_207 : i32 to vector<16xi32>
      %shift_right_arithmetic3A_209 = arith.shrsi %bitcast_convert_type3A_206, %shift_right_arithmetic3A_208 : vector<16xi32>
      %max3A_210 = arith.constant 0 : i32
      %max3A_211 = vector.broadcast %max3A_210 : i32 to vector<16xi32>
      %max3A_212 = arith.maxsi %shift_right_arithmetic3A_209, %max3A_211 : vector<16xi32>
      %min3A_213 = arith.constant 32767 : i32
      %min3A_214 = vector.broadcast %min3A_213 : i32 to vector<16xi32>
      %min3A_215 = arith.minsi %max3A_212, %min3A_214 : vector<16xi32>
      tpu.vector_store_idx %arg7[%min3A_215], %broadcast_in_dim3A_9 {add = true} : memref<32768xf32, #tpu.memory_space<vmem>>[vector<16xi32>], vector<16xf32>,
      tpu.vector_store_idx %arg8[%min3A_215], %get3A_205 {add = true} : memref<32768xf32, #tpu.memory_space<vmem>>[vector<16xi32>], vector<16xf32>,
      %scan3A_216 = arith.constant 2 : i32
      %scan3A_217 = arith.addi %scan3A_182, %scan3A_216 : i32
      %mul3A_218 = arith.constant 1 : i32
      %mul3A_219 = arith.muli %scan3A_217, %mul3A_218 : i32
      %add3A_220 = arith.constant 0 : i32
      %add3A_221 = arith.addi %add3A_220, %mul3A_219 : i32
      %mul3A_222 = arith.constant 16 : i32
      %mul3A_223 = arith.muli %add3A_221, %mul3A_222 : i32
      %get3A_224 = arith.index_cast %mul3A_223 : i32 to index
      %get3A_225 = tpu.vector_load %arg6[%get3A_224] {strides = array<i32>} : memref<16384xf32, #tpu.memory_space<vmem>>, vector<16xf32>,
      %bitcast_convert_type3A_226 = tpu.bitcast %get3A_225 : vector<16xf32> -> vector<16xi32>
      %shift_right_arithmetic3A_227 = arith.constant 16 : i32
      %shift_right_arithmetic3A_228 = vector.broadcast %shift_right_arithmetic3A_227 : i32 to vector<16xi32>
      %shift_right_arithmetic3A_229 = arith.shrsi %bitcast_convert_type3A_226, %shift_right_arithmetic3A_228 : vector<16xi32>
      %max3A_230 = arith.constant 0 : i32
      %max3A_231 = vector.broadcast %max3A_230 : i32 to vector<16xi32>
      %max3A_232 = arith.maxsi %shift_right_arithmetic3A_229, %max3A_231 : vector<16xi32>
      %min3A_233 = arith.constant 32767 : i32
      %min3A_234 = vector.broadcast %min3A_233 : i32 to vector<16xi32>
      %min3A_235 = arith.minsi %max3A_232, %min3A_234 : vector<16xi32>
      tpu.vector_store_idx %arg7[%min3A_235], %broadcast_in_dim3A_9 {add = true} : memref<32768xf32, #tpu.memory_space<vmem>>[vector<16xi32>], vector<16xf32>,
      tpu.vector_store_idx %arg8[%min3A_235], %get3A_225 {add = true} : memref<32768xf32, #tpu.memory_space<vmem>>[vector<16xi32>], vector<16xf32>,
      %scan3A_236 = arith.constant 3 : i32
      %scan3A_237 = arith.addi %scan3A_182, %scan3A_236 : i32
      %mul3A_238 = arith.constant 1 : i32
      %mul3A_239 = arith.muli %scan3A_237, %mul3A_238 : i32
      %add3A_240 = arith.constant 0 : i32
      %add3A_241 = arith.addi %add3A_240, %mul3A_239 : i32
      %mul3A_242 = arith.constant 16 : i32
      %mul3A_243 = arith.muli %add3A_241, %mul3A_242 : i32
      %get3A_244 = arith.index_cast %mul3A_243 : i32 to index
      %get3A_245 = tpu.vector_load %arg6[%get3A_244] {strides = array<i32>} : memref<16384xf32, #tpu.memory_space<vmem>>, vector<16xf32>,
      %bitcast_convert_type3A_246 = tpu.bitcast %get3A_245 : vector<16xf32> -> vector<16xi32>
      %shift_right_arithmetic3A_247 = arith.constant 16 : i32
      %shift_right_arithmetic3A_248 = vector.broadcast %shift_right_arithmetic3A_247 : i32 to vector<16xi32>
      %shift_right_arithmetic3A_249 = arith.shrsi %bitcast_convert_type3A_246, %shift_right_arithmetic3A_248 : vector<16xi32>
      %max3A_250 = arith.constant 0 : i32
      %max3A_251 = vector.broadcast %max3A_250 : i32 to vector<16xi32>
      %max3A_252 = arith.maxsi %shift_right_arithmetic3A_249, %max3A_251 : vector<16xi32>
      %min3A_253 = arith.constant 32767 : i32
      %min3A_254 = vector.broadcast %min3A_253 : i32 to vector<16xi32>
      %min3A_255 = arith.minsi %max3A_252, %min3A_254 : vector<16xi32>
      tpu.vector_store_idx %arg7[%min3A_255], %broadcast_in_dim3A_9 {add = true} : memref<32768xf32, #tpu.memory_space<vmem>>[vector<16xi32>], vector<16xf32>,
      tpu.vector_store_idx %arg8[%min3A_255], %get3A_245 {add = true} : memref<32768xf32, #tpu.memory_space<vmem>>[vector<16xi32>], vector<16xf32>,
    }
    %scan3A_163 = arith.constant 1024 : i32
    %add3A_164 = arith.constant 245760 : i32
    %add3A_165 = arith.addi %mul3A_2, %add3A_164 : i32
    %dma_start3A_166 = tpu.memref_slice %arg2[%add3A_165] : memref<8388608xf32, #tpu.memory_space<hbm>> -> memref<16384xf32, #tpu.memory_space<hbm>>
    %dma_start3A_167 = tpu.memref_slice %arg2[%add3A_165] : memref<8388608xf32, #tpu.memory_space<hbm>> -> memref<16384xf32, #tpu.memory_space<hbm>>
    tpu.enqueue_dma source(%dma_start3A_167 : memref<16384xf32, #tpu.memory_space<hbm>>) target(%arg6 : memref<16384xf32, #tpu.memory_space<vmem>>) target_semaphore(%arg10 : memref<!tpu.dma_semaphore, #tpu.memory_space<semaphore_mem>>)
    %dma_wait3A_168 = tpu.memref_slice %arg2[%add3A_154] : memref<8388608xf32, #tpu.memory_space<hbm>> -> memref<16384xf32, #tpu.memory_space<hbm>>
    %dma_wait3A_169 = tpu.memref_slice %arg2[%add3A_154] : memref<8388608xf32, #tpu.memory_space<hbm>> -> memref<16384xf32, #tpu.memory_space<hbm>>
    tpu.wait_dma2 semaphore(%arg9 : memref<!tpu.dma_semaphore, #tpu.memory_space<semaphore_mem>>) src(%dma_wait3A_169 : memref<16384xf32, #tpu.memory_space<hbm>>) dst(%arg5 : memref<16384xf32, #tpu.memory_space<vmem>>)
    %scan3A_170 = arith.constant 0 : i32
    %scan3A_171 = arith.constant 1024 : i32
    %scan3A_172 = arith.addi %scan3A_170, %scan3A_171 : i32
    %scan3A_173 = arith.constant 4 : i32
    scf.for %scan3A_182 = %scan3A_170 to %scan3A_172 step %scan3A_173  : i32 {
      %mul3A_183 = arith.constant 1 : i32
      %mul3A_184 = arith.muli %scan3A_182, %mul3A_183 : i32
      %add3A_185 = arith.constant 0 : i32
      %add3A_186 = arith.addi %add3A_185, %mul3A_184 : i32
      %mul3A_187 = arith.constant 16 : i32
      %mul3A_188 = arith.muli %add3A_186, %mul3A_187 : i32
      %get3A = arith.index_cast %mul3A_188 : i32 to index
      %get3A_189 = tpu.vector_load %arg5[%get3A] {strides = array<i32>} : memref<16384xf32, #tpu.memory_space<vmem>>, vector<16xf32>,
      %bitcast_convert_type3A = tpu.bitcast %get3A_189 : vector<16xf32> -> vector<16xi32>
      %shift_right_arithmetic3A = arith.constant 16 : i32
      %shift_right_arithmetic3A_190 = vector.broadcast %shift_right_arithmetic3A : i32 to vector<16xi32>
      %shift_right_arithmetic3A_191 = arith.shrsi %bitcast_convert_type3A, %shift_right_arithmetic3A_190 : vector<16xi32>
      %max3A = arith.constant 0 : i32
      %max3A_192 = vector.broadcast %max3A : i32 to vector<16xi32>
      %max3A_193 = arith.maxsi %shift_right_arithmetic3A_191, %max3A_192 : vector<16xi32>
      %min3A = arith.constant 32767 : i32
      %min3A_194 = vector.broadcast %min3A : i32 to vector<16xi32>
      %min3A_195 = arith.minsi %max3A_193, %min3A_194 : vector<16xi32>
      tpu.vector_store_idx %arg7[%min3A_195], %broadcast_in_dim3A_9 {add = true} : memref<32768xf32, #tpu.memory_space<vmem>>[vector<16xi32>], vector<16xf32>,
      tpu.vector_store_idx %arg8[%min3A_195], %get3A_189 {add = true} : memref<32768xf32, #tpu.memory_space<vmem>>[vector<16xi32>], vector<16xf32>,
      %scan3A_196 = arith.constant 1 : i32
      %scan3A_197 = arith.addi %scan3A_182, %scan3A_196 : i32
      %mul3A_198 = arith.constant 1 : i32
      %mul3A_199 = arith.muli %scan3A_197, %mul3A_198 : i32
      %add3A_200 = arith.constant 0 : i32
      %add3A_201 = arith.addi %add3A_200, %mul3A_199 : i32
      %mul3A_202 = arith.constant 16 : i32
      %mul3A_203 = arith.muli %add3A_201, %mul3A_202 : i32
      %get3A_204 = arith.index_cast %mul3A_203 : i32 to index
      %get3A_205 = tpu.vector_load %arg5[%get3A_204] {strides = array<i32>} : memref<16384xf32, #tpu.memory_space<vmem>>, vector<16xf32>,
      %bitcast_convert_type3A_206 = tpu.bitcast %get3A_205 : vector<16xf32> -> vector<16xi32>
      %shift_right_arithmetic3A_207 = arith.constant 16 : i32
      %shift_right_arithmetic3A_208 = vector.broadcast %shift_right_arithmetic3A_207 : i32 to vector<16xi32>
      %shift_right_arithmetic3A_209 = arith.shrsi %bitcast_convert_type3A_206, %shift_right_arithmetic3A_208 : vector<16xi32>
      %max3A_210 = arith.constant 0 : i32
      %max3A_211 = vector.broadcast %max3A_210 : i32 to vector<16xi32>
      %max3A_212 = arith.maxsi %shift_right_arithmetic3A_209, %max3A_211 : vector<16xi32>
      %min3A_213 = arith.constant 32767 : i32
      %min3A_214 = vector.broadcast %min3A_213 : i32 to vector<16xi32>
      %min3A_215 = arith.minsi %max3A_212, %min3A_214 : vector<16xi32>
      tpu.vector_store_idx %arg7[%min3A_215], %broadcast_in_dim3A_9 {add = true} : memref<32768xf32, #tpu.memory_space<vmem>>[vector<16xi32>], vector<16xf32>,
      tpu.vector_store_idx %arg8[%min3A_215], %get3A_205 {add = true} : memref<32768xf32, #tpu.memory_space<vmem>>[vector<16xi32>], vector<16xf32>,
      %scan3A_216 = arith.constant 2 : i32
      %scan3A_217 = arith.addi %scan3A_182, %scan3A_216 : i32
      %mul3A_218 = arith.constant 1 : i32
      %mul3A_219 = arith.muli %scan3A_217, %mul3A_218 : i32
      %add3A_220 = arith.constant 0 : i32
      %add3A_221 = arith.addi %add3A_220, %mul3A_219 : i32
      %mul3A_222 = arith.constant 16 : i32
      %mul3A_223 = arith.muli %add3A_221, %mul3A_222 : i32
      %get3A_224 = arith.index_cast %mul3A_223 : i32 to index
      %get3A_225 = tpu.vector_load %arg5[%get3A_224] {strides = array<i32>} : memref<16384xf32, #tpu.memory_space<vmem>>, vector<16xf32>,
      %bitcast_convert_type3A_226 = tpu.bitcast %get3A_225 : vector<16xf32> -> vector<16xi32>
      %shift_right_arithmetic3A_227 = arith.constant 16 : i32
      %shift_right_arithmetic3A_228 = vector.broadcast %shift_right_arithmetic3A_227 : i32 to vector<16xi32>
      %shift_right_arithmetic3A_229 = arith.shrsi %bitcast_convert_type3A_226, %shift_right_arithmetic3A_228 : vector<16xi32>
      %max3A_230 = arith.constant 0 : i32
      %max3A_231 = vector.broadcast %max3A_230 : i32 to vector<16xi32>
      %max3A_232 = arith.maxsi %shift_right_arithmetic3A_229, %max3A_231 : vector<16xi32>
      %min3A_233 = arith.constant 32767 : i32
      %min3A_234 = vector.broadcast %min3A_233 : i32 to vector<16xi32>
      %min3A_235 = arith.minsi %max3A_232, %min3A_234 : vector<16xi32>
      tpu.vector_store_idx %arg7[%min3A_235], %broadcast_in_dim3A_9 {add = true} : memref<32768xf32, #tpu.memory_space<vmem>>[vector<16xi32>], vector<16xf32>,
      tpu.vector_store_idx %arg8[%min3A_235], %get3A_225 {add = true} : memref<32768xf32, #tpu.memory_space<vmem>>[vector<16xi32>], vector<16xf32>,
      %scan3A_236 = arith.constant 3 : i32
      %scan3A_237 = arith.addi %scan3A_182, %scan3A_236 : i32
      %mul3A_238 = arith.constant 1 : i32
      %mul3A_239 = arith.muli %scan3A_237, %mul3A_238 : i32
      %add3A_240 = arith.constant 0 : i32
      %add3A_241 = arith.addi %add3A_240, %mul3A_239 : i32
      %mul3A_242 = arith.constant 16 : i32
      %mul3A_243 = arith.muli %add3A_241, %mul3A_242 : i32
      %get3A_244 = arith.index_cast %mul3A_243 : i32 to index
      %get3A_245 = tpu.vector_load %arg5[%get3A_244] {strides = array<i32>} : memref<16384xf32, #tpu.memory_space<vmem>>, vector<16xf32>,
      %bitcast_convert_type3A_246 = tpu.bitcast %get3A_245 : vector<16xf32> -> vector<16xi32>
      %shift_right_arithmetic3A_247 = arith.constant 16 : i32
      %shift_right_arithmetic3A_248 = vector.broadcast %shift_right_arithmetic3A_247 : i32 to vector<16xi32>
      %shift_right_arithmetic3A_249 = arith.shrsi %bitcast_convert_type3A_246, %shift_right_arithmetic3A_248 : vector<16xi32>
      %max3A_250 = arith.constant 0 : i32
      %max3A_251 = vector.broadcast %max3A_250 : i32 to vector<16xi32>
      %max3A_252 = arith.maxsi %shift_right_arithmetic3A_249, %max3A_251 : vector<16xi32>
      %min3A_253 = arith.constant 32767 : i32
      %min3A_254 = vector.broadcast %min3A_253 : i32 to vector<16xi32>
      %min3A_255 = arith.minsi %max3A_252, %min3A_254 : vector<16xi32>
      tpu.vector_store_idx %arg7[%min3A_255], %broadcast_in_dim3A_9 {add = true} : memref<32768xf32, #tpu.memory_space<vmem>>[vector<16xi32>], vector<16xf32>,
      tpu.vector_store_idx %arg8[%min3A_255], %get3A_245 {add = true} : memref<32768xf32, #tpu.memory_space<vmem>>[vector<16xi32>], vector<16xf32>,
    }
    %scan3A_174 = arith.constant 1024 : i32
    %dma_wait3A_175 = tpu.memref_slice %arg2[%add3A_165] : memref<8388608xf32, #tpu.memory_space<hbm>> -> memref<16384xf32, #tpu.memory_space<hbm>>
    %dma_wait3A_176 = tpu.memref_slice %arg2[%add3A_165] : memref<8388608xf32, #tpu.memory_space<hbm>> -> memref<16384xf32, #tpu.memory_space<hbm>>
    tpu.wait_dma2 semaphore(%arg10 : memref<!tpu.dma_semaphore, #tpu.memory_space<semaphore_mem>>) src(%dma_wait3A_176 : memref<16384xf32, #tpu.memory_space<hbm>>) dst(%arg6 : memref<16384xf32, #tpu.memory_space<vmem>>)
    %scan3A_177 = arith.constant 0 : i32
    %scan3A_178 = arith.constant 1024 : i32
    %scan3A_179 = arith.addi %scan3A_177, %scan3A_178 : i32
    %scan3A_180 = arith.constant 4 : i32
    scf.for %scan3A_182 = %scan3A_177 to %scan3A_179 step %scan3A_180  : i32 {
      %mul3A_183 = arith.constant 1 : i32
      %mul3A_184 = arith.muli %scan3A_182, %mul3A_183 : i32
      %add3A_185 = arith.constant 0 : i32
      %add3A_186 = arith.addi %add3A_185, %mul3A_184 : i32
      %mul3A_187 = arith.constant 16 : i32
      %mul3A_188 = arith.muli %add3A_186, %mul3A_187 : i32
      %get3A = arith.index_cast %mul3A_188 : i32 to index
      %get3A_189 = tpu.vector_load %arg6[%get3A] {strides = array<i32>} : memref<16384xf32, #tpu.memory_space<vmem>>, vector<16xf32>,
      %bitcast_convert_type3A = tpu.bitcast %get3A_189 : vector<16xf32> -> vector<16xi32>
      %shift_right_arithmetic3A = arith.constant 16 : i32
      %shift_right_arithmetic3A_190 = vector.broadcast %shift_right_arithmetic3A : i32 to vector<16xi32>
      %shift_right_arithmetic3A_191 = arith.shrsi %bitcast_convert_type3A, %shift_right_arithmetic3A_190 : vector<16xi32>
      %max3A = arith.constant 0 : i32
      %max3A_192 = vector.broadcast %max3A : i32 to vector<16xi32>
      %max3A_193 = arith.maxsi %shift_right_arithmetic3A_191, %max3A_192 : vector<16xi32>
      %min3A = arith.constant 32767 : i32
      %min3A_194 = vector.broadcast %min3A : i32 to vector<16xi32>
      %min3A_195 = arith.minsi %max3A_193, %min3A_194 : vector<16xi32>
      tpu.vector_store_idx %arg7[%min3A_195], %broadcast_in_dim3A_9 {add = true} : memref<32768xf32, #tpu.memory_space<vmem>>[vector<16xi32>], vector<16xf32>,
      tpu.vector_store_idx %arg8[%min3A_195], %get3A_189 {add = true} : memref<32768xf32, #tpu.memory_space<vmem>>[vector<16xi32>], vector<16xf32>,
      %scan3A_196 = arith.constant 1 : i32
      %scan3A_197 = arith.addi %scan3A_182, %scan3A_196 : i32
      %mul3A_198 = arith.constant 1 : i32
      %mul3A_199 = arith.muli %scan3A_197, %mul3A_198 : i32
      %add3A_200 = arith.constant 0 : i32
      %add3A_201 = arith.addi %add3A_200, %mul3A_199 : i32
      %mul3A_202 = arith.constant 16 : i32
      %mul3A_203 = arith.muli %add3A_201, %mul3A_202 : i32
      %get3A_204 = arith.index_cast %mul3A_203 : i32 to index
      %get3A_205 = tpu.vector_load %arg6[%get3A_204] {strides = array<i32>} : memref<16384xf32, #tpu.memory_space<vmem>>, vector<16xf32>,
      %bitcast_convert_type3A_206 = tpu.bitcast %get3A_205 : vector<16xf32> -> vector<16xi32>
      %shift_right_arithmetic3A_207 = arith.constant 16 : i32
      %shift_right_arithmetic3A_208 = vector.broadcast %shift_right_arithmetic3A_207 : i32 to vector<16xi32>
      %shift_right_arithmetic3A_209 = arith.shrsi %bitcast_convert_type3A_206, %shift_right_arithmetic3A_208 : vector<16xi32>
      %max3A_210 = arith.constant 0 : i32
      %max3A_211 = vector.broadcast %max3A_210 : i32 to vector<16xi32>
      %max3A_212 = arith.maxsi %shift_right_arithmetic3A_209, %max3A_211 : vector<16xi32>
      %min3A_213 = arith.constant 32767 : i32
      %min3A_214 = vector.broadcast %min3A_213 : i32 to vector<16xi32>
      %min3A_215 = arith.minsi %max3A_212, %min3A_214 : vector<16xi32>
      tpu.vector_store_idx %arg7[%min3A_215], %broadcast_in_dim3A_9 {add = true} : memref<32768xf32, #tpu.memory_space<vmem>>[vector<16xi32>], vector<16xf32>,
      tpu.vector_store_idx %arg8[%min3A_215], %get3A_205 {add = true} : memref<32768xf32, #tpu.memory_space<vmem>>[vector<16xi32>], vector<16xf32>,
      %scan3A_216 = arith.constant 2 : i32
      %scan3A_217 = arith.addi %scan3A_182, %scan3A_216 : i32
      %mul3A_218 = arith.constant 1 : i32
      %mul3A_219 = arith.muli %scan3A_217, %mul3A_218 : i32
      %add3A_220 = arith.constant 0 : i32
      %add3A_221 = arith.addi %add3A_220, %mul3A_219 : i32
      %mul3A_222 = arith.constant 16 : i32
      %mul3A_223 = arith.muli %add3A_221, %mul3A_222 : i32
      %get3A_224 = arith.index_cast %mul3A_223 : i32 to index
      %get3A_225 = tpu.vector_load %arg6[%get3A_224] {strides = array<i32>} : memref<16384xf32, #tpu.memory_space<vmem>>, vector<16xf32>,
      %bitcast_convert_type3A_226 = tpu.bitcast %get3A_225 : vector<16xf32> -> vector<16xi32>
      %shift_right_arithmetic3A_227 = arith.constant 16 : i32
      %shift_right_arithmetic3A_228 = vector.broadcast %shift_right_arithmetic3A_227 : i32 to vector<16xi32>
      %shift_right_arithmetic3A_229 = arith.shrsi %bitcast_convert_type3A_226, %shift_right_arithmetic3A_228 : vector<16xi32>
      %max3A_230 = arith.constant 0 : i32
      %max3A_231 = vector.broadcast %max3A_230 : i32 to vector<16xi32>
      %max3A_232 = arith.maxsi %shift_right_arithmetic3A_229, %max3A_231 : vector<16xi32>
      %min3A_233 = arith.constant 32767 : i32
      %min3A_234 = vector.broadcast %min3A_233 : i32 to vector<16xi32>
      %min3A_235 = arith.minsi %max3A_232, %min3A_234 : vector<16xi32>
      tpu.vector_store_idx %arg7[%min3A_235], %broadcast_in_dim3A_9 {add = true} : memref<32768xf32, #tpu.memory_space<vmem>>[vector<16xi32>], vector<16xf32>,
      tpu.vector_store_idx %arg8[%min3A_235], %get3A_225 {add = true} : memref<32768xf32, #tpu.memory_space<vmem>>[vector<16xi32>], vector<16xf32>,
      %scan3A_236 = arith.constant 3 : i32
      %scan3A_237 = arith.addi %scan3A_182, %scan3A_236 : i32
      %mul3A_238 = arith.constant 1 : i32
      %mul3A_239 = arith.muli %scan3A_237, %mul3A_238 : i32
      %add3A_240 = arith.constant 0 : i32
      %add3A_241 = arith.addi %add3A_240, %mul3A_239 : i32
      %mul3A_242 = arith.constant 16 : i32
      %mul3A_243 = arith.muli %add3A_241, %mul3A_242 : i32
      %get3A_244 = arith.index_cast %mul3A_243 : i32 to index
      %get3A_245 = tpu.vector_load %arg6[%get3A_244] {strides = array<i32>} : memref<16384xf32, #tpu.memory_space<vmem>>, vector<16xf32>,
      %bitcast_convert_type3A_246 = tpu.bitcast %get3A_245 : vector<16xf32> -> vector<16xi32>
      %shift_right_arithmetic3A_247 = arith.constant 16 : i32
      %shift_right_arithmetic3A_248 = vector.broadcast %shift_right_arithmetic3A_247 : i32 to vector<16xi32>
      %shift_right_arithmetic3A_249 = arith.shrsi %bitcast_convert_type3A_246, %shift_right_arithmetic3A_248 : vector<16xi32>
      %max3A_250 = arith.constant 0 : i32
      %max3A_251 = vector.broadcast %max3A_250 : i32 to vector<16xi32>
      %max3A_252 = arith.maxsi %shift_right_arithmetic3A_249, %max3A_251 : vector<16xi32>
      %min3A_253 = arith.constant 32767 : i32
      %min3A_254 = vector.broadcast %min3A_253 : i32 to vector<16xi32>
      %min3A_255 = arith.minsi %max3A_252, %min3A_254 : vector<16xi32>
      tpu.vector_store_idx %arg7[%min3A_255], %broadcast_in_dim3A_9 {add = true} : memref<32768xf32, #tpu.memory_space<vmem>>[vector<16xi32>], vector<16xf32>,
      tpu.vector_store_idx %arg8[%min3A_255], %get3A_245 {add = true} : memref<32768xf32, #tpu.memory_space<vmem>>[vector<16xi32>], vector<16xf32>,
    }
    %scan3A_181 = arith.constant 1024 : i32
    "tpu.region"() ({
      %run_scoped3A = tpu.sem_alloc : memref<!tpu.dma_semaphore, #tpu.memory_space<semaphore_mem>>
      %dma_start3A_182 = arith.constant 0 : i32
      %dma_start3A_183 = tpu.memref_slice %arg3[%add3A, %dma_start3A_182] : memref<32x32768xf32, #tpu.memory_space<hbm>> -> memref<1x32768xf32, #tpu.memory_space<hbm>>
      %dma_start3A_184 = tpu.memref_squeeze %dma_start3A_183 : memref<1x32768xf32, #tpu.memory_space<hbm>> -> memref<32768xf32, #tpu.memory_space<hbm>>
      %dma_start3A_185 = arith.constant 0 : i32
      %dma_start3A_186 = tpu.memref_slice %arg3[%add3A, %dma_start3A_185] : memref<32x32768xf32, #tpu.memory_space<hbm>> -> memref<1x32768xf32, #tpu.memory_space<hbm>>
      %dma_start3A_187 = tpu.memref_squeeze %dma_start3A_186 : memref<1x32768xf32, #tpu.memory_space<hbm>> -> memref<32768xf32, #tpu.memory_space<hbm>>
      tpu.enqueue_dma source(%arg7 : memref<32768xf32, #tpu.memory_space<vmem>>) target(%dma_start3A_187 : memref<32768xf32, #tpu.memory_space<hbm>>) target_semaphore(%run_scoped3A : memref<!tpu.dma_semaphore, #tpu.memory_space<semaphore_mem>>)
      %dma_wait3A_188 = arith.constant 0 : i32
      %dma_wait3A_189 = tpu.memref_slice %arg3[%add3A, %dma_wait3A_188] : memref<32x32768xf32, #tpu.memory_space<hbm>> -> memref<1x32768xf32, #tpu.memory_space<hbm>>
      %dma_wait3A_190 = tpu.memref_squeeze %dma_wait3A_189 : memref<1x32768xf32, #tpu.memory_space<hbm>> -> memref<32768xf32, #tpu.memory_space<hbm>>
      %dma_wait3A_191 = arith.constant 0 : i32
      %dma_wait3A_192 = tpu.memref_slice %arg3[%add3A, %dma_wait3A_191] : memref<32x32768xf32, #tpu.memory_space<hbm>> -> memref<1x32768xf32, #tpu.memory_space<hbm>>
      %dma_wait3A_193 = tpu.memref_squeeze %dma_wait3A_192 : memref<1x32768xf32, #tpu.memory_space<hbm>> -> memref<32768xf32, #tpu.memory_space<hbm>>
      tpu.wait_dma2 semaphore(%run_scoped3A : memref<!tpu.dma_semaphore, #tpu.memory_space<semaphore_mem>>) src(%arg7 : memref<32768xf32, #tpu.memory_space<vmem>>) dst(%dma_wait3A_193 : memref<32768xf32, #tpu.memory_space<hbm>>)
      tpu.yield
    }) : () -> ()
    "tpu.region"() ({
      %run_scoped3A = tpu.sem_alloc : memref<!tpu.dma_semaphore, #tpu.memory_space<semaphore_mem>>
      %dma_start3A_182 = arith.constant 0 : i32
      %dma_start3A_183 = tpu.memref_slice %arg4[%add3A, %dma_start3A_182] : memref<32x32768xf32, #tpu.memory_space<hbm>> -> memref<1x32768xf32, #tpu.memory_space<hbm>>
      %dma_start3A_184 = tpu.memref_squeeze %dma_start3A_183 : memref<1x32768xf32, #tpu.memory_space<hbm>> -> memref<32768xf32, #tpu.memory_space<hbm>>
      %dma_start3A_185 = arith.constant 0 : i32
      %dma_start3A_186 = tpu.memref_slice %arg4[%add3A, %dma_start3A_185] : memref<32x32768xf32, #tpu.memory_space<hbm>> -> memref<1x32768xf32, #tpu.memory_space<hbm>>
      %dma_start3A_187 = tpu.memref_squeeze %dma_start3A_186 : memref<1x32768xf32, #tpu.memory_space<hbm>> -> memref<32768xf32, #tpu.memory_space<hbm>>
      tpu.enqueue_dma source(%arg8 : memref<32768xf32, #tpu.memory_space<vmem>>) target(%dma_start3A_187 : memref<32768xf32, #tpu.memory_space<hbm>>) target_semaphore(%run_scoped3A : memref<!tpu.dma_semaphore, #tpu.memory_space<semaphore_mem>>)
      %dma_wait3A_188 = arith.constant 0 : i32
      %dma_wait3A_189 = tpu.memref_slice %arg4[%add3A, %dma_wait3A_188] : memref<32x32768xf32, #tpu.memory_space<hbm>> -> memref<1x32768xf32, #tpu.memory_space<hbm>>
      %dma_wait3A_190 = tpu.memref_squeeze %dma_wait3A_189 : memref<1x32768xf32, #tpu.memory_space<hbm>> -> memref<32768xf32, #tpu.memory_space<hbm>>
      %dma_wait3A_191 = arith.constant 0 : i32
      %dma_wait3A_192 = tpu.memref_slice %arg4[%add3A, %dma_wait3A_191] : memref<32x32768xf32, #tpu.memory_space<hbm>> -> memref<1x32768xf32, #tpu.memory_space<hbm>>
      %dma_wait3A_193 = tpu.memref_squeeze %dma_wait3A_192 : memref<1x32768xf32, #tpu.memory_space<hbm>> -> memref<32768xf32, #tpu.memory_space<hbm>>
      tpu.wait_dma2 semaphore(%run_scoped3A : memref<!tpu.dma_semaphore, #tpu.memory_space<semaphore_mem>>) src(%arg8 : memref<32768xf32, #tpu.memory_space<vmem>>) dst(%dma_wait3A_193 : memref<32768xf32, #tpu.memory_space<hbm>>)
      tpu.yield
    }) : () -> ()
    return
  }
}

module attributes {stable_mosaic.version = 14 : i64} {
  func.func @_bce_body(%arg0: i32, %arg1: memref<512x1024xf32, #tpu.memory_space<vmem>>, %arg2: memref<512x1024xf32, #tpu.memory_space<vmem>>, %arg3: memref<512x1024xf32, #tpu.memory_space<vmem>>) attributes {dimension_semantics = [#tpu.dimension_semantics<arbitrary>], iteration_bounds = array<i64: 16>, scalar_prefetch = 0 : i64, scratch_operands = 0 : i64, tpu.core_type = #tpu.core_type<tc>, window_params = [{transform_indices = @transform_0, window_bounds = array<i64: 512, 1024>}, {transform_indices = @transform_1, window_bounds = array<i64: 512, 1024>}, {transform_indices = @transform_2, window_bounds = array<i64: 512, 1024>}]} {
    %get3A = arith.constant 0 : index
    %get3A_0 = arith.constant 0 : index
    %get3A_1 = vector.load %arg1[%get3A, %get3A_0] : memref<512x1024xf32, #tpu.memory_space<vmem>>, vector<512x1024xf32>
    %get3A_2 = arith.constant 0 : index
    %get3A_3 = arith.constant 0 : index
    %get3A_4 = vector.load %arg2[%get3A_2, %get3A_3] : memref<512x1024xf32, #tpu.memory_space<vmem>>, vector<512x1024xf32>
    %max3A = arith.constant 0.000000e+00 : f32
    %max3A_5 = vector.broadcast %max3A : f32 to vector<512x1024xf32>
    %max3A_6 = arith.maximumf %get3A_1, %max3A_5 : vector<512x1024xf32>
    %mul3A = arith.mulf %get3A_1, %get3A_4 : vector<512x1024xf32>
    %sub3A = arith.subf %max3A_6, %mul3A : vector<512x1024xf32>
    %abs3A = math.absf %get3A_1 : vector<512x1024xf32>
    %neg3A = arith.constant 0.000000e+00 : f32
    %neg3A_7 = vector.broadcast %neg3A : f32 to vector<512x1024xf32>
    %neg3A_8 = arith.subf %neg3A_7, %abs3A : vector<512x1024xf32>
    %exp3A = math.exp %neg3A_8 : vector<512x1024xf32>
    %log1p3A = math.log1p %exp3A : vector<512x1024xf32>
    %add3A = arith.addf %sub3A, %log1p3A : vector<512x1024xf32>
    %swap3A = arith.constant 0 : index
    %swap3A_9 = arith.constant 0 : index
    %swap3A_10 = vector.load %arg3[%swap3A, %swap3A_9] : memref<512x1024xf32, #tpu.memory_space<vmem>>, vector<512x1024xf32>
    tpu.vector_store %arg3[%swap3A, %swap3A_9], %add3A {strides = array<i32>} : memref<512x1024xf32, #tpu.memory_space<vmem>>, vector<512x1024xf32>,
    return
  }
  func.func @transform_0(%arg0: i32) -> (i32, i32) {
    %c0_i32 = arith.constant 0 : i32
    %c0_i32_0 = arith.constant 0 : i32
    return %arg0, %c0_i32 : i32, i32
  }
  func.func @transform_1(%arg0: i32) -> (i32, i32) {
    %c0_i32 = arith.constant 0 : i32
    %c0_i32_0 = arith.constant 0 : i32
    return %arg0, %c0_i32 : i32, i32
  }
  func.func @transform_2(%arg0: i32) -> (i32, i32) {
    %c0_i32 = arith.constant 0 : i32
    %c0_i32_0 = arith.constant 0 : i32
    return %arg0, %c0_i32 : i32, i32
  }
}

module attributes {stable_mosaic.version = 14 : i64} {
  func.func @_final_body(%arg0: memref<32x256x128xf32, #tpu.memory_space<vmem>>, %arg1: memref<32x256x128xf32, #tpu.memory_space<vmem>>, %arg2: memref<1x1xf32, #tpu.memory_space<smem>>) attributes {dimension_semantics = [], scalar_prefetch = 0 : i64, scratch_operands = 0 : i64, tpu.core_type = #tpu.core_type<tc>} {
    %get3A = arith.constant 0 : index
    %get3A_0 = arith.constant 0 : index
    %get3A_1 = arith.constant 0 : index
    %get3A_2 = vector.load %arg0[%get3A, %get3A_0, %get3A_1] : memref<32x256x128xf32, #tpu.memory_space<vmem>>, vector<32x256x128xf32>
    %reduce_sum3A = arith.constant dense<0.000000e+00> : vector<256x128xf32>
    %reduce_sum3A_3 = vector.multi_reduction <add>, %get3A_2, %reduce_sum3A [0] : vector<32x256x128xf32> to vector<256x128xf32>
    %get3A_4 = arith.constant 0 : index
    %get3A_5 = arith.constant 0 : index
    %get3A_6 = arith.constant 0 : index
    %get3A_7 = vector.load %arg1[%get3A_4, %get3A_5, %get3A_6] : memref<32x256x128xf32, #tpu.memory_space<vmem>>, vector<32x256x128xf32>
    %reduce_sum3A_8 = arith.constant dense<0.000000e+00> : vector<256x128xf32>
    %reduce_sum3A_9 = vector.multi_reduction <add>, %get3A_7, %reduce_sum3A_8 [0] : vector<32x256x128xf32> to vector<256x128xf32>
    %iota3A = tpu.iota {dimensions = array<i32: 0>} : vector<128x128xi32>
    %iota3A_10 = tpu.iota {dimensions = array<i32: 1>} : vector<128x128xi32>
    %ge3A = arith.cmpi sge, %iota3A, %iota3A_10 : vector<128x128xi32>
    %convert_element_type3A = arith.extui %ge3A : vector<128x128xi1> to vector<128x128xi32>
    %convert_element_type3A_11 = arith.sitofp %convert_element_type3A : vector<128x128xi32> to vector<128x128xf32>
    %dot_general3A = arith.constant dense<0.000000e+00> : vector<256x128xf32>
    %dot_general3A_12 = tpu.matmul %reduce_sum3A_3, %convert_element_type3A_11, %dot_general3A {dimension_numbers = #tpu.dot_dimension_numbers<[1], [0], [0], [1], [0, 0, 1, 1], [], []>, precision = #tpu.contract_precision<fp32>, transpose_lhs_hint = false} : vector<256x128xf32>, vector<128x128xf32>, vector<256x128xf32> -> vector<256x128xf32>
    %reduce_sum3A_13 = arith.constant dense<0.000000e+00> : vector<256xf32>
    %reduce_sum3A_14 = vector.multi_reduction <add>, %reduce_sum3A_3, %reduce_sum3A_13 [1] : vector<256x128xf32> to vector<256xf32>
    %broadcast_in_dim3A = vector.shape_cast %reduce_sum3A_14 : vector<256xf32> to vector<256x1xf32>
    %iota3A_15 = tpu.iota {dimensions = array<i32: 0>} : vector<256x256xi32>
    %iota3A_16 = tpu.iota {dimensions = array<i32: 1>} : vector<256x256xi32>
    %gt3A = arith.cmpi sgt, %iota3A_16, %iota3A_15 : vector<256x256xi32>
    %convert_element_type3A_17 = arith.extui %gt3A : vector<256x256xi1> to vector<256x256xi32>
    %convert_element_type3A_18 = arith.sitofp %convert_element_type3A_17 : vector<256x256xi32> to vector<256x256xf32>
    %dot_general3A_19 = arith.constant dense<0.000000e+00> : vector<256x1xf32>
    %dot_general3A_20 = tpu.matmul %convert_element_type3A_18, %broadcast_in_dim3A, %dot_general3A_19 {dimension_numbers = #tpu.dot_dimension_numbers<[1], [0], [0], [1], [0, 0, 1, 1], [], []>, precision = #tpu.contract_precision<fp32>, transpose_lhs_hint = false} : vector<256x256xf32>, vector<256x1xf32>, vector<256x1xf32> -> vector<256x1xf32>
    %add3A = vector.broadcast %dot_general3A_20 : vector<256x1xf32> to vector<256x128xf32>
    %add3A_21 = arith.addf %dot_general3A_12, %add3A : vector<256x128xf32>
    %iota3A_22 = tpu.iota {dimensions = array<i32: 0>} : vector<256x128xi32>
    %mul3A = arith.constant 128 : i32
    %mul3A_23 = vector.broadcast %mul3A : i32 to vector<256x128xi32>
    %mul3A_24 = arith.muli %iota3A_22, %mul3A_23 : vector<256x128xi32>
    %iota3A_25 = tpu.iota {dimensions = array<i32: 1>} : vector<256x128xi32>
    %add3A_26 = arith.addi %mul3A_24, %iota3A_25 : vector<256x128xi32>
    %ge3A_27 = arith.constant 0x49CCCCC8 : f32
    %ge3A_28 = vector.broadcast %ge3A_27 : f32 to vector<256x128xf32>
    %ge3A_29 = arith.cmpf oge, %add3A_21, %ge3A_28 : vector<256x128xf32>
    %jit3A = arith.constant -1 : i32
    %broadcast_in_dim3A_30 = vector.broadcast %jit3A : i32 to vector<256x128xi32>
    %select_n3A = arith.select %ge3A_29, %add3A_26, %broadcast_in_dim3A_30 : vector<256x128xi1>, vector<256x128xi32>
    %reduce_max3A = vector.shape_cast %select_n3A : vector<256x128xi32> to vector<1x256x128xi32>
    %reduce_max3A_31 = arith.constant dense<-2147483648> : vector<1xi32>
    %reduce_max3A_32 = vector.multi_reduction <maxsi>, %reduce_max3A, %reduce_max3A_31 [1, 2] : vector<1x256x128xi32> to vector<1xi32>
    %reduce_max3A_33 = vector.shape_cast %reduce_max3A_32 : vector<1xi32> to vector<1x1x1xi32>
    %reduce_max3A_34 = vector.extract %reduce_max3A_33[0, 0, 0] : i32 from vector<1x1x1xi32>
    %eq3A = vector.broadcast %reduce_max3A_34 : i32 to vector<256x128xi32>
    %eq3A_35 = arith.cmpi eq, %add3A_26, %eq3A : vector<256x128xi32>
    %convert_element_type3A_36 = arith.extui %eq3A_35 : vector<256x128xi1> to vector<256x128xi32>
    %convert_element_type3A_37 = arith.sitofp %convert_element_type3A_36 : vector<256x128xi32> to vector<256x128xf32>
    %mul3A_38 = arith.mulf %convert_element_type3A_37, %reduce_sum3A_3 : vector<256x128xf32>
    %reduce_sum3A_39 = vector.shape_cast %mul3A_38 : vector<256x128xf32> to vector<1x256x128xf32>
    %reduce_sum3A_40 = arith.constant dense<0.000000e+00> : vector<1xf32>
    %reduce_sum3A_41 = vector.multi_reduction <add>, %reduce_sum3A_39, %reduce_sum3A_40 [1, 2] : vector<1x256x128xf32> to vector<1xf32>
    %reduce_sum3A_42 = vector.shape_cast %reduce_sum3A_41 : vector<1xf32> to vector<1x1x1xf32>
    %reduce_sum3A_43 = vector.extract %reduce_sum3A_42[0, 0, 0] : f32 from vector<1x1x1xf32>
    %mul3A_44 = arith.mulf %convert_element_type3A_37, %reduce_sum3A_9 : vector<256x128xf32>
    %reduce_sum3A_45 = vector.shape_cast %mul3A_44 : vector<256x128xf32> to vector<1x256x128xf32>
    %reduce_sum3A_46 = arith.constant dense<0.000000e+00> : vector<1xf32>
    %reduce_sum3A_47 = vector.multi_reduction <add>, %reduce_sum3A_45, %reduce_sum3A_46 [1, 2] : vector<1x256x128xf32> to vector<1xf32>
    %reduce_sum3A_48 = vector.shape_cast %reduce_sum3A_47 : vector<1xf32> to vector<1x1x1xf32>
    %reduce_sum3A_49 = vector.extract %reduce_sum3A_48[0, 0, 0] : f32 from vector<1x1x1xf32>
    %mul3A_50 = arith.mulf %convert_element_type3A_37, %add3A_21 : vector<256x128xf32>
    %reduce_sum3A_51 = vector.shape_cast %mul3A_50 : vector<256x128xf32> to vector<1x256x128xf32>
    %reduce_sum3A_52 = arith.constant dense<0.000000e+00> : vector<1xf32>
    %reduce_sum3A_53 = vector.multi_reduction <add>, %reduce_sum3A_51, %reduce_sum3A_52 [1, 2] : vector<1x256x128xf32> to vector<1xf32>
    %reduce_sum3A_54 = vector.shape_cast %reduce_sum3A_53 : vector<1xf32> to vector<1x1x1xf32>
    %reduce_sum3A_55 = vector.extract %reduce_sum3A_54[0, 0, 0] : f32 from vector<1x1x1xf32>
    %sub3A = arith.subf %reduce_sum3A_55, %reduce_sum3A_43 : f32
    %gt3A_56 = vector.broadcast %reduce_max3A_34 : i32 to vector<256x128xi32>
    %gt3A_57 = arith.cmpi sgt, %add3A_26, %gt3A_56 : vector<256x128xi32>
    %jit3A_58 = arith.constant 0.000000e+00 : f32
    %broadcast_in_dim3A_59 = vector.broadcast %jit3A_58 : f32 to vector<256x128xf32>
    %select_n3A_60 = arith.select %gt3A_57, %reduce_sum3A_9, %broadcast_in_dim3A_59 : vector<256x128xi1>, vector<256x128xf32>
    %reduce_sum3A_61 = vector.shape_cast %select_n3A_60 : vector<256x128xf32> to vector<1x256x128xf32>
    %reduce_sum3A_62 = arith.constant dense<0.000000e+00> : vector<1xf32>
    %reduce_sum3A_63 = vector.multi_reduction <add>, %reduce_sum3A_61, %reduce_sum3A_62 [1, 2] : vector<1x256x128xf32> to vector<1xf32>
    %reduce_sum3A_64 = vector.shape_cast %reduce_sum3A_63 : vector<1xf32> to vector<1x1x1xf32>
    %reduce_sum3A_65 = vector.extract %reduce_sum3A_64[0, 0, 0] : f32 from vector<1x1x1xf32>
    %sub3A_66 = arith.constant 0x49CCCCC8 : f32
    %sub3A_67 = arith.subf %sub3A_66, %sub3A : f32
    %div3A = arith.divf %reduce_sum3A_49, %reduce_sum3A_43 : f32
    %mul3A_68 = arith.mulf %sub3A_67, %div3A : f32
    %add3A_69 = arith.addf %reduce_sum3A_65, %mul3A_68 : f32
    %div3A_70 = arith.constant 0x49CCCCC8 : f32
    %div3A_71 = arith.divf %add3A_69, %div3A_70 : f32
    %swap3A = arith.constant 0 : index
    %swap3A_72 = arith.constant 0 : index
    %swap3A_73 = memref.load %arg2[%swap3A, %swap3A_72] : memref<1x1xf32, #tpu.memory_space<smem>>
    memref.store %div3A_71, %arg2[%swap3A, %swap3A_72] : memref<1x1xf32, #tpu.memory_space<smem>>
    return
  }
}

</mosaic_0001>

<sc_bundles>
// kernel: kernel.5.cloned.1.call-start
scs
__scs_entry_jumppad:
0x0: {  	(pc) =	sbr.rel $0x88, $3  }
0x1: {  	(tag) =	ssettag $0x0;
	lr =	simm.s32 $0x1  }
0x2: {  	[smem:$0x3F9F] =	sst lr;
	_ =	strace $0xD0000000  }
0x3: {  	_ = 	snop  }
0x4: {  	_ = 	snop  }
0x5: {  	_ = 	snop  }
0x6: {  	_ = 	snop  }
0x7: {  	_ = 	snop  }
__scs_overlays_trampoline_lowered:
0x8: {  	[smem:$0x3FAE] =	sst s0  }
0x9: {  	[smem:$0x3FAF] =	sst s1  }
0xa: {  	[smem:$0x3FB0] =	sst s2  }
0xb: {  	[smem:$0x3FB1] =	sst s3  }
0xc: {  	[smem:$0x3FB2] =	sst s4  }
0xd: {  	[smem:$0x3FB3] =	sst s5  }
0xe: {  	[smem:$0x3FB4] =	sst s6  }
0xf: {  	[smem:$0x3FB5] =	sst s7  }
0x10: {  	[smem:$0x3FB6] =	sst s8  }
0x11: {  	[smem:$0x3FB7] =	sst s9;
	s0 =	simm.s32 @!p0 $0x0  }
0x12: {  	s1 =	sld [smem:$0x3F9D];
	s0 =	simm.s32 @p0 $0x1  }
0x13: {  	[smem:$0x3FB8] =	sst s0;
	s0 =	simm.s32 @!p1 $0x0  }
0x14: {  	s2 =	sld [smem:$0x3F9C];
	s0 =	simm.s32 @p1 $0x1  }
0x15: {  	[smem:$0x3FB9] =	sst s0;
	s0 =	simm.s32 @!p2 $0x0  }
0x16: {  	s3 =	sld [smem:$0x3FDB];
	s0 =	simm.s32 @p2 $0x1  }
0x17: {  	s4 =	simm.s32 $0x1BF5;
	[smem:$0x3FBB] =	sst s0  }
0x18: {  	s0 =	sld [smem:$0x3F9E];
	_ =	swait.ge [sflag:s4], $0x0  }
0x19: {  	s7 =	sld [smem:$0x3F9F]  }
0x1a: {  	s8 =	sadd.s32 $0xFFFFE003, lr  }
0x1b: {  	s9 =	sadd.s32 $0xFFFFFEF7, lr;
	s5 =	simm.s32 $0xFFFFFFFF;
	p2 =	slt.u32 s8, $0xFFFFF086  }
0x1c: {  	p1 =	slt.u32 s9, $0xF7A;
	s5 =	simm.s32 @!p2 $0x0  }
0x1d: {  	s5 =	simm.s32 @p1 $0x1;
	p0 =	seq.s32 s7, s2  }
0x1e: {  	s7 =	smul.u32 @!p0 $0xF7A, s2;
	p2 =	seq.s32 @!p0 s5, $0x0  }
0x1f: {  	s9 =	smul.u32 $0xF7A, s1;
	s8 =	simm.s32 @!p0 $0x1BF5;
	p2 =	por !p2, p0  }
0x20: {  	[sflag:s8] =	ssyncset.s32 @!p0 $0xFFFFF086;
	s6 =	sadd.s32 @!p0 s3, s7;
	s7 =	simm.s32 @!p0 $0x108  }
0x21: {  	s3 =	sadd.s32 s3, s9;
	s6 =	sadd.s32 @!p0 $0x88, s6;
	s7 =	simm.s32 @p2 $0x1082  }
0x22: {  	[simem:s7], [sflag:s8] =	dma.local @!p0 [hbm:s6], $0xF7A  }
0x23: {  	s9 =	sor.u32 $0xD0000000, s2;
	s6 =	simm.s32 $0x108;
	_ =	swait.ge @!p0 [sflag:s8], $0x0  }
0x24: {  	s3 =	sadd.s32 $0x88, s3;
	s6 =	simm.s32 @!p1 $0x1082;
	[sflag:s4] =	ssyncset.s32 $0xFFFFF086  }
0x25: {  	[simem:s6], [sflag:s4] =	dma.local [hbm:s3], $0xF7A  }
0x26: {  	[smem:$0x3F9F] =	sst s1;
	(tag) =	ssettag s2;
	_ =	strace s9  }
0x27: {  	s1 =	sld [smem:$0x3FAF]  }
0x28: {  	s2 =	sld [smem:$0x3FB0]  }
0x29: {  	s4 =	sld [smem:$0x3FB2]  }
0x2a: {  	p0 =	seq.s32 s5, $0x0;
	s5 =	sld [smem:$0x3FB3]  }
0x2b: {  	s6 =	sld [smem:$0x3FB4]  }
0x2c: {  	s7 =	sld [smem:$0x3FB5]  }
0x2d: {  	s3 =	simm.s32 $0x108;
	s8 =	sld [smem:$0x3FB6]  }
0x2e: {  	s3 =	simm.s32 @!p0 $0x1082;
	s9 =	sld [smem:$0x3FB7]  }
0x2f: {  	lr =	sadd.s32 s0, s3;
	s0 =	sld [smem:$0x3FAE]  }
0x30: {  	s3 =	sld [smem:$0x3FB1]  }
0x31: {  	[smem:$0x3FBA] =	sst s10  }
0x32: {  	s10 =	sld [smem:$0x3FB8];
	_ =	sdelay $0x3  }
0x33: {  	p0 =	seq.s32 s10, $0x1;
	s10 =	sld [smem:$0x3FBA];
	_ =	sdelay $0x3  }
0x34: {  	[smem:$0x3FBA] =	sst s10  }
0x35: {  	s10 =	sld [smem:$0x3FB9];
	_ =	sdelay $0x3  }
0x36: {  	p1 =	seq.s32 s10, $0x1;
	s10 =	sld [smem:$0x3FBA];
	_ =	sdelay $0x3  }
0x37: {  	[smem:$0x3FBA] =	sst s10  }
0x38: {  	s10 =	sld [smem:$0x3FBB]  }
0x39: {  	_ = 	snop;
	(pc) =	sbr.ind lr, $3  }
0x3a: {  	_ = 	snop  }
0x3b: {  	_ = 	snop  }
0x3c: {  	p2 =	seq.s32 s10, $0x1;
	s10 =	sld [smem:$0x3FBA]  }
0x3d: {  	_ =	shalt  }
0x3e: {  	_ =	shalt  }
0x3f: {  	_ =	shalt  }
0x40: {  	_ =	shalt  }
0x41: {  	_ =	shalt  }
0x42: {  	_ =	shalt  }
0x43: {  	_ =	shalt  }
0x44: {  	_ =	shalt  }
0x45: {  	_ =	shalt  }
0x46: {  	_ =	shalt  }
0x47: {  	_ =	shalt  }
0x48: {  	_ =	shalt  }
0x49: {  	_ =	shalt  }
0x4a: {  	_ =	shalt  }
0x4b: {  	_ =	shalt  }
0x4c: {  	_ =	shalt  }
0x4d: {  	_ =	shalt  }
0x4e: {  	_ =	shalt  }
0x4f: {  	_ =	shalt  }
0x50: {  	_ =	shalt  }
0x51: {  	_ =	shalt  }
0x52: {  	_ =	shalt  }
0x53: {  	_ =	shalt  }
0x54: {  	_ =	shalt  }
0x55: {  	_ =	shalt  }
0x56: {  	_ =	shalt  }
0x57: {  	_ =	shalt  }
0x58: {  	_ =	shalt  }
0x59: {  	_ =	shalt  }
0x5a: {  	_ =	shalt  }
0x5b: {  	_ =	shalt  }
0x5c: {  	_ =	shalt  }
0x5d: {  	_ =	shalt  }
0x5e: {  	_ =	shalt  }
0x5f: {  	_ =	shalt  }
0x60: {  	_ =	shalt  }
0x61: {  	_ =	shalt  }
0x62: {  	_ =	shalt  }
0x63: {  	_ =	shalt  }
0x64: {  	_ =	shalt  }
0x65: {  	_ =	shalt  }
0x66: {  	_ =	shalt  }
0x67: {  	_ =	shalt  }
0x68: {  	_ =	shalt  }
0x69: {  	_ =	shalt  }
0x6a: {  	_ =	shalt  }
0x6b: {  	_ =	shalt  }
0x6c: {  	_ =	shalt  }
0x6d: {  	_ =	shalt  }
0x6e: {  	_ =	shalt  }
0x6f: {  	_ =	shalt  }
0x70: {  	_ =	shalt  }
0x71: {  	_ =	shalt  }
0x72: {  	_ =	shalt  }
0x73: {  	_ =	shalt  }
0x74: {  	_ =	shalt  }
0x75: {  	_ =	shalt  }
0x76: {  	_ =	shalt  }
0x77: {  	_ =	shalt  }
0x78: {  	_ =	shalt  }
0x79: {  	_ =	shalt  }
0x7a: {  	_ =	shalt  }
0x7b: {  	_ =	shalt  }
0x7c: {  	_ =	shalt  }
0x7d: {  	_ =	shalt  }
0x7e: {  	_ =	shalt  }
0x7f: {  	_ =	shalt  }
0x80: {  	_ =	shalt  }
0x81: {  	_ =	shalt  }
0x82: {  	_ =	shalt  }
0x83: {  	_ =	shalt  }
0x84: {  	_ =	shalt  }
0x85: {  	_ =	shalt  }
0x86: {  	_ =	shalt  }
0x87: {  	_ =	shalt  }
.Lfunc_end0:
.L_simem_size_0:
called_computation.1_lowered:
.L_overlay_start_0:
0x88: {  	s2 =	sld [smem:$0x3FD9]  }
0x89: {  	s3 =	sld [smem:$0x3FFE];
	_ =	sdelay $0x1  }
0x8a: {  	s1 =	srdreg.scid  }
0x8b: {  	s0 =	sand.u32 $0x1, s1  }
0x8c: {  	s16 =	sshll.u32 s0, $0xA;
	s2 =	sadd.s32 s3, s2  }
0x8d: {  	s2 =	sadd.s32 s2, s16  }
0x8e: {  	[smem:$0x3FC6] =	sst s2  }
0x8f: {  	_ = 	snop  }
0x90: {  	(tm) =	ssettm $0x1  }
0x91: {  	s17 =	sld [smem:$0x3FFB];
	_ =	sdelay $0x3  }
0x92: {  	_ =	strace s17  }
0x93: {  	s2 =	sld [smem:$0x3FFC];
	_ =	sdelay $0x3  }
0x94: {  	_ =	strace s2  }
0x95: {  	s2 =	sld [smem:$0x3FFD];
	_ =	sdelay $0x3  }
0x96: {  	_ =	strace s2  }
0x97: {  	_ =	strace $0x8FFFFFFF  }
0x98: {  	s18 =	sld [smem:$0x3FDB];
	_ =	sdelay $0x1  }
0x99: {  	s19 =	simm.s32 $_scs_section_size  }
0x9a: {  	s4 =	simm.s32 $_size__tile_overlayer_lowered;
	s5 =	simm.s32 $_tile_overlayer_lowered  }
0x9b: {  	s22 =	simm.s32 $0x1BFF;
	s21 =	sshll.u32 s5, $0x1;
	s2 =	sadd.s32 s19, s18  }
0x9c: {  	s6 =	simm.s32 $0x0;
	s20 =	sshll.u32 s4, $0x1;
	s4 =	sadd.s32 s21, s2  }
0x9d: {  	[timem:s6], [sflag:s22] =	dma.local [hbm:s4], s20  }
0x9e: {  	_ =	swait.ge [sflag:s22], s20  }
0x9f: {  	s3 =	ssub.s32 $0x0, s20;
	[sflag:s22] =	ssyncset.done $0x0  }
0xa0: {  	[sflag:s22] =	ssyncadd.s32 s3;
	_ =	sdelay $0x1  }
0xa1: {  	s23 =	simm.s32 $0x1B8B  }
0xa2: {  	_ =	swait.ge [sflag:s23], $0x1  }
0xa3: {  	[sflag:s23] =	ssyncset.done $0x0  }
0xa4: {  	s25 =	simm.s32 $0x1B8E;
	s24 =	sld [smem:$0x3FFE];
	[sflag:s23] =	ssyncadd.s32 $0xFFFFFFFF  }
0xa5: {  	s26 =	simm.s32 $execute0_lowered;
	[smem:$0x3FD2] =	sst s25  }
0xa6: {  	s4 =	sshll.u32 s26, $0x1;
	_ =	strace $0x80000049;
	[dreg:$0x1] =	wrdreg $0xFFFFFFFF  }
0xa7: {  	s28 =	simm.s32 $_size_execute0_lowered;
	s2 =	sadd.s32 s2, s4;
	[dreg:$0x0] =	wrdreg $0x0  }
0xa8: {  	s4 =	sshll.u32 s28, $0x1;
	[dreg:$0x2] =	wrdreg s2  }
0xa9: {  	[dreg:$0x3] =	wrdreg s4  }
0xaa: {  	[dreg:$0x4] =	wrdreg $0xC0  }
0xab: {  	_ =	task [dreg:s6], $0x5FFFF  }
0xac: {  	[dreg:$0x1] =	wrdreg $0xFFFFFFFF  }
0xad: {  	[dreg:$0x0] =	wrdreg $0x60  }
0xae: {  	[dreg:$0x2] =	wrdreg s24  }
0xaf: {  	[dreg:$0x3] =	wrdreg $0x9  }
0xb0: {  	_ =	task.clear_ibuf [dreg:s6], $0x4FFFF;
	_ =	strace $0x90000049  }
0xb1: {  	s29 =	simm.s32 $0x9;
	_ =	strace $0x8000004B  }
0xb2: {  	_ =	swait.ge [sflag:s29], $0x1  }
0xb3: {  	[sflag:s29] =	ssyncadd.s32 $0xFFFFFFFF  }
0xb4: {  	_ =	strace $0x9000004B  }
0xb5: {  	_ =	sfence  }
0xb6: {  	s30 =	sld [smem:$0x0];
	_ =	sdelay $0x2  }
0xb7: {  	s31 =	sshll.u32 s1, $0xD;
	s1 =	sshrl.u32 s1, $0x2  }
0xb8: {  	s3 =	sand.u32 $0x4000, s31;
	s1 =	sadd.s32 s1, s30  }
0xb9: {  	s0 =	sor.u32 s3, s0;
	s1 =	sshll.u32 s1, $0x11  }
0xba: {  	s0 =	sor.u32 s1, s0  }
0xbb: {  	s0 =	sadd.s32 $0x8F2B, s0  }
0xbc: {  	[sflag:s0] =	ssyncadd.remote.s32 $0x1  }
0xbd: {  	_ =	sfence.sel $0xFFFF  }
0xbe: {  	[dreg:$0x0] =	wrdreg $0xFFFFFFFF;
	(pc) =	sbr.abs _section_cstart, $3  }
0xbf: {  	[dreg:$0x1] =	wrdreg $0xFFFFFFFF  }
0xc0: {  	_ =	task.clear_ibuf [dreg:s6], $0x2FFFF;
	_ =	strace $0x9FFFFFFF  }
0xc1: {  	(tm) =	ssettm $0x7FFFFFFF  }
tec
execute0_lowered:
.L_overlay_start_1:
0x0: {  	(tag) =	ssettag $0x1  }
0x1: {  	s0 =	srdreg.scid  }
0x2: {  	s2 =	stileid.u32;
	s1 =	rddreg [dreg:$0x0]  }
0x3: {  	s22 =	simm.s32 $0x4000;
	s23 =	simm.s32 $0x1;
	s24 =	simm.s32 $0x8000  }
0x4: {  	s28 =	simm.s32 $0x80;
	s29 =	simm.s32 $0x400;
	s30 =	simm.s32 $0x3  }
0x5: {  	s31 =	simm.s32 $0x0;
	s0 =	sand.u32 $0x1, s0;
	s2 =	sshll.u32 s2, $0x1  }
0x6: {  	s3 =	sor.u32 s0, s2;
	s2 =	simm.s32 $0x0;
	s0 =	ssub.s32 $0x2, s0  }
0x7: {  	s4 =	sshll.u32 s3, $0xF;
	s3 =	sshll.u32 s3, $0x7;
	[smem:$0x7FF] =	sst s2  }
0x8: {  	s25 =	sshrl.u32 s0, $0x1;
	s3 =	sor.u32 s3, s4;
	_ =	strace $0x8000004A  }
0x9: {  	s18 =	sadd.s32 s4, s1;
	s0 =	ssub.s32 s0, s25;
	s25 =	simm.s32 $0x10000  }
0xa: {  	s3 =	sand.u32 $0xC0380, s3;
	s26 =	sadd.s32 $0xC00, s18;
	s4 =	sadd.s32 $0x1400, s18  }
0xb: {  	s5 =	sadd.s32 $0x1C00, s18;
	s6 =	sadd.s32 $0x2400, s18;
	s7 =	sadd.s32 $0x2C00, s18  }
0xc: {  	s8 =	sadd.s32 $0x3400, s18;
	s9 =	sadd.s32 $0x3C00, s18;
	s10 =	sadd.s32 $0x4400, s18  }
0xd: {  	s11 =	sadd.s32 $0x4C00, s18;
	s12 =	sadd.s32 $0x5400, s18;
	s13 =	sadd.s32 $0x5C00, s18  }
0xe: {  	s14 =	sadd.s32 $0x6400, s18;
	s15 =	sadd.s32 $0x6C00, s18;
	s16 =	sadd.s32 $0x7400, s18  }
0xf: {  	s17 =	sadd.s32 $0x7C00, s18;
	s18 =	sadd.s32 $0x8400, s18;
	s3 =	sshrl.u32 s3, $0x3  }
0x10: {  	s21 =	smax.u32 s0, $0x1;
	[dreg:$0x2] =	wrdreg s26;
	s1 =	sadd.s32 s3, s1  }
0x11: {  	v0 =	vimm.f32 $0.0e+00;
	v1 =	vimm.f32 $1.000000000e+00;
	s26 =	simm.s32 $0x2;
	s19 =	sadd.s32 $0x100C00, s1;
	s20 =	sadd.s32 $0x120C00, s1  }
.LBB2_1:
0x12: {  	s0 =	simm.s32 $0x8020  }
0x13: {  	s1 =	simm.s32 $0x10020;
	[tilespmem:s0+$0xFFFFFFE0] =	vst v0  }
0x14: {  	[tilespmem:s1+$0xFFFFFFE0] =	vst v0  }
0x15: {  	[tilespmem:s0+$0xFFFFFFF0] =	vst v0  }
0x16: {  	[tilespmem:s1+$0xFFFFFFF0] =	vst v0  }
0x17: {  	[tilespmem:s0+$0x0] =	vst v0  }
0x18: {  	[tilespmem:s1+$0x0] =	vst v0  }
0x19: {  	[tilespmem:s0+$0x10] =	vst v0  }
0x1a: {  	s3 =	simm.s32 $0x8060;
	s0 =	simm.s32 $0x0;
	[tilespmem:s1+$0x10] =	vst v0  }
.LBB2_2:
0x1b: {  	[tilespmem:s3+$0xFFFFFFE0] =	vst v0;
	s1 =	sadd.s32 $0x40, s1  }
0x1c: {  	s0 =	sadd.s32 $0x4, s0;
	[tilespmem:s1+$0xFFFFFFE0] =	vst v0  }
0x1d: {  	p0 =	slt.u32 s0, $0x7FC;
	[tilespmem:s3+$0xFFFFFFF0] =	vst v0  }
.Ltmp0:
0x1e: {  	[tilespmem:s1+$0xFFFFFFF0] =	vst v0;
	(pc) =	sbr.rel @p0 .LBB2_2-.Ltmp0, $4  }
0x1f: {  	[tilespmem:s3+$0x0] =	vst v0  }
0x20: {  	[tilespmem:s1+$0x0] =	vst v0  }
0x21: {  	[tilespmem:s3+$0x10] =	vst v0  }
0x22: {  	s3 =	sadd.s32 $0x40, s3;
	[tilespmem:s1+$0x10] =	vst v0  }
0x23: {  	s0 =	rddreg [dreg:$0x2]  }
0x24: {  	[tilespmem:s2], [sflag:$0x1] =	stream.linear.gather [hbm4b:s0+s2], $0x4000, $0x38;
	[tilespmem:$0x18000] =	vst v63  }
0x25: {  	_ = 	snop  }
0x26: {  	[tilespmem:s22], [sflag:$0x2] =	stream.linear.gather [hbm4b:s4+s2], $0x4000, $0x38;
	[tilespmem:$0x18000] =	vst v63  }
0x27: {  	_ =	swait.ge [sflag:s23], $0x4000  }
0x28: {  	[sflag:s23] =	ssyncset.done $0x0  }
0x29: {  	s1 =	simm.s32 $0xFFFFFFFC;
	s0 =	simm.s32 $0x20;
	[sflag:s23] =	ssyncadd.s32 $0xFFFFC000  }
.LBB2_4:
0x2a: {  	v2 =	vld [tilespmem:s0+$0xFFFFFFE0];
	_ =	sdelay $0x4  }
0x2b: {  	v3 =	vshra.s32 v2, $0x10  }
0x2c: {  	vm0 =	vgt.s32 v3, $0x0  }
0x2d: {  	v3 =	vnsel vm0, $0x0, v3;
	_ =	sdelay $0x4  }
0x2e: {  	[tilespmem:v3+s24+$0x0] =	vst.idx.add.f32.msk $0xffff, v1  }
0x2f: {  	[tilespmem:v3+s25+$0x0] =	vst.idx.add.f32.msk $0xffff, v2  }
0x30: {  	v2 =	vld [tilespmem:s0+$0xFFFFFFF0];
	_ =	sdelay $0x4  }
0x31: {  	v3 =	vshra.s32 v2, $0x10  }
0x32: {  	vm13 =	vgt.s32 v3, $0x0  }
0x33: {  	v3 =	vnsel vm13, $0x0, v3;
	_ =	sdelay $0x4  }
0x34: {  	[tilespmem:v3+s24+$0x0] =	vst.idx.add.f32.msk $0xffff, v1  }
0x35: {  	[tilespmem:v3+s25+$0x0] =	vst.idx.add.f32.msk $0xffff, v2  }
0x36: {  	v2 =	vld [tilespmem:s0+$0x0];
	_ =	sdelay $0x4  }
0x37: {  	v3 =	vshra.s32 v2, $0x10  }
0x38: {  	vm14 =	vgt.s32 v3, $0x0  }
0x39: {  	v3 =	vnsel vm14, $0x0, v3;
	_ =	sdelay $0x4  }
0x3a: {  	[tilespmem:v3+s24+$0x0] =	vst.idx.add.f32.msk $0xffff, v1  }
0x3b: {  	[tilespmem:v3+s25+$0x0] =	vst.idx.add.f32.msk $0xffff, v2  }
0x3c: {  	v2 =	vld [tilespmem:s0+$0x10];
	_ =	sdelay $0x4  }
0x3d: {  	v3 =	vshra.s32 v2, $0x10  }
0x3e: {  	vm15 =	vgt.s32 v3, $0x0  }
0x3f: {  	s1 =	sadd.s32 $0x4, s1;
	v3 =	vnsel vm15, $0x0, v3  }
0x40: {  	p0 =	slt.u32 s1, $0x3FC  }
.Ltmp1:
0x41: {  	_ = 	snop;
	(pc) =	sbr.rel @p0 .LBB2_4-.Ltmp1, $3  }
0x42: {  	_ =	sdelay $0x1  }
0x43: {  	[tilespmem:v3+s24+$0x0] =	vst.idx.add.f32.msk $0xffff, v1  }
0x44: {  	s0 =	sadd.s32 $0x40, s0;
	[tilespmem:v3+s25+$0x0] =	vst.idx.add.f32.msk $0xffff, v2  }
0x45: {  	[tilespmem:s2], [sflag:$0x1] =	stream.linear.gather [hbm4b:s5+s2], $0x4000, $0x38;
	[tilespmem:$0x18000] =	vst v63  }
0x46: {  	_ =	swait.ge [sflag:s26], $0x4000  }
0x47: {  	[sflag:s26] =	ssyncset.done $0x0  }
0x48: {  	s1 =	simm.s32 $0xFFFFFFFC;
	s0 =	simm.s32 $0x4020;
	[sflag:s26] =	ssyncadd.s32 $0xFFFFC000  }
.LBB2_6:
0x49: {  	v2 =	vld [tilespmem:s0+$0xFFFFFFE0];
	_ =	sdelay $0x4  }
0x4a: {  	v3 =	vshra.s32 v2, $0x10  }
0x4b: {  	vm0 =	vgt.s32 v3, $0x0  }
0x4c: {  	v3 =	vnsel vm0, $0x0, v3;
	_ =	sdelay $0x4  }
0x4d: {  	[tilespmem:v3+s24+$0x0] =	vst.idx.add.f32.msk $0xffff, v1  }
0x4e: {  	[tilespmem:v3+s25+$0x0] =	vst.idx.add.f32.msk $0xffff, v2  }
0x4f: {  	v2 =	vld [tilespmem:s0+$0xFFFFFFF0];
	_ =	sdelay $0x4  }
0x50: {  	v3 =	vshra.s32 v2, $0x10  }
0x51: {  	vm13 =	vgt.s32 v3, $0x0  }
0x52: {  	v3 =	vnsel vm13, $0x0, v3;
	_ =	sdelay $0x4  }
0x53: {  	[tilespmem:v3+s24+$0x0] =	vst.idx.add.f32.msk $0xffff, v1  }
0x54: {  	[tilespmem:v3+s25+$0x0] =	vst.idx.add.f32.msk $0xffff, v2  }
0x55: {  	v2 =	vld [tilespmem:s0+$0x0];
	_ =	sdelay $0x4  }
0x56: {  	v3 =	vshra.s32 v2, $0x10  }
0x57: {  	vm14 =	vgt.s32 v3, $0x0  }
0x58: {  	v3 =	vnsel vm14, $0x0, v3;
	_ =	sdelay $0x4  }
0x59: {  	[tilespmem:v3+s24+$0x0] =	vst.idx.add.f32.msk $0xffff, v1  }
0x5a: {  	[tilespmem:v3+s25+$0x0] =	vst.idx.add.f32.msk $0xffff, v2  }
0x5b: {  	v2 =	vld [tilespmem:s0+$0x10];
	_ =	sdelay $0x4  }
0x5c: {  	v3 =	vshra.s32 v2, $0x10  }
0x5d: {  	vm15 =	vgt.s32 v3, $0x0  }
0x5e: {  	s1 =	sadd.s32 $0x4, s1;
	v3 =	vnsel vm15, $0x0, v3  }
0x5f: {  	p0 =	slt.u32 s1, $0x3FC  }
.Ltmp2:
0x60: {  	_ = 	snop;
	(pc) =	sbr.rel @p0 .LBB2_6-.Ltmp2, $3  }
0x61: {  	_ =	sdelay $0x1  }
0x62: {  	[tilespmem:v3+s24+$0x0] =	vst.idx.add.f32.msk $0xffff, v1  }
0x63: {  	s0 =	sadd.s32 $0x40, s0;
	[tilespmem:v3+s25+$0x0] =	vst.idx.add.f32.msk $0xffff, v2  }
0x64: {  	[tilespmem:s22], [sflag:$0x2] =	stream.linear.gather [hbm4b:s6+s2], $0x4000, $0x38;
	[tilespmem:$0x18000] =	vst v63  }
0x65: {  	_ =	swait.ge [sflag:s23], $0x4000  }
0x66: {  	[sflag:s23] =	ssyncset.done $0x0  }
0x67: {  	s1 =	simm.s32 $0xFFFFFFFC;
	s0 =	simm.s32 $0x20;
	[sflag:s23] =	ssyncadd.s32 $0xFFFFC000  }
.LBB2_8:
0x68: {  	v2 =	vld [tilespmem:s0+$0xFFFFFFE0];
	_ =	sdelay $0x4  }
0x69: {  	v3 =	vshra.s32 v2, $0x10  }
0x6a: {  	vm0 =	vgt.s32 v3, $0x0  }
0x6b: {  	v3 =	vnsel vm0, $0x0, v3;
	_ =	sdelay $0x4  }
0x6c: {  	[tilespmem:v3+s24+$0x0] =	vst.idx.add.f32.msk $0xffff, v1  }
0x6d: {  	[tilespmem:v3+s25+$0x0] =	vst.idx.add.f32.msk $0xffff, v2  }
0x6e: {  	v2 =	vld [tilespmem:s0+$0xFFFFFFF0];
	_ =	sdelay $0x4  }
0x6f: {  	v3 =	vshra.s32 v2, $0x10  }
0x70: {  	vm13 =	vgt.s32 v3, $0x0  }
0x71: {  	v3 =	vnsel vm13, $0x0, v3;
	_ =	sdelay $0x4  }
0x72: {  	[tilespmem:v3+s24+$0x0] =	vst.idx.add.f32.msk $0xffff, v1  }
0x73: {  	[tilespmem:v3+s25+$0x0] =	vst.idx.add.f32.msk $0xffff, v2  }
0x74: {  	v2 =	vld [tilespmem:s0+$0x0];
	_ =	sdelay $0x4  }
0x75: {  	v3 =	vshra.s32 v2, $0x10  }
0x76: {  	vm14 =	vgt.s32 v3, $0x0  }
0x77: {  	v3 =	vnsel vm14, $0x0, v3;
	_ =	sdelay $0x4  }
0x78: {  	[tilespmem:v3+s24+$0x0] =	vst.idx.add.f32.msk $0xffff, v1  }
0x79: {  	[tilespmem:v3+s25+$0x0] =	vst.idx.add.f32.msk $0xffff, v2  }
0x7a: {  	v2 =	vld [tilespmem:s0+$0x10];
	_ =	sdelay $0x4  }
0x7b: {  	v3 =	vshra.s32 v2, $0x10  }
0x7c: {  	vm15 =	vgt.s32 v3, $0x0  }
0x7d: {  	s1 =	sadd.s32 $0x4, s1;
	v3 =	vnsel vm15, $0x0, v3  }
0x7e: {  	p0 =	slt.u32 s1, $0x3FC  }
.Ltmp3:
0x7f: {  	_ = 	snop;
	(pc) =	sbr.rel @p0 .LBB2_8-.Ltmp3, $3  }
0x80: {  	_ =	sdelay $0x1  }
0x81: {  	[tilespmem:v3+s24+$0x0] =	vst.idx.add.f32.msk $0xffff, v1  }
0x82: {  	s0 =	sadd.s32 $0x40, s0;
	[tilespmem:v3+s25+$0x0] =	vst.idx.add.f32.msk $0xffff, v2  }
0x83: {  	[tilespmem:s2], [sflag:$0x1] =	stream.linear.gather [hbm4b:s7+s2], $0x4000, $0x38;
	[tilespmem:$0x18000] =	vst v63  }
0x84: {  	_ =	swait.ge [sflag:s26], $0x4000  }
0x85: {  	[sflag:s26] =	ssyncset.done $0x0  }
0x86: {  	s1 =	simm.s32 $0xFFFFFFFC;
	s0 =	simm.s32 $0x4020;
	[sflag:s26] =	ssyncadd.s32 $0xFFFFC000  }
.LBB2_10:
0x87: {  	v2 =	vld [tilespmem:s0+$0xFFFFFFE0];
	_ =	sdelay $0x4  }
0x88: {  	v3 =	vshra.s32 v2, $0x10  }
0x89: {  	vm0 =	vgt.s32 v3, $0x0  }
0x8a: {  	v3 =	vnsel vm0, $0x0, v3;
	_ =	sdelay $0x4  }
0x8b: {  	[tilespmem:v3+s24+$0x0] =	vst.idx.add.f32.msk $0xffff, v1  }
0x8c: {  	[tilespmem:v3+s25+$0x0] =	vst.idx.add.f32.msk $0xffff, v2  }
0x8d: {  	v2 =	vld [tilespmem:s0+$0xFFFFFFF0];
	_ =	sdelay $0x4  }
0x8e: {  	v3 =	vshra.s32 v2, $0x10  }
0x8f: {  	vm13 =	vgt.s32 v3, $0x0  }
0x90: {  	v3 =	vnsel vm13, $0x0, v3;
	_ =	sdelay $0x4  }
0x91: {  	[tilespmem:v3+s24+$0x0] =	vst.idx.add.f32.msk $0xffff, v1  }
0x92: {  	[tilespmem:v3+s25+$0x0] =	vst.idx.add.f32.msk $0xffff, v2  }
0x93: {  	v2 =	vld [tilespmem:s0+$0x0];
	_ =	sdelay $0x4  }
0x94: {  	v3 =	vshra.s32 v2, $0x10  }
0x95: {  	vm14 =	vgt.s32 v3, $0x0  }
0x96: {  	v3 =	vnsel vm14, $0x0, v3;
	_ =	sdelay $0x4  }
0x97: {  	[tilespmem:v3+s24+$0x0] =	vst.idx.add.f32.msk $0xffff, v1  }
0x98: {  	[tilespmem:v3+s25+$0x0] =	vst.idx.add.f32.msk $0xffff, v2  }
0x99: {  	v2 =	vld [tilespmem:s0+$0x10];
	_ =	sdelay $0x4  }
0x9a: {  	v3 =	vshra.s32 v2, $0x10  }
0x9b: {  	vm15 =	vgt.s32 v3, $0x0  }
0x9c: {  	s1 =	sadd.s32 $0x4, s1;
	v3 =	vnsel vm15, $0x0, v3  }
0x9d: {  	p0 =	slt.u32 s1, $0x3FC  }
.Ltmp4:
0x9e: {  	_ = 	snop;
	(pc) =	sbr.rel @p0 .LBB2_10-.Ltmp4, $3  }
0x9f: {  	_ =	sdelay $0x1  }
0xa0: {  	[tilespmem:v3+s24+$0x0] =	vst.idx.add.f32.msk $0xffff, v1  }
0xa1: {  	s0 =	sadd.s32 $0x40, s0;
	[tilespmem:v3+s25+$0x0] =	vst.idx.add.f32.msk $0xffff, v2  }
0xa2: {  	[tilespmem:s22], [sflag:$0x2] =	stream.linear.gather [hbm4b:s8+s2], $0x4000, $0x38;
	[tilespmem:$0x18000] =	vst v63  }
0xa3: {  	_ =	swait.ge [sflag:s23], $0x4000  }
0xa4: {  	[sflag:s23] =	ssyncset.done $0x0  }
0xa5: {  	s1 =	simm.s32 $0xFFFFFFFC;
	s0 =	simm.s32 $0x20;
	[sflag:s23] =	ssyncadd.s32 $0xFFFFC000  }
.LBB2_12:
0xa6: {  	v2 =	vld [tilespmem:s0+$0xFFFFFFE0];
	_ =	sdelay $0x4  }
0xa7: {  	v3 =	vshra.s32 v2, $0x10  }
0xa8: {  	vm0 =	vgt.s32 v3, $0x0  }
0xa9: {  	v3 =	vnsel vm0, $0x0, v3;
	_ =	sdelay $0x4  }
0xaa: {  	[tilespmem:v3+s24+$0x0] =	vst.idx.add.f32.msk $0xffff, v1  }
0xab: {  	[tilespmem:v3+s25+$0x0] =	vst.idx.add.f32.msk $0xffff, v2  }
0xac: {  	v2 =	vld [tilespmem:s0+$0xFFFFFFF0];
	_ =	sdelay $0x4  }
0xad: {  	v3 =	vshra.s32 v2, $0x10  }
0xae: {  	vm13 =	vgt.s32 v3, $0x0  }
0xaf: {  	v3 =	vnsel vm13, $0x0, v3;
	_ =	sdelay $0x4  }
0xb0: {  	[tilespmem:v3+s24+$0x0] =	vst.idx.add.f32.msk $0xffff, v1  }
0xb1: {  	[tilespmem:v3+s25+$0x0] =	vst.idx.add.f32.msk $0xffff, v2  }
0xb2: {  	v2 =	vld [tilespmem:s0+$0x0];
	_ =	sdelay $0x4  }
0xb3: {  	v3 =	vshra.s32 v2, $0x10  }
0xb4: {  	vm14 =	vgt.s32 v3, $0x0  }
0xb5: {  	v3 =	vnsel vm14, $0x0, v3;
	_ =	sdelay $0x4  }
0xb6: {  	[tilespmem:v3+s24+$0x0] =	vst.idx.add.f32.msk $0xffff, v1  }
0xb7: {  	[tilespmem:v3+s25+$0x0] =	vst.idx.add.f32.msk $0xffff, v2  }
0xb8: {  	v2 =	vld [tilespmem:s0+$0x10];
	_ =	sdelay $0x4  }
0xb9: {  	v3 =	vshra.s32 v2, $0x10  }
0xba: {  	vm15 =	vgt.s32 v3, $0x0  }
0xbb: {  	s1 =	sadd.s32 $0x4, s1;
	v3 =	vnsel vm15, $0x0, v3  }
0xbc: {  	p0 =	slt.u32 s1, $0x3FC  }
.Ltmp5:
0xbd: {  	_ = 	snop;
	(pc) =	sbr.rel @p0 .LBB2_12-.Ltmp5, $3  }
0xbe: {  	_ =	sdelay $0x1  }
0xbf: {  	[tilespmem:v3+s24+$0x0] =	vst.idx.add.f32.msk $0xffff, v1  }
0xc0: {  	s0 =	sadd.s32 $0x40, s0;
	[tilespmem:v3+s25+$0x0] =	vst.idx.add.f32.msk $0xffff, v2  }
0xc1: {  	[tilespmem:s2], [sflag:$0x1] =	stream.linear.gather [hbm4b:s9+s2], $0x4000, $0x38;
	[tilespmem:$0x18000] =	vst v63  }
0xc2: {  	_ =	swait.ge [sflag:s26], $0x4000  }
0xc3: {  	[sflag:s26] =	ssyncset.done $0x0  }
0xc4: {  	s1 =	simm.s32 $0xFFFFFFFC;
	s0 =	simm.s32 $0x4020;
	[sflag:s26] =	ssyncadd.s32 $0xFFFFC000  }
.LBB2_14:
0xc5: {  	v2 =	vld [tilespmem:s0+$0xFFFFFFE0];
	_ =	sdelay $0x4  }
0xc6: {  	v3 =	vshra.s32 v2, $0x10  }
0xc7: {  	vm0 =	vgt.s32 v3, $0x0  }
0xc8: {  	v3 =	vnsel vm0, $0x0, v3;
	_ =	sdelay $0x4  }
0xc9: {  	[tilespmem:v3+s24+$0x0] =	vst.idx.add.f32.msk $0xffff, v1  }
0xca: {  	[tilespmem:v3+s25+$0x0] =	vst.idx.add.f32.msk $0xffff, v2  }
0xcb: {  	v2 =	vld [tilespmem:s0+$0xFFFFFFF0];
	_ =	sdelay $0x4  }
0xcc: {  	v3 =	vshra.s32 v2, $0x10  }
0xcd: {  	vm13 =	vgt.s32 v3, $0x0  }
0xce: {  	v3 =	vnsel vm13, $0x0, v3;
	_ =	sdelay $0x4  }
0xcf: {  	[tilespmem:v3+s24+$0x0] =	vst.idx.add.f32.msk $0xffff, v1  }
0xd0: {  	[tilespmem:v3+s25+$0x0] =	vst.idx.add.f32.msk $0xffff, v2  }
0xd1: {  	v2 =	vld [tilespmem:s0+$0x0];
	_ =	sdelay $0x4  }
0xd2: {  	v3 =	vshra.s32 v2, $0x10  }
0xd3: {  	vm14 =	vgt.s32 v3, $0x0  }
0xd4: {  	v3 =	vnsel vm14, $0x0, v3;
	_ =	sdelay $0x4  }
0xd5: {  	[tilespmem:v3+s24+$0x0] =	vst.idx.add.f32.msk $0xffff, v1  }
0xd6: {  	[tilespmem:v3+s25+$0x0] =	vst.idx.add.f32.msk $0xffff, v2  }
0xd7: {  	v2 =	vld [tilespmem:s0+$0x10];
	_ =	sdelay $0x4  }
0xd8: {  	v3 =	vshra.s32 v2, $0x10  }
0xd9: {  	vm15 =	vgt.s32 v3, $0x0  }
0xda: {  	s1 =	sadd.s32 $0x4, s1;
	v3 =	vnsel vm15, $0x0, v3  }
0xdb: {  	p0 =	slt.u32 s1, $0x3FC  }
.Ltmp6:
0xdc: {  	_ = 	snop;
	(pc) =	sbr.rel @p0 .LBB2_14-.Ltmp6, $3  }
0xdd: {  	_ =	sdelay $0x1  }
0xde: {  	[tilespmem:v3+s24+$0x0] =	vst.idx.add.f32.msk $0xffff, v1  }
0xdf: {  	s0 =	sadd.s32 $0x40, s0;
	[tilespmem:v3+s25+$0x0] =	vst.idx.add.f32.msk $0xffff, v2  }
0xe0: {  	[tilespmem:s22], [sflag:$0x2] =	stream.linear.gather [hbm4b:s10+s2], $0x4000, $0x38;
	[tilespmem:$0x18000] =	vst v63  }
0xe1: {  	_ =	swait.ge [sflag:s23], $0x4000  }
0xe2: {  	[sflag:s23] =	ssyncset.done $0x0  }
0xe3: {  	s1 =	simm.s32 $0xFFFFFFFC;
	s0 =	simm.s32 $0x20;
	[sflag:s23] =	ssyncadd.s32 $0xFFFFC000  }
.LBB2_16:
0xe4: {  	v2 =	vld [tilespmem:s0+$0xFFFFFFE0];
	_ =	sdelay $0x4  }
0xe5: {  	v3 =	vshra.s32 v2, $0x10  }
0xe6: {  	vm0 =	vgt.s32 v3, $0x0  }
0xe7: {  	v3 =	vnsel vm0, $0x0, v3;
	_ =	sdelay $0x4  }
0xe8: {  	[tilespmem:v3+s24+$0x0] =	vst.idx.add.f32.msk $0xffff, v1  }
0xe9: {  	[tilespmem:v3+s25+$0x0] =	vst.idx.add.f32.msk $0xffff, v2  }
0xea: {  	v2 =	vld [tilespmem:s0+$0xFFFFFFF0];
	_ =	sdelay $0x4  }
0xeb: {  	v3 =	vshra.s32 v2, $0x10  }
0xec: {  	vm13 =	vgt.s32 v3, $0x0  }
0xed: {  	v3 =	vnsel vm13, $0x0, v3;
	_ =	sdelay $0x4  }
0xee: {  	[tilespmem:v3+s24+$0x0] =	vst.idx.add.f32.msk $0xffff, v1  }
0xef: {  	[tilespmem:v3+s25+$0x0] =	vst.idx.add.f32.msk $0xffff, v2  }
0xf0: {  	v2 =	vld [tilespmem:s0+$0x0];
	_ =	sdelay $0x4  }
0xf1: {  	v3 =	vshra.s32 v2, $0x10  }
0xf2: {  	vm14 =	vgt.s32 v3, $0x0  }
0xf3: {  	v3 =	vnsel vm14, $0x0, v3;
	_ =	sdelay $0x4  }
0xf4: {  	[tilespmem:v3+s24+$0x0] =	vst.idx.add.f32.msk $0xffff, v1  }
0xf5: {  	[tilespmem:v3+s25+$0x0] =	vst.idx.add.f32.msk $0xffff, v2  }
0xf6: {  	v2 =	vld [tilespmem:s0+$0x10];
	_ =	sdelay $0x4  }
0xf7: {  	v3 =	vshra.s32 v2, $0x10  }
0xf8: {  	vm15 =	vgt.s32 v3, $0x0  }
0xf9: {  	s1 =	sadd.s32 $0x4, s1;
	v3 =	vnsel vm15, $0x0, v3  }
0xfa: {  	p0 =	slt.u32 s1, $0x3FC  }
.Ltmp7:
0xfb: {  	_ = 	snop;
	(pc) =	sbr.rel @p0 .LBB2_16-.Ltmp7, $3  }
0xfc: {  	_ =	sdelay $0x1  }
0xfd: {  	[tilespmem:v3+s24+$0x0] =	vst.idx.add.f32.msk $0xffff, v1  }
0xfe: {  	s0 =	sadd.s32 $0x40, s0;
	[tilespmem:v3+s25+$0x0] =	vst.idx.add.f32.msk $0xffff, v2  }
0xff: {  	[tilespmem:s2], [sflag:$0x1] =	stream.linear.gather [hbm4b:s11+s2], $0x4000, $0x38;
	[tilespmem:$0x18000] =	vst v63  }
0x100: {  	_ =	swait.ge [sflag:s26], $0x4000  }
0x101: {  	[sflag:s26] =	ssyncset.done $0x0  }
0x102: {  	s1 =	simm.s32 $0xFFFFFFFC;
	s0 =	simm.s32 $0x4020;
	[sflag:s26] =	ssyncadd.s32 $0xFFFFC000  }
.LBB2_18:
0x103: {  	v2 =	vld [tilespmem:s0+$0xFFFFFFE0];
	_ =	sdelay $0x4  }
0x104: {  	v3 =	vshra.s32 v2, $0x10  }
0x105: {  	vm0 =	vgt.s32 v3, $0x0  }
0x106: {  	v3 =	vnsel vm0, $0x0, v3;
	_ =	sdelay $0x4  }
0x107: {  	[tilespmem:v3+s24+$0x0] =	vst.idx.add.f32.msk $0xffff, v1  }
0x108: {  	[tilespmem:v3+s25+$0x0] =	vst.idx.add.f32.msk $0xffff, v2  }
0x109: {  	v2 =	vld [tilespmem:s0+$0xFFFFFFF0];
	_ =	sdelay $0x4  }
0x10a: {  	v3 =	vshra.s32 v2, $0x10  }
0x10b: {  	vm13 =	vgt.s32 v3, $0x0  }
0x10c: {  	v3 =	vnsel vm13, $0x0, v3;
	_ =	sdelay $0x4  }
0x10d: {  	[tilespmem:v3+s24+$0x0] =	vst.idx.add.f32.msk $0xffff, v1  }
0x10e: {  	[tilespmem:v3+s25+$0x0] =	vst.idx.add.f32.msk $0xffff, v2  }
0x10f: {  	v2 =	vld [tilespmem:s0+$0x0];
	_ =	sdelay $0x4  }
0x110: {  	v3 =	vshra.s32 v2, $0x10  }
0x111: {  	vm14 =	vgt.s32 v3, $0x0  }
0x112: {  	v3 =	vnsel vm14, $0x0, v3;
	_ =	sdelay $0x4  }
0x113: {  	[tilespmem:v3+s24+$0x0] =	vst.idx.add.f32.msk $0xffff, v1  }
0x114: {  	[tilespmem:v3+s25+$0x0] =	vst.idx.add.f32.msk $0xffff, v2  }
0x115: {  	v2 =	vld [tilespmem:s0+$0x10];
	_ =	sdelay $0x4  }
0x116: {  	v3 =	vshra.s32 v2, $0x10  }
0x117: {  	vm15 =	vgt.s32 v3, $0x0  }
0x118: {  	s1 =	sadd.s32 $0x4, s1;
	v3 =	vnsel vm15, $0x0, v3  }
0x119: {  	p0 =	slt.u32 s1, $0x3FC  }
.Ltmp8:
0x11a: {  	_ = 	snop;
	(pc) =	sbr.rel @p0 .LBB2_18-.Ltmp8, $3  }
0x11b: {  	_ =	sdelay $0x1  }
0x11c: {  	[tilespmem:v3+s24+$0x0] =	vst.idx.add.f32.msk $0xffff, v1  }
0x11d: {  	s0 =	sadd.s32 $0x40, s0;
	[tilespmem:v3+s25+$0x0] =	vst.idx.add.f32.msk $0xffff, v2  }
0x11e: {  	[tilespmem:s22], [sflag:$0x2] =	stream.linear.gather [hbm4b:s12+s2], $0x4000, $0x38;
	[tilespmem:$0x18000] =	vst v63  }
0x11f: {  	_ =	swait.ge [sflag:s23], $0x4000  }
0x120: {  	[sflag:s23] =	ssyncset.done $0x0  }
0x121: {  	s1 =	simm.s32 $0xFFFFFFFC;
	s0 =	simm.s32 $0x20;
	[sflag:s23] =	ssyncadd.s32 $0xFFFFC000  }
.LBB2_20:
0x122: {  	v2 =	vld [tilespmem:s0+$0xFFFFFFE0];
	_ =	sdelay $0x4  }
0x123: {  	v3 =	vshra.s32 v2, $0x10  }
0x124: {  	vm0 =	vgt.s32 v3, $0x0  }
0x125: {  	v3 =	vnsel vm0, $0x0, v3;
	_ =	sdelay $0x4  }
0x126: {  	[tilespmem:v3+s24+$0x0] =	vst.idx.add.f32.msk $0xffff, v1  }
0x127: {  	[tilespmem:v3+s25+$0x0] =	vst.idx.add.f32.msk $0xffff, v2  }
0x128: {  	v2 =	vld [tilespmem:s0+$0xFFFFFFF0];
	_ =	sdelay $0x4  }
0x129: {  	v3 =	vshra.s32 v2, $0x10  }
0x12a: {  	vm13 =	vgt.s32 v3, $0x0  }
0x12b: {  	v3 =	vnsel vm13, $0x0, v3;
	_ =	sdelay $0x4  }
0x12c: {  	[tilespmem:v3+s24+$0x0] =	vst.idx.add.f32.msk $0xffff, v1  }
0x12d: {  	[tilespmem:v3+s25+$0x0] =	vst.idx.add.f32.msk $0xffff, v2  }
0x12e: {  	v2 =	vld [tilespmem:s0+$0x0];
	_ =	sdelay $0x4  }
0x12f: {  	v3 =	vshra.s32 v2, $0x10  }
0x130: {  	vm14 =	vgt.s32 v3, $0x0  }
0x131: {  	v3 =	vnsel vm14, $0x0, v3;
	_ =	sdelay $0x4  }
0x132: {  	[tilespmem:v3+s24+$0x0] =	vst.idx.add.f32.msk $0xffff, v1  }
0x133: {  	[tilespmem:v3+s25+$0x0] =	vst.idx.add.f32.msk $0xffff, v2  }
0x134: {  	v2 =	vld [tilespmem:s0+$0x10];
	_ =	sdelay $0x4  }
0x135: {  	v3 =	vshra.s32 v2, $0x10  }
0x136: {  	vm15 =	vgt.s32 v3, $0x0  }
0x137: {  	s1 =	sadd.s32 $0x4, s1;
	v3 =	vnsel vm15, $0x0, v3  }
0x138: {  	p0 =	slt.u32 s1, $0x3FC  }
.Ltmp9:
0x139: {  	_ = 	snop;
	(pc) =	sbr.rel @p0 .LBB2_20-.Ltmp9, $3  }
0x13a: {  	_ =	sdelay $0x1  }
0x13b: {  	[tilespmem:v3+s24+$0x0] =	vst.idx.add.f32.msk $0xffff, v1  }
0x13c: {  	s0 =	sadd.s32 $0x40, s0;
	[tilespmem:v3+s25+$0x0] =	vst.idx.add.f32.msk $0xffff, v2  }
0x13d: {  	[tilespmem:s2], [sflag:$0x1] =	stream.linear.gather [hbm4b:s13+s2], $0x4000, $0x38;
	[tilespmem:$0x18000] =	vst v63  }
0x13e: {  	_ =	swait.ge [sflag:s26], $0x4000  }
0x13f: {  	[sflag:s26] =	ssyncset.done $0x0  }
0x140: {  	s1 =	simm.s32 $0xFFFFFFFC;
	s0 =	simm.s32 $0x4020;
	[sflag:s26] =	ssyncadd.s32 $0xFFFFC000  }
.LBB2_22:
0x141: {  	v2 =	vld [tilespmem:s0+$0xFFFFFFE0];
	_ =	sdelay $0x4  }
0x142: {  	v3 =	vshra.s32 v2, $0x10  }
0x143: {  	vm0 =	vgt.s32 v3, $0x0  }
0x144: {  	v3 =	vnsel vm0, $0x0, v3;
	_ =	sdelay $0x4  }
0x145: {  	[tilespmem:v3+s24+$0x0] =	vst.idx.add.f32.msk $0xffff, v1  }
0x146: {  	[tilespmem:v3+s25+$0x0] =	vst.idx.add.f32.msk $0xffff, v2  }
0x147: {  	v2 =	vld [tilespmem:s0+$0xFFFFFFF0];
	_ =	sdelay $0x4  }
0x148: {  	v3 =	vshra.s32 v2, $0x10  }
0x149: {  	vm13 =	vgt.s32 v3, $0x0  }
0x14a: {  	v3 =	vnsel vm13, $0x0, v3;
	_ =	sdelay $0x4  }
0x14b: {  	[tilespmem:v3+s24+$0x0] =	vst.idx.add.f32.msk $0xffff, v1  }
0x14c: {  	[tilespmem:v3+s25+$0x0] =	vst.idx.add.f32.msk $0xffff, v2  }
0x14d: {  	v2 =	vld [tilespmem:s0+$0x0];
	_ =	sdelay $0x4  }
0x14e: {  	v3 =	vshra.s32 v2, $0x10  }
0x14f: {  	vm14 =	vgt.s32 v3, $0x0  }
0x150: {  	v3 =	vnsel vm14, $0x0, v3;
	_ =	sdelay $0x4  }
0x151: {  	[tilespmem:v3+s24+$0x0] =	vst.idx.add.f32.msk $0xffff, v1  }
0x152: {  	[tilespmem:v3+s25+$0x0] =	vst.idx.add.f32.msk $0xffff, v2  }
0x153: {  	v2 =	vld [tilespmem:s0+$0x10];
	_ =	sdelay $0x4  }
0x154: {  	v3 =	vshra.s32 v2, $0x10  }
0x155: {  	vm15 =	vgt.s32 v3, $0x0  }
0x156: {  	s1 =	sadd.s32 $0x4, s1;
	v3 =	vnsel vm15, $0x0, v3  }
0x157: {  	p0 =	slt.u32 s1, $0x3FC  }
.Ltmp10:
0x158: {  	_ = 	snop;
	(pc) =	sbr.rel @p0 .LBB2_22-.Ltmp10, $3  }
0x159: {  	_ =	sdelay $0x1  }
0x15a: {  	[tilespmem:v3+s24+$0x0] =	vst.idx.add.f32.msk $0xffff, v1  }
0x15b: {  	s0 =	sadd.s32 $0x40, s0;
	[tilespmem:v3+s25+$0x0] =	vst.idx.add.f32.msk $0xffff, v2  }
0x15c: {  	[tilespmem:s22], [sflag:$0x2] =	stream.linear.gather [hbm4b:s14+s2], $0x4000, $0x38;
	[tilespmem:$0x18000] =	vst v63  }
0x15d: {  	_ =	swait.ge [sflag:s23], $0x4000  }
0x15e: {  	[sflag:s23] =	ssyncset.done $0x0  }
0x15f: {  	s1 =	simm.s32 $0xFFFFFFFC;
	s0 =	simm.s32 $0x20;
	[sflag:s23] =	ssyncadd.s32 $0xFFFFC000  }
.LBB2_24:
0x160: {  	v2 =	vld [tilespmem:s0+$0xFFFFFFE0];
	_ =	sdelay $0x4  }
0x161: {  	v3 =	vshra.s32 v2, $0x10  }
0x162: {  	vm0 =	vgt.s32 v3, $0x0  }
0x163: {  	v3 =	vnsel vm0, $0x0, v3;
	_ =	sdelay $0x4  }
0x164: {  	[tilespmem:v3+s24+$0x0] =	vst.idx.add.f32.msk $0xffff, v1  }
0x165: {  	[tilespmem:v3+s25+$0x0] =	vst.idx.add.f32.msk $0xffff, v2  }
0x166: {  	v2 =	vld [tilespmem:s0+$0xFFFFFFF0];
	_ =	sdelay $0x4  }
0x167: {  	v3 =	vshra.s32 v2, $0x10  }
0x168: {  	vm13 =	vgt.s32 v3, $0x0  }
0x169: {  	v3 =	vnsel vm13, $0x0, v3;
	_ =	sdelay $0x4  }
0x16a: {  	[tilespmem:v3+s24+$0x0] =	vst.idx.add.f32.msk $0xffff, v1  }
0x16b: {  	[tilespmem:v3+s25+$0x0] =	vst.idx.add.f32.msk $0xffff, v2  }
0x16c: {  	v2 =	vld [tilespmem:s0+$0x0];
	_ =	sdelay $0x4  }
0x16d: {  	v3 =	vshra.s32 v2, $0x10  }
0x16e: {  	vm14 =	vgt.s32 v3, $0x0  }
0x16f: {  	v3 =	vnsel vm14, $0x0, v3;
	_ =	sdelay $0x4  }
0x170: {  	[tilespmem:v3+s24+$0x0] =	vst.idx.add.f32.msk $0xffff, v1  }
0x171: {  	[tilespmem:v3+s25+$0x0] =	vst.idx.add.f32.msk $0xffff, v2  }
0x172: {  	v2 =	vld [tilespmem:s0+$0x10];
	_ =	sdelay $0x4  }
0x173: {  	v3 =	vshra.s32 v2, $0x10  }
0x174: {  	vm15 =	vgt.s32 v3, $0x0  }
0x175: {  	s1 =	sadd.s32 $0x4, s1;
	v3 =	vnsel vm15, $0x0, v3  }
0x176: {  	p0 =	slt.u32 s1, $0x3FC  }
.Ltmp11:
0x177: {  	_ = 	snop;
	(pc) =	sbr.rel @p0 .LBB2_24-.Ltmp11, $3  }
0x178: {  	_ =	sdelay $0x1  }
0x179: {  	[tilespmem:v3+s24+$0x0] =	vst.idx.add.f32.msk $0xffff, v1  }
0x17a: {  	s0 =	sadd.s32 $0x40, s0;
	[tilespmem:v3+s25+$0x0] =	vst.idx.add.f32.msk $0xffff, v2  }
0x17b: {  	[tilespmem:s2], [sflag:$0x1] =	stream.linear.gather [hbm4b:s15+s2], $0x4000, $0x38;
	[tilespmem:$0x18000] =	vst v63  }
0x17c: {  	_ =	swait.ge [sflag:s26], $0x4000  }
0x17d: {  	[sflag:s26] =	ssyncset.done $0x0  }
0x17e: {  	s1 =	simm.s32 $0xFFFFFFFC;
	s0 =	simm.s32 $0x4020;
	[sflag:s26] =	ssyncadd.s32 $0xFFFFC000  }
.LBB2_26:
0x17f: {  	v2 =	vld [tilespmem:s0+$0xFFFFFFE0];
	_ =	sdelay $0x4  }
0x180: {  	v3 =	vshra.s32 v2, $0x10  }
0x181: {  	vm0 =	vgt.s32 v3, $0x0  }
0x182: {  	v3 =	vnsel vm0, $0x0, v3;
	_ =	sdelay $0x4  }
0x183: {  	[tilespmem:v3+s24+$0x0] =	vst.idx.add.f32.msk $0xffff, v1  }
0x184: {  	[tilespmem:v3+s25+$0x0] =	vst.idx.add.f32.msk $0xffff, v2  }
0x185: {  	v2 =	vld [tilespmem:s0+$0xFFFFFFF0];
	_ =	sdelay $0x4  }
0x186: {  	v3 =	vshra.s32 v2, $0x10  }
0x187: {  	vm13 =	vgt.s32 v3, $0x0  }
0x188: {  	v3 =	vnsel vm13, $0x0, v3;
	_ =	sdelay $0x4  }
0x189: {  	[tilespmem:v3+s24+$0x0] =	vst.idx.add.f32.msk $0xffff, v1  }
0x18a: {  	[tilespmem:v3+s25+$0x0] =	vst.idx.add.f32.msk $0xffff, v2  }
0x18b: {  	v2 =	vld [tilespmem:s0+$0x0];
	_ =	sdelay $0x4  }
0x18c: {  	v3 =	vshra.s32 v2, $0x10  }
0x18d: {  	vm14 =	vgt.s32 v3, $0x0  }
0x18e: {  	v3 =	vnsel vm14, $0x0, v3;
	_ =	sdelay $0x4  }
0x18f: {  	[tilespmem:v3+s24+$0x0] =	vst.idx.add.f32.msk $0xffff, v1  }
0x190: {  	[tilespmem:v3+s25+$0x0] =	vst.idx.add.f32.msk $0xffff, v2  }
0x191: {  	v2 =	vld [tilespmem:s0+$0x10];
	_ =	sdelay $0x4  }
0x192: {  	v3 =	vshra.s32 v2, $0x10  }
0x193: {  	vm15 =	vgt.s32 v3, $0x0  }
0x194: {  	s1 =	sadd.s32 $0x4, s1;
	v3 =	vnsel vm15, $0x0, v3  }
0x195: {  	p0 =	slt.u32 s1, $0x3FC  }
.Ltmp12:
0x196: {  	_ = 	snop;
	(pc) =	sbr.rel @p0 .LBB2_26-.Ltmp12, $3  }
0x197: {  	_ =	sdelay $0x1  }
0x198: {  	[tilespmem:v3+s24+$0x0] =	vst.idx.add.f32.msk $0xffff, v1  }
0x199: {  	s0 =	sadd.s32 $0x40, s0;
	[tilespmem:v3+s25+$0x0] =	vst.idx.add.f32.msk $0xffff, v2  }
0x19a: {  	[tilespmem:s22], [sflag:$0x2] =	stream.linear.gather [hbm4b:s16+s2], $0x4000, $0x38;
	[tilespmem:$0x18000] =	vst v63  }
0x19b: {  	_ =	swait.ge [sflag:s23], $0x4000  }
0x19c: {  	[sflag:s23] =	ssyncset.done $0x0  }
0x19d: {  	s1 =	simm.s32 $0xFFFFFFFC;
	s0 =	simm.s32 $0x20;
	[sflag:s23] =	ssyncadd.s32 $0xFFFFC000  }
.LBB2_28:
0x19e: {  	v2 =	vld [tilespmem:s0+$0xFFFFFFE0];
	_ =	sdelay $0x4  }
0x19f: {  	v3 =	vshra.s32 v2, $0x10  }
0x1a0: {  	vm0 =	vgt.s32 v3, $0x0  }
0x1a1: {  	v3 =	vnsel vm0, $0x0, v3;
	_ =	sdelay $0x4  }
0x1a2: {  	[tilespmem:v3+s24+$0x0] =	vst.idx.add.f32.msk $0xffff, v1  }
0x1a3: {  	[tilespmem:v3+s25+$0x0] =	vst.idx.add.f32.msk $0xffff, v2  }
0x1a4: {  	v2 =	vld [tilespmem:s0+$0xFFFFFFF0];
	_ =	sdelay $0x4  }
0x1a5: {  	v3 =	vshra.s32 v2, $0x10  }
0x1a6: {  	vm13 =	vgt.s32 v3, $0x0  }
0x1a7: {  	v3 =	vnsel vm13, $0x0, v3;
	_ =	sdelay $0x4  }
0x1a8: {  	[tilespmem:v3+s24+$0x0] =	vst.idx.add.f32.msk $0xffff, v1  }
0x1a9: {  	[tilespmem:v3+s25+$0x0] =	vst.idx.add.f32.msk $0xffff, v2  }
0x1aa: {  	v2 =	vld [tilespmem:s0+$0x0];
	_ =	sdelay $0x4  }
0x1ab: {  	v3 =	vshra.s32 v2, $0x10  }
0x1ac: {  	vm14 =	vgt.s32 v3, $0x0  }
0x1ad: {  	v3 =	vnsel vm14, $0x0, v3;
	_ =	sdelay $0x4  }
0x1ae: {  	[tilespmem:v3+s24+$0x0] =	vst.idx.add.f32.msk $0xffff, v1  }
0x1af: {  	[tilespmem:v3+s25+$0x0] =	vst.idx.add.f32.msk $0xffff, v2  }
0x1b0: {  	v2 =	vld [tilespmem:s0+$0x10];
	_ =	sdelay $0x4  }
0x1b1: {  	v3 =	vshra.s32 v2, $0x10  }
0x1b2: {  	vm15 =	vgt.s32 v3, $0x0  }
0x1b3: {  	s1 =	sadd.s32 $0x4, s1;
	v3 =	vnsel vm15, $0x0, v3  }
0x1b4: {  	p0 =	slt.u32 s1, $0x3FC  }
.Ltmp13:
0x1b5: {  	_ = 	snop;
	(pc) =	sbr.rel @p0 .LBB2_28-.Ltmp13, $3  }
0x1b6: {  	_ =	sdelay $0x1  }
0x1b7: {  	[tilespmem:v3+s24+$0x0] =	vst.idx.add.f32.msk $0xffff, v1  }
0x1b8: {  	s0 =	sadd.s32 $0x40, s0;
	[tilespmem:v3+s25+$0x0] =	vst.idx.add.f32.msk $0xffff, v2  }
0x1b9: {  	[tilespmem:s2], [sflag:$0x1] =	stream.linear.gather [hbm4b:s17+s2], $0x4000, $0x38;
	[tilespmem:$0x18000] =	vst v63  }
0x1ba: {  	_ =	swait.ge [sflag:s26], $0x4000  }
0x1bb: {  	[sflag:s26] =	ssyncset.done $0x0  }
0x1bc: {  	s1 =	simm.s32 $0xFFFFFFFC;
	s0 =	simm.s32 $0x4020;
	[sflag:s26] =	ssyncadd.s32 $0xFFFFC000  }
.LBB2_30:
0x1bd: {  	v2 =	vld [tilespmem:s0+$0xFFFFFFE0];
	_ =	sdelay $0x4  }
0x1be: {  	v3 =	vshra.s32 v2, $0x10  }
0x1bf: {  	vm0 =	vgt.s32 v3, $0x0  }
0x1c0: {  	v3 =	vnsel vm0, $0x0, v3;
	_ =	sdelay $0x4  }
0x1c1: {  	[tilespmem:v3+s24+$0x0] =	vst.idx.add.f32.msk $0xffff, v1  }
0x1c2: {  	[tilespmem:v3+s25+$0x0] =	vst.idx.add.f32.msk $0xffff, v2  }
0x1c3: {  	v2 =	vld [tilespmem:s0+$0xFFFFFFF0];
	_ =	sdelay $0x4  }
0x1c4: {  	v3 =	vshra.s32 v2, $0x10  }
0x1c5: {  	vm13 =	vgt.s32 v3, $0x0  }
0x1c6: {  	v3 =	vnsel vm13, $0x0, v3;
	_ =	sdelay $0x4  }
0x1c7: {  	[tilespmem:v3+s24+$0x0] =	vst.idx.add.f32.msk $0xffff, v1  }
0x1c8: {  	[tilespmem:v3+s25+$0x0] =	vst.idx.add.f32.msk $0xffff, v2  }
0x1c9: {  	v2 =	vld [tilespmem:s0+$0x0];
	_ =	sdelay $0x4  }
0x1ca: {  	v3 =	vshra.s32 v2, $0x10  }
0x1cb: {  	vm14 =	vgt.s32 v3, $0x0  }
0x1cc: {  	v3 =	vnsel vm14, $0x0, v3;
	_ =	sdelay $0x4  }
0x1cd: {  	[tilespmem:v3+s24+$0x0] =	vst.idx.add.f32.msk $0xffff, v1  }
0x1ce: {  	[tilespmem:v3+s25+$0x0] =	vst.idx.add.f32.msk $0xffff, v2  }
0x1cf: {  	v2 =	vld [tilespmem:s0+$0x10];
	_ =	sdelay $0x4  }
0x1d0: {  	v3 =	vshra.s32 v2, $0x10  }
0x1d1: {  	vm15 =	vgt.s32 v3, $0x0  }
0x1d2: {  	s1 =	sadd.s32 $0x4, s1;
	v3 =	vnsel vm15, $0x0, v3  }
0x1d3: {  	p0 =	slt.u32 s1, $0x3FC  }
.Ltmp14:
0x1d4: {  	_ = 	snop;
	(pc) =	sbr.rel @p0 .LBB2_30-.Ltmp14, $3  }
0x1d5: {  	_ =	sdelay $0x1  }
0x1d6: {  	[tilespmem:v3+s24+$0x0] =	vst.idx.add.f32.msk $0xffff, v1  }
0x1d7: {  	s0 =	sadd.s32 $0x40, s0;
	[tilespmem:v3+s25+$0x0] =	vst.idx.add.f32.msk $0xffff, v2  }
0x1d8: {  	[tilespmem:s22], [sflag:$0x2] =	stream.linear.gather [hbm4b:s18+s2], $0x4000, $0x38;
	[tilespmem:$0x18000] =	vst v63  }
0x1d9: {  	_ =	swait.ge [sflag:s23], $0x4000  }
0x1da: {  	[sflag:s23] =	ssyncset.done $0x0  }
0x1db: {  	s1 =	simm.s32 $0xFFFFFFFC;
	s0 =	simm.s32 $0x20;
	[sflag:s23] =	ssyncadd.s32 $0xFFFFC000  }
.LBB2_32:
0x1dc: {  	v2 =	vld [tilespmem:s0+$0xFFFFFFE0];
	_ =	sdelay $0x4  }
0x1dd: {  	v3 =	vshra.s32 v2, $0x10  }
0x1de: {  	vm0 =	vgt.s32 v3, $0x0  }
0x1df: {  	v3 =	vnsel vm0, $0x0, v3;
	_ =	sdelay $0x4  }
0x1e0: {  	[tilespmem:v3+s24+$0x0] =	vst.idx.add.f32.msk $0xffff, v1  }
0x1e1: {  	[tilespmem:v3+s25+$0x0] =	vst.idx.add.f32.msk $0xffff, v2  }
0x1e2: {  	v2 =	vld [tilespmem:s0+$0xFFFFFFF0];
	_ =	sdelay $0x4  }
0x1e3: {  	v3 =	vshra.s32 v2, $0x10  }
0x1e4: {  	vm13 =	vgt.s32 v3, $0x0  }
0x1e5: {  	v3 =	vnsel vm13, $0x0, v3;
	_ =	sdelay $0x4  }
0x1e6: {  	[tilespmem:v3+s24+$0x0] =	vst.idx.add.f32.msk $0xffff, v1  }
0x1e7: {  	[tilespmem:v3+s25+$0x0] =	vst.idx.add.f32.msk $0xffff, v2  }
0x1e8: {  	v2 =	vld [tilespmem:s0+$0x0];
	_ =	sdelay $0x4  }
0x1e9: {  	v3 =	vshra.s32 v2, $0x10  }
0x1ea: {  	vm14 =	vgt.s32 v3, $0x0  }
0x1eb: {  	v3 =	vnsel vm14, $0x0, v3;
	_ =	sdelay $0x4  }
0x1ec: {  	[tilespmem:v3+s24+$0x0] =	vst.idx.add.f32.msk $0xffff, v1  }
0x1ed: {  	[tilespmem:v3+s25+$0x0] =	vst.idx.add.f32.msk $0xffff, v2  }
0x1ee: {  	v2 =	vld [tilespmem:s0+$0x10];
	_ =	sdelay $0x4  }
0x1ef: {  	v3 =	vshra.s32 v2, $0x10  }
0x1f0: {  	vm15 =	vgt.s32 v3, $0x0  }
0x1f1: {  	s1 =	sadd.s32 $0x4, s1;
	v3 =	vnsel vm15, $0x0, v3  }
0x1f2: {  	p0 =	slt.u32 s1, $0x3FC  }
.Ltmp15:
0x1f3: {  	_ = 	snop;
	(pc) =	sbr.rel @p0 .LBB2_32-.Ltmp15, $3  }
0x1f4: {  	_ =	sdelay $0x1  }
0x1f5: {  	[tilespmem:v3+s24+$0x0] =	vst.idx.add.f32.msk $0xffff, v1  }
0x1f6: {  	s0 =	sadd.s32 $0x40, s0;
	[tilespmem:v3+s25+$0x0] =	vst.idx.add.f32.msk $0xffff, v2  }
0x1f7: {  	_ =	swait.ge [sflag:s26], $0x4000  }
0x1f8: {  	[sflag:s26] =	ssyncset.done $0x0  }
0x1f9: {  	s1 =	simm.s32 $0xFFFFFFFC;
	s0 =	simm.s32 $0x4020;
	[sflag:s26] =	ssyncadd.s32 $0xFFFFC000  }
.LBB2_34:
0x1fa: {  	v2 =	vld [tilespmem:s0+$0xFFFFFFE0];
	_ =	sdelay $0x4  }
0x1fb: {  	v3 =	vshra.s32 v2, $0x10  }
0x1fc: {  	vm0 =	vgt.s32 v3, $0x0  }
0x1fd: {  	v3 =	vnsel vm0, $0x0, v3;
	_ =	sdelay $0x4  }
0x1fe: {  	[tilespmem:v3+s24+$0x0] =	vst.idx.add.f32.msk $0xffff, v1  }
0x1ff: {  	[tilespmem:v3+s25+$0x0] =	vst.idx.add.f32.msk $0xffff, v2  }
0x200: {  	v2 =	vld [tilespmem:s0+$0xFFFFFFF0];
	_ =	sdelay $0x4  }
0x201: {  	v3 =	vshra.s32 v2, $0x10  }
0x202: {  	vm13 =	vgt.s32 v3, $0x0  }
0x203: {  	v3 =	vnsel vm13, $0x0, v3;
	_ =	sdelay $0x4  }
0x204: {  	[tilespmem:v3+s24+$0x0] =	vst.idx.add.f32.msk $0xffff, v1  }
0x205: {  	[tilespmem:v3+s25+$0x0] =	vst.idx.add.f32.msk $0xffff, v2  }
0x206: {  	v2 =	vld [tilespmem:s0+$0x0];
	_ =	sdelay $0x4  }
0x207: {  	v3 =	vshra.s32 v2, $0x10  }
0x208: {  	vm14 =	vgt.s32 v3, $0x0  }
0x209: {  	v3 =	vnsel vm14, $0x0, v3;
	_ =	sdelay $0x4  }
0x20a: {  	[tilespmem:v3+s24+$0x0] =	vst.idx.add.f32.msk $0xffff, v1  }
0x20b: {  	[tilespmem:v3+s25+$0x0] =	vst.idx.add.f32.msk $0xffff, v2  }
0x20c: {  	v2 =	vld [tilespmem:s0+$0x10];
	_ =	sdelay $0x4  }
0x20d: {  	v3 =	vshra.s32 v2, $0x10  }
0x20e: {  	vm15 =	vgt.s32 v3, $0x0  }
0x20f: {  	s1 =	sadd.s32 $0x4, s1;
	v3 =	vnsel vm15, $0x0, v3  }
0x210: {  	p0 =	slt.u32 s1, $0x3FC  }
.Ltmp16:
0x211: {  	_ = 	snop;
	(pc) =	sbr.rel @p0 .LBB2_34-.Ltmp16, $3  }
0x212: {  	_ =	sdelay $0x1  }
0x213: {  	[tilespmem:v3+s24+$0x0] =	vst.idx.add.f32.msk $0xffff, v1  }
0x214: {  	s0 =	sadd.s32 $0x40, s0;
	[tilespmem:v3+s25+$0x0] =	vst.idx.add.f32.msk $0xffff, v2  }
0x215: {  	[hbm4b:s19+s28] =	stream.strided.scatter [tilespmem:s24], [sflag:$0x3], $0x8000, s29, s28, $0x38;
	[tilespmem:$0x18000] =	vst v63  }
0x216: {  	s31 =	sadd.s32 $0x1, s31;
	_ =	swait.ge [sflag:s30], $0x8000  }
0x217: {  	p0 =	sne.s32 s31, s21;
	[sflag:s30] =	ssyncset.done $0x0  }
.Ltmp17:
0x218: {  	[sflag:s30] =	ssyncadd.s32 $0xFFFF8000;
	(pc) =	sbr.rel @p0 .LBB2_1-.Ltmp17, $4  }
0x219: {  	[hbm4b:s20+s28] =	stream.strided.scatter [tilespmem:s25], [sflag:$0x3], $0x8000, s29, s28, $0x38;
	[tilespmem:$0x18000] =	vst v63  }
0x21a: {  	_ =	swait.ge [sflag:s30], $0x8000  }
0x21b: {  	[sflag:s30] =	ssyncset.done $0x0  }
0x21c: {  	[sflag:s30] =	ssyncadd.s32 $0xFFFF8000  }
0x21d: {  	_ =	sfence.sel $0x180000  }
0x21e: {  	[bflag:$0x0] =	sbarrier.arrive $0xFFFF  }
0x21f: {  	_ =	strace $0x9000004A  }
0x220: {  	s0 =	stileid.u32;
	[bflag:$0x2] =	sbarrier.arrive $0xFFFF  }
0x221: {  	p0 =	sne.s32 s0, $0x0;
	s0 =	rddreg [dreg:$0x1]  }
0x222: {  	s0 =	sadd.s32 @!p0 $0x100000, s0  }
0x223: {  	[sflag:s0] =	ssyncadd.tile.s32 @!p0 $0x1;
	_ =	shalt  }
.Lfunc_end2:
_tile_overlayer_lowered:
.L_overlay_start_2:
0x224: {  	(tag) =	ssettag $0x2  }
0x225: {  	s0 =	rddreg [dreg:$0x0];
	s2 =	stileid.u32  }
0x226: {  	s1 =	rddreg [dreg:$0x1];
	p0 =	sne.s32 s2, $0x0  }
0x227: {  	s3 =	rddreg [dreg:$0x2];
	[bflag:$0x3] =	sbarrier.arrive $0xFFFF;
	s2 =	simm.s32 @!p0 $0x1C03  }
0x228: {  	[timem:s3], [sflag:s2] =	dma.local @!p0 [hbm:s0], s1  }
0x229: {  	s0 =	simm.s32 @!p0 $0x3  }
0x22a: {  	_ =	swait.ge @!p0 [sflag:s0], s1  }
0x22b: {  	s1 =	ssub.s32 @!p0 $0x0, s1;
	[sflag:s0] =	ssyncset.done @!p0 $0x0  }
0x22c: {  	[sflag:s0] =	ssyncadd.s32 @!p0 s1  }
0x22d: {  	[bflag:$0x3] =	sbarrier.arrive $0xFFFF  }
0x22e: {  	_ =	shalt  }

// kernel: sparse-core-data-format-call.cloned.1.call-start
scs
called_computation_lowered:
.L_overlay_start_0:
0x0: {  	s1 =	sld [smem:$0x3FD9]  }
0x1: {  	s2 =	sld [smem:$0x3FFE];
	_ =	sdelay $0x1  }
0x2: {  	s3 =	srdreg.scid  }
0x3: {  	s0 =	sand.u32 $0x1, s3  }
0x4: {  	s17 =	sshll.u32 s0, $0xA;
	s1 =	sadd.s32 s2, s1  }
0x5: {  	s1 =	sadd.s32 s1, s17  }
0x6: {  	[smem:$0x3FC6] =	sst s1  }
0x7: {  	_ = 	snop  }
0x8: {  	(tm) =	ssettm $0x1  }
0x9: {  	s18 =	sld [smem:$0x3FFB];
	_ =	sdelay $0x3  }
0xa: {  	_ =	strace s18  }
0xb: {  	s1 =	sld [smem:$0x3FFC];
	_ =	sdelay $0x3  }
0xc: {  	_ =	strace s1  }
0xd: {  	s1 =	sld [smem:$0x3FFD];
	_ =	sdelay $0x3  }
0xe: {  	_ =	strace s1  }
0xf: {  	_ =	strace $0x8FFFFFFF  }
0x10: {  	s19 =	sld [smem:$0x3FDB];
	_ =	sdelay $0x1  }
0x11: {  	s20 =	simm.s32 $_scs_section_size  }
0x12: {  	s4 =	simm.s32 $_size__tile_overlayer_lowered;
	s5 =	simm.s32 $_tile_overlayer_lowered  }
0x13: {  	s23 =	simm.s32 $0x1BFF;
	s22 =	sshll.u32 s5, $0x1;
	s1 =	sadd.s32 s20, s19  }
0x14: {  	s6 =	simm.s32 $0x0;
	s21 =	sshll.u32 s4, $0x1;
	s4 =	sadd.s32 s22, s1  }
0x15: {  	[timem:s6], [sflag:s23] =	dma.local [hbm:s4], s21  }
0x16: {  	_ =	swait.ge [sflag:s23], s21  }
0x17: {  	s2 =	ssub.s32 $0x0, s21;
	[sflag:s23] =	ssyncset.done $0x0  }
0x18: {  	[sflag:s23] =	ssyncadd.s32 s2;
	_ =	sdelay $0x1  }
0x19: {  	s24 =	simm.s32 $0x1B8B  }
0x1a: {  	_ =	swait.ge [sflag:s24], $0x1  }
0x1b: {  	[sflag:s24] =	ssyncset.done $0x0  }
0x1c: {  	s26 =	simm.s32 $0x1B8E;
	s25 =	sld [smem:$0x3FFE];
	[sflag:s24] =	ssyncadd.s32 $0xFFFFFFFF  }
0x1d: {  	s27 =	simm.s32 $execute0_lowered;
	[smem:$0x3FD2] =	sst s26  }
0x1e: {  	s4 =	sshll.u32 s27, $0x1;
	_ =	strace $0x80000046;
	[dreg:$0x1] =	wrdreg $0xFFFFFFFF  }
0x1f: {  	s28 =	simm.s32 $_size_execute0_lowered;
	s1 =	sadd.s32 s1, s4;
	[dreg:$0x0] =	wrdreg $0x0  }
0x20: {  	s4 =	sshll.u32 s28, $0x1;
	[dreg:$0x2] =	wrdreg s1  }
0x21: {  	[dreg:$0x3] =	wrdreg s4  }
0x22: {  	[dreg:$0x4] =	wrdreg $0xC0  }
0x23: {  	_ =	task [dreg:s6], $0x5FFFF  }
0x24: {  	[dreg:$0x1] =	wrdreg $0xFFFFFFFF  }
0x25: {  	[dreg:$0x0] =	wrdreg $0x60  }
0x26: {  	[dreg:$0x2] =	wrdreg s25  }
0x27: {  	[dreg:$0x3] =	wrdreg $0x9  }
0x28: {  	_ =	task.clear_ibuf [dreg:s6], $0x4FFFF;
	_ =	strace $0x90000046  }
0x29: {  	s29 =	simm.s32 $0x9;
	_ =	strace $0x80000048  }
0x2a: {  	_ =	swait.ge [sflag:s29], $0x1  }
0x2b: {  	[sflag:s29] =	ssyncadd.s32 $0xFFFFFFFF  }
0x2c: {  	_ =	strace $0x90000048  }
0x2d: {  	_ =	sfence  }
0x2e: {  	s30 =	sld [smem:$0x0];
	_ =	sdelay $0x2  }
0x2f: {  	s31 =	sshll.u32 s3, $0xD;
	s3 =	sshrl.u32 s3, $0x2  }
0x30: {  	s2 =	sand.u32 $0x4000, s31;
	s1 =	sadd.s32 s3, s30  }
0x31: {  	s0 =	sor.u32 s2, s0;
	s1 =	sshll.u32 s1, $0x11  }
0x32: {  	s0 =	sor.u32 s1, s0  }
0x33: {  	s0 =	sadd.s32 $0x8F2B, s0  }
0x34: {  	[sflag:s0] =	ssyncadd.remote.s32 $0x1  }
0x35: {  	_ =	sfence.sel $0xFFFF  }
0x36: {  	[dreg:$0x0] =	wrdreg $0xFFFFFFFF;
	(pc) =	sbr.abs _section_cstart, $3  }
0x37: {  	[dreg:$0x1] =	wrdreg $0xFFFFFFFF  }
0x38: {  	_ =	task.clear_ibuf [dreg:s6], $0x2FFFF;
	_ =	strace $0x9FFFFFFF  }
0x39: {  	(tm) =	ssettm $0x7FFFFFFF  }
tec
execute0_lowered:
.L_overlay_start_1:
0x0: {  	(tag) =	ssettag $0x1  }
0x1: {  	s0 =	srdreg.scid  }
0x2: {  	s1 =	sshll.u32 s0, $0x4  }
0x3: {  	s4 =	rddreg [dreg:$0x0];
	s0 =	stileid.u32;
	s1 =	sand.u32 $0x10, s1  }
0x4: {  	s7 =	simm.s32 $0x1;
	s8 =	simm.s32 $0x2;
	s2 =	sor.u32 s0, s1  }
0x5: {  	s9 =	simm.s32 $0x0;
	s12 =	simm.s32 $0x0;
	s2 =	sshll.u32 s2, $0x1  }
0x6: {  	s11 =	simm.s32 $0x0;
	s3 =	sadd.s32 $0x200C00, s4;
	s6 =	ssub.s32 $0x400, s2  }
.Ltmp0:
0x7: {  	s4 =	sadd.s32 $0xC00, s4;
	s5 =	sand.u32 $0x3E, s6;
	(pc) =	sbr.rel .LBB1_1-.Ltmp0, $4  }
0x8: {  	s1 =	rddreg [dreg:$0x1];
	_ =	strace $0x80000047;
	p0 =	sne.s32 s5, $0x0  }
0x9: {  	s6 =	sshrl.u32 s6, $0x6;
	s5 =	simm.s32 $0x1;
	s7 =	simm.s32 @!p0 $0x0  }
0xa: {  	s10 =	smov.u32 s2;
	[sflag:s5] =	ssyncpa.u1 $0x0;
	s6 =	sadd.s32 s7, s6  }
0xb: {  	[sflag:s8] =	ssyncpa.u1 $0x0;
	s8 =	simm.s32 $0x0;
	s7 =	sadd.s32 $0x1, s6  }
.LBB1_9:
0xc: {  	s14 =	sadd.s32 $0x40, s10  }
0xd: {  	p1 =	sgt.s32 s14, $0x3FF  }
0xe: {  	s14 =	smov.u32 @p1 s2;
	p1 =	sne.s32 s11, s7  }
.Ltmp1:
0xf: {  	p0 =	slt.u32 s11, $0x2;
	(pc) =	sbr.rel @!p1 .LBB1_10-.Ltmp1, $4  }
0x10: {  	s13 =	simm.s32 @!p0 $0x2  }
0x11: {  	s15 =	sadd.s32 $0x1, s11;
	_ =	swait.ge @!p0 [sflag:s13], $0x4000  }
0x12: {  	s12 =	smov.u32 s10;
	s9 =	sadd.s32 $0x4000, s9;
	[sflag:s13] =	ssyncset.done @!p0 $0x0  }
0x13: {  	s11 =	smov.u32 s15;
	s10 =	smov.u32 s14;
	[sflag:s13] =	ssyncadd.s32 @!p0 $0xFFFFC000  }
.LBB1_1:
0x14: {  	p0 =	sge.u32 s11, s6  }
0x15: {  	s13 =	sxor.u32 @!p0 $0xFFFFFFFF, s11  }
0x16: {  	s31 =	sadd.s32 $0xFFFFFFFF, s11;
	s14 =	sshll.u32 @!p0 s10, $0xA;
	s13 =	sshll.u32 @!p0 s13, $0xE  }
0x17: {  	s15 =	simm.s32 @!p0 $0x0;
	s14 =	sadd.s32 @!p0 s3, s14;
	s13 =	sand.u32 @!p0 $0x4000, s13  }
0x18: {  	[tilespmem:s13], [sflag:$0x1] =	stream.linear.gather @!p0 [hbm4b:s14+s15], $0x4000, $0x38;
	[tilespmem:$0x10000] =	vst v63  }
0x19: {  	p0 =	sge.u32 s31, s6  }
.Ltmp2:
0x1a: {  	_ = 	snop;
	(pc) =	sbr.rel @p0 .LBB1_9-.Ltmp2, $1  }
0x1b: {  	_ =	sdelay $0x3  }
0x1c: {  	s13 =	sshll.u32 s9, $0x2  }
0x1d: {  	_ =	swait.ge [sflag:s5], $0x4000;
	s14 =	sshll.u32 s11, $0xE;
	s16 =	simm.s32 $0x0  }
0x1e: {  	p1 =	por $0x1, $0x1;
	s13 =	sand.u32 $0x10000, s13;
	[sflag:s5] =	ssyncset.done $0x0  }
0x1f: {  	s14 =	sand.u32 $0x4000, s14;
	s15 =	sshrl.u32 s13, $0x2;
	[sflag:s5] =	ssyncadd.s32 $0xFFFFC000  }
0x20: {  	s13 =	sor.u32 $0x8000, s14;
	s14 =	sadd.s32 $0x8040, s15;
	s15 =	sadd.s32 $0x40, s15  }
.LBB1_3:
0x21: {  	s16 =	sshll.u32 s16, $0x2  }
0x22: {  	p0 =	por p1, p1;
	s17 =	sshra.s32 s16, $0x2  }
0x23: {  	s18 =	simm.s32 $0x0;
	s16 =	sadd.s32 s17, s14;
	s17 =	sadd.s32 s17, s15  }
.LBB1_4:
0x24: {  	v0 =	vmov s17;
	_ =	sdelay $0x3  }
0x25: {  	s20 =	simm.s32 $0x0  }
0x26: {  	v6 =	vld.idx.msk [tilespmem:v0+s20+$0x30 ss:$0x1], $0xffff  }
0x27: {  	v7 =	vld.idx.msk [tilespmem:v0+s20+$0xFFFFFFC0 ss:$0x1], $0xffff  }
0x28: {  	v5 =	vld.idx.msk [tilespmem:v0+s20+$0xFFFFFFD0 ss:$0x1], $0xffff  }
0x29: {  	v4 =	vld.idx.msk [tilespmem:v0+s20+$0xFFFFFFE0 ss:$0x1], $0xffff  }
0x2a: {  	v3 =	vld.idx.msk [tilespmem:v0+s20+$0xFFFFFFF0 ss:$0x1], $0xffff  }
0x2b: {  	v1 =	vld.idx.msk [tilespmem:v0+s20+$0x0 ss:$0x1], $0xffff  }
0x2c: {  	v2 =	vld.idx.msk [tilespmem:v0+s20+$0x10 ss:$0x1], $0xffff;
	[tilespmem:s16+$0x30] =	vst v6  }
0x2d: {  	s19 =	simm.s32 $0x80;
	s21 =	simm.s32 $0x400;
	[tilespmem:s16+$0xFFFFFFC0] =	vst v7;
	v6 =	vld.idx.msk [tilespmem:v0+s20+$0x20 ss:$0x1], $0xffff;
	s20 =	smov.u32 s16  }
.LBB1_5:
0x2e: {  	p1 =	sne.s32 s21, $0xE00;
	v7 =	vld.idx.msk [tilespmem:v0+s19+$0x30 ss:$0x1], $0xffff;
	[tilespmem:s20+$0xFFFFFFD0] =	vst v5  }
0x2f: {  	v8 =	vld.idx.msk [tilespmem:v0+s19+$0xFFFFFFC0 ss:$0x1], $0xffff;
	[tilespmem:s20+$0xFFFFFFE0] =	vst v4  }
0x30: {  	v5 =	vld.idx.msk [tilespmem:v0+s19+$0xFFFFFFD0 ss:$0x1], $0xffff;
	[tilespmem:s20+$0xFFFFFFF0] =	vst v3  }
.Ltmp3:
0x31: {  	v4 =	vld.idx.msk [tilespmem:v0+s19+$0xFFFFFFE0 ss:$0x1], $0xffff;
	[tilespmem:s20+$0x0] =	vst v1;
	(pc) =	sbr.rel @p1 .LBB1_5-.Ltmp3, $4  }
0x32: {  	v3 =	vld.idx.msk [tilespmem:v0+s19+$0xFFFFFFF0 ss:$0x1], $0xffff;
	[tilespmem:s20+$0x10] =	vst v2  }
0x33: {  	v1 =	vld.idx.msk [tilespmem:v0+s19+$0x0 ss:$0x1], $0xffff;
	[tilespmem:s20+$0x20] =	vst v6;
	s20 =	sadd.s32 $0x400, s20  }
0x34: {  	v2 =	vld.idx.msk [tilespmem:v0+s19+$0x10 ss:$0x1], $0xffff;
	[tilespmem:s20+$0x30] =	vst v7  }
0x35: {  	[tilespmem:s20+$0xFFFFFFC0] =	vst v8;
	v6 =	vld.idx.msk [tilespmem:v0+s19+$0x20 ss:$0x1], $0xffff;
	s19 =	sshra.s32 s21, $0x2;
	s21 =	sadd.s32 $0x200, s21  }
0x36: {  	_ =	sdelay $0x2  }
0x37: {  	[tilespmem:s20+$0xFFFFFFD0] =	vst v5  }
0x38: {  	v56 =	vld.idx.msk [tilespmem:v0+s19+$0x30 ss:$0x1], $0xffff;
	[tilespmem:s20+$0xFFFFFFE0] =	vst v4  }
0x39: {  	v57 =	vld.idx.msk [tilespmem:v0+s19+$0xFFFFFFC0 ss:$0x1], $0xffff;
	[tilespmem:s20+$0xFFFFFFF0] =	vst v3  }
0x3a: {  	v58 =	vld.idx.msk [tilespmem:v0+s19+$0xFFFFFFD0 ss:$0x1], $0xffff;
	[tilespmem:s20+$0x0] =	vst v1  }
0x3b: {  	v59 =	vld.idx.msk [tilespmem:v0+s19+$0xFFFFFFE0 ss:$0x1], $0xffff;
	[tilespmem:s20+$0x10] =	vst v2  }
0x3c: {  	v60 =	vld.idx.msk [tilespmem:v0+s19+$0xFFFFFFF0 ss:$0x1], $0xffff;
	s31 =	sadd.s32 $0x400, s20;
	[tilespmem:s20+$0x20] =	vst v6  }
0x3d: {  	v61 =	vld.idx.msk [tilespmem:v0+s19+$0x0 ss:$0x1], $0xffff;
	[tilespmem:s31+$0x30] =	vst v56  }
0x3e: {  	v62 =	vld.idx.msk [tilespmem:v0+s19+$0x10 ss:$0x1], $0xffff;
	s18 =	sadd.s32 $0x1, s18;
	[tilespmem:s31+$0xFFFFFFC0] =	vst v57  }
0x3f: {  	v63 =	vld.idx.msk [tilespmem:v0+s19+$0x20 ss:$0x1], $0xffff;
	p1 =	sne.s32 s18, $0x8;
	[tilespmem:s31+$0xFFFFFFD0] =	vst v58  }
.Ltmp4:
0x40: {  	[tilespmem:s31+$0xFFFFFFE0] =	vst v59;
	(pc) =	sbr.rel @p1 .LBB1_4-.Ltmp4, $4  }
0x41: {  	[tilespmem:s31+$0xFFFFFFF0] =	vst v60  }
0x42: {  	[tilespmem:s31+$0x0] =	vst v61  }
0x43: {  	[tilespmem:s31+$0x10] =	vst v62  }
0x44: {  	s16 =	sadd.s32 $0x80, s16;
	s17 =	sadd.s32 $0x400, s17;
	[tilespmem:s31+$0x20] =	vst v63  }
.Ltmp5:
0x45: {  	(pc) =	sbr.rel @p0 .LBB1_3-.Ltmp5, $2  }
0x46: {  	_ =	sdelay $0x2  }
0x47: {  	s16 =	simm.s32 $0x2000;
	p1 =	por $0x0, $0x0  }
.Ltmp6:
0x48: {  	(pc) =	sbr.rel .LBB1_9-.Ltmp6, $4  }
0x49: {  	_ = 	snop  }
0x4a: {  	s12 =	sshll.u32 s12, $0xA  }
0x4b: {  	s12 =	sadd.s32 s4, s12  }
0x4c: {  	[hbm4b:s12+s8] =	stream.linear.scatter [tilespmem:s13], [sflag:$0x2], $0x4000, $0x38;
	[tilespmem:$0x10000] =	vst v63  }
.LBB1_10:
0x4d: {  	_ =	sfence.sel $0x180000  }
0x4e: {  	s2 =	simm.s32 $0x1;
	[bflag:$0x0] =	sbarrier.arrive $0xFFFF  }
0x4f: {  	s31 =	simm.s32 $0x2;
	[sflag:s2] =	ssyncpa.u1 $0x1  }
0x50: {  	[sflag:s31] =	ssyncpa.u1 $0x1  }
0x51: {  	p0 =	sne.s32 s0, $0x0;
	_ =	strace $0x90000047  }
0x52: {  	s0 =	sadd.s32 @!p0 $0x100000, s1;
	[bflag:$0x2] =	sbarrier.arrive $0xFFFF  }
0x53: {  	[sflag:s0] =	ssyncadd.tile.s32 @!p0 $0x1;
	_ =	shalt  }
.Lfunc_end1:
_tile_overlayer_lowered:
.L_overlay_start_2:
0x54: {  	(tag) =	ssettag $0x2  }
0x55: {  	s0 =	rddreg [dreg:$0x0];
	s2 =	stileid.u32  }
0x56: {  	s1 =	rddreg [dreg:$0x1];
	p0 =	sne.s32 s2, $0x0  }
0x57: {  	s3 =	rddreg [dreg:$0x2];
	[bflag:$0x3] =	sbarrier.arrive $0xFFFF;
	s2 =	simm.s32 @!p0 $0x1C01  }
0x58: {  	[timem:s3], [sflag:s2] =	dma.local @!p0 [hbm:s0], s1  }
0x59: {  	s0 =	simm.s32 @!p0 $0x1  }
0x5a: {  	_ =	swait.ge @!p0 [sflag:s0], s1  }
0x5b: {  	s1 =	ssub.s32 @!p0 $0x0, s1;
	[sflag:s0] =	ssyncset.done @!p0 $0x0  }
0x5c: {  	[sflag:s0] =	ssyncadd.s32 @!p0 s1  }
0x5d: {  	[bflag:$0x3] =	sbarrier.arrive $0xFFFF  }
0x5e: {  	_ =	shalt  }

</sc_bundles>
